<compile_context>
chip_gen: v7x
topology: tpu7x:2x2x1
jax: 0.10.2.dev20260603
libtpu: 0.0.44.dev20260713+nightly
codegen_flags: <defaults>
</compile_context>

<pallas_src>
import functools

import jax
import jax.numpy as jnp
from jax import lax
from jax.experimental import pallas as pl
from jax.experimental.pallas import tpu as pltpu
from jax.experimental.pallas import tpu_sc as plsc

V = 100000
D = 128
B = 4096
L = 200

NW = 32
BPW = B // NW
NG = BPW // 16
VBLK = 25600


def _s_table_body(emb_ref, w_ref, b_ref, s_ref, b16_ref):
    w_row = w_ref[...]
    for g in range(VBLK // 128):
        e_g = emb_ref[pl.ds(g * 128, 128), :]
        p = lax.dot_general(
            w_row, e_g, (((1,), (1,)), ((), ())),
            preferred_element_type=jnp.float32)
        s_ref[pl.ds(g * 128, 128)] = p.reshape(128)
    b16_ref[...] = jnp.full((16,), b_ref[0], jnp.float32)


def _compute_s_table(emb, w, b):
    return pl.pallas_call(
        _s_table_body,
        grid=(pl.cdiv(V, VBLK),),
        in_specs=[
            pl.BlockSpec((VBLK, D), lambda i: (i, 0)),
            pl.BlockSpec((1, D), lambda i: (0, 0)),
            pl.BlockSpec((1,), lambda i: (0,)),
        ],
        out_specs=[
            pl.BlockSpec((VBLK,), lambda i: (i,)),
            pl.BlockSpec((16,), lambda i: (0,)),
        ],
        out_shape=[
            jax.ShapeDtypeStruct((V,), jnp.float32),
            jax.ShapeDtypeStruct((16,), jnp.float32),
        ],
        compiler_params=pltpu.CompilerParams(
            dimension_semantics=("parallel",)),
    )(emb, w, b)


def _make_sc_kernel():
    mesh = plsc.VectorSubcoreMesh(core_axis_name="c", subcore_axis_name="s")

    @functools.partial(
        pl.kernel,
        mesh=mesh,
        out_type=jax.ShapeDtypeStruct((B,), jnp.float32),
        scratch_types=[
            pltpu.VMEM((V,), jnp.float32),
            pltpu.VMEM((L, BPW), jnp.int32),
            pltpu.VMEM((BPW,), jnp.float32),
            pltpu.VMEM((16,), jnp.float32),
            pltpu.SemaphoreType.DMA,
            pltpu.SemaphoreType.DMA,
            pltpu.SemaphoreType.DMA,
        ],
        compiler_params=pltpu.CompilerParams(needs_layout_passes=False),
    )
    def sc_pool(s_hbm, xt_hbm, b_hbm, out_hbm, s_v, idx_v, out_v, b_v,
                sem0, sem1, sem2):
        wid = lax.axis_index("s") * 2 + lax.axis_index("c")
        cp_s = pltpu.async_copy(s_hbm, s_v, sem0)
        cp_x = pltpu.async_copy(
            xt_hbm.at[:, pl.ds(wid * BPW, BPW)], idx_v, sem1)
        cp_b = pltpu.async_copy(b_hbm, b_v, sem2)
        cp_s.wait()
        cp_x.wait()
        cp_b.wait()
        bvec = b_v[...]

        def body(j, accs):
            return tuple(
                accs[g] + plsc.load_gather(
                    s_v, [idx_v[j, pl.ds(g * 16, 16)]])
                for g in range(NG)
            )

        accs = lax.fori_loop(
            0, L, body,
            tuple(jnp.zeros((16,), jnp.float32) for _ in range(NG)),
            unroll=4)
        for g in range(NG):
            z = accs[g] * (1.0 / L) + bvec
            e = jnp.exp(-2.0 * jnp.abs(z))
            t = (1.0 - e) / (1.0 + e)
            out_v[pl.ds(g * 16, 16)] = jnp.where(z < 0.0, -t, t)
        pltpu.sync_copy(out_v, out_hbm.at[pl.ds(wid * BPW, BPW)])

    return sc_pool


_sc_pool = _make_sc_kernel()


@jax.jit
def kernel(x, emb, W, b):
    s, b16 = _compute_s_table(emb, W, b)
    out = _sc_pool(s, x.T, b16)
    return out.reshape(B, 1)

# --- scband reference (transcript-rebuilt; emitter-appended) ---
"""Pipeline reference for scband-emotion-predictor-45792941310084 (READ-ONLY COPY).

The authoritative reference and input builder live on the scoring server;
editing this copy changes nothing except your own understanding.
"""

import jax, jax.numpy as jnp
import numpy as np

VOCAB = 100000
D_MODEL = 128
B = 4096
L = 200

def setup_inputs(seed: int = 0) -> dict:
    key = jax.random.key(seed)
    k1, k2, k3, k4 = jax.random.split(key, 4)
    x = jax.random.randint(k1, (B, L), 0, VOCAB, dtype=jnp.int64 if jax.config.jax_enable_x64 else jnp.int32).astype(jnp.int32)
    emb = jax.random.normal(k2, (VOCAB, D_MODEL), dtype=jnp.float32)
    emb = emb.at[0].set(0.0)  # padding_idx=0
    W = jax.random.normal(k3, (1, D_MODEL), dtype=jnp.float32) * (1.0 / np.sqrt(D_MODEL))
    b = jax.random.normal(k4, (1,), dtype=jnp.float32) * 0.01
    return {"x": x, "emb": emb, "W": W, "b": b}

def reference(x, emb, W, b):
    # embedding lookup (gather)
    e = jnp.take(emb, x, axis=0)          # [B, L, D]
    averaged = jnp.mean(e, axis=1)         # [B, D]
    full_layer = averaged @ W.T + b        # [B, 1]
    return jnp.tanh(full_layer)

if __name__ == "__main__":
    import jax
    _d = setup_inputs()
    print(jax.jit(kernel)(*tuple(_d.values())))

</pallas_src>

<mosaic_0001>
#map = affine_map<(d0, d1) -> (0)>
#map1 = affine_map<(d0, d1) -> (0, 0)>
module attributes {stable_mosaic.version = 14 : i64} {
  func.func @sc_pool(%arg0: i32, %arg1: i32, %arg2: memref<100000xf32, #tpu.memory_space<hbm>>, %arg3: memref<200x4096xi32, #tpu.memory_space<hbm>>, %arg4: memref<16xf32, #tpu.memory_space<hbm>>, %arg5: memref<4096xf32, #tpu.memory_space<hbm>>, %arg6: memref<100000xf32, #tpu.memory_space<vmem>>, %arg7: memref<200x128xi32, #tpu.memory_space<vmem>>, %arg8: memref<128xf32, #tpu.memory_space<vmem>>, %arg9: memref<16xf32, #tpu.memory_space<vmem>>, %arg10: memref<!tpu.dma_semaphore, #tpu.memory_space<semaphore_mem>>, %arg11: memref<!tpu.dma_semaphore, #tpu.memory_space<semaphore_mem>>, %arg12: memref<!tpu.dma_semaphore, #tpu.memory_space<semaphore_mem>>) attributes {dimension_semantics = [#tpu.dimension_semantics<core_parallel>, #tpu.dimension_semantics<subcore_parallel>], iteration_bounds = array<i64: 2, 16>, scalar_prefetch = 0 : i64, scratch_operands = 7 : i64, tpu.core_type = #tpu.core_type<sc_vector_subcore>, window_params = [{transform_indices = #map}, {transform_indices = #map1}, {transform_indices = #map}, {transform_indices = #map}]} {
    %mul3A = arith.constant 2 : i32
    %mul3A_0 = arith.muli %arg1, %mul3A : i32
    %add3A = arith.addi %mul3A_0, %arg0 : i32
    tpu.enqueue_dma source(%arg2 : memref<100000xf32, #tpu.memory_space<hbm>>) target(%arg6 : memref<100000xf32, #tpu.memory_space<vmem>>) target_semaphore(%arg10 : memref<!tpu.dma_semaphore, #tpu.memory_space<semaphore_mem>>)
    %mul3A_1 = arith.constant 128 : i32
    %mul3A_2 = arith.muli %add3A, %mul3A_1 : i32
    %dma_start3A = arith.constant 0 : i32
    %dma_start3A_3 = tpu.memref_slice %arg3[%dma_start3A, %mul3A_2] : memref<200x4096xi32, #tpu.memory_space<hbm>> -> memref<200x128xi32, #tpu.memory_space<hbm>>
    %dma_start3A_4 = arith.constant 0 : i32
    %dma_start3A_5 = tpu.memref_slice %arg3[%dma_start3A_4, %mul3A_2] : memref<200x4096xi32, #tpu.memory_space<hbm>> -> memref<200x128xi32, #tpu.memory_space<hbm>>
    tpu.enqueue_dma source(%dma_start3A_5 : memref<200x128xi32, #tpu.memory_space<hbm>>) target(%arg7 : memref<200x128xi32, #tpu.memory_space<vmem>>) target_semaphore(%arg11 : memref<!tpu.dma_semaphore, #tpu.memory_space<semaphore_mem>>)
    tpu.enqueue_dma source(%arg4 : memref<16xf32, #tpu.memory_space<hbm>>) target(%arg9 : memref<16xf32, #tpu.memory_space<vmem>>) target_semaphore(%arg12 : memref<!tpu.dma_semaphore, #tpu.memory_space<semaphore_mem>>)
    tpu.wait_dma2 semaphore(%arg10 : memref<!tpu.dma_semaphore, #tpu.memory_space<semaphore_mem>>) src(%arg2 : memref<100000xf32, #tpu.memory_space<hbm>>) dst(%arg6 : memref<100000xf32, #tpu.memory_space<vmem>>)
    %dma_wait3A = arith.constant 0 : i32
    %dma_wait3A_6 = tpu.memref_slice %arg3[%dma_wait3A, %mul3A_2] : memref<200x4096xi32, #tpu.memory_space<hbm>> -> memref<200x128xi32, #tpu.memory_space<hbm>>
    %dma_wait3A_7 = arith.constant 0 : i32
    %dma_wait3A_8 = tpu.memref_slice %arg3[%dma_wait3A_7, %mul3A_2] : memref<200x4096xi32, #tpu.memory_space<hbm>> -> memref<200x128xi32, #tpu.memory_space<hbm>>
    tpu.wait_dma2 semaphore(%arg11 : memref<!tpu.dma_semaphore, #tpu.memory_space<semaphore_mem>>) src(%dma_wait3A_8 : memref<200x128xi32, #tpu.memory_space<hbm>>) dst(%arg7 : memref<200x128xi32, #tpu.memory_space<vmem>>)
    tpu.wait_dma2 semaphore(%arg12 : memref<!tpu.dma_semaphore, #tpu.memory_space<semaphore_mem>>) src(%arg4 : memref<16xf32, #tpu.memory_space<hbm>>) dst(%arg9 : memref<16xf32, #tpu.memory_space<vmem>>)
    %get3A = arith.constant 0 : index
    %get3A_9 = tpu.vector_load %arg9[%get3A] {strides = array<i32>} : memref<16xf32, #tpu.memory_space<vmem>>, vector<16xf32>,
    %broadcast_in_dim3A = arith.constant 0.000000e+00 : f32
    %broadcast_in_dim3A_10 = vector.broadcast %broadcast_in_dim3A : f32 to vector<16xf32>
    %broadcast_in_dim3A_11 = arith.constant 0.000000e+00 : f32
    %broadcast_in_dim3A_12 = vector.broadcast %broadcast_in_dim3A_11 : f32 to vector<16xf32>
    %broadcast_in_dim3A_13 = arith.constant 0.000000e+00 : f32
    %broadcast_in_dim3A_14 = vector.broadcast %broadcast_in_dim3A_13 : f32 to vector<16xf32>
    %broadcast_in_dim3A_15 = arith.constant 0.000000e+00 : f32
    %broadcast_in_dim3A_16 = vector.broadcast %broadcast_in_dim3A_15 : f32 to vector<16xf32>
    %broadcast_in_dim3A_17 = arith.constant 0.000000e+00 : f32
    %broadcast_in_dim3A_18 = vector.broadcast %broadcast_in_dim3A_17 : f32 to vector<16xf32>
    %broadcast_in_dim3A_19 = arith.constant 0.000000e+00 : f32
    %broadcast_in_dim3A_20 = vector.broadcast %broadcast_in_dim3A_19 : f32 to vector<16xf32>
    %broadcast_in_dim3A_21 = arith.constant 0.000000e+00 : f32
    %broadcast_in_dim3A_22 = vector.broadcast %broadcast_in_dim3A_21 : f32 to vector<16xf32>
    %broadcast_in_dim3A_23 = arith.constant 0.000000e+00 : f32
    %broadcast_in_dim3A_24 = vector.broadcast %broadcast_in_dim3A_23 : f32 to vector<16xf32>
    %scan3A = arith.constant 0 : i32
    %scan3A_25 = arith.constant 200 : i32
    %scan3A_26 = arith.addi %scan3A, %scan3A_25 : i32
    %scan3A_27 = arith.constant 4 : i32
    %scan3A_28:8 = scf.for %scan3A_224 = %scan3A to %scan3A_26 step %scan3A_27 iter_args(%scan3A_225 = %broadcast_in_dim3A_10, %scan3A_226 = %broadcast_in_dim3A_12, %scan3A_227 = %broadcast_in_dim3A_14, %scan3A_228 = %broadcast_in_dim3A_16, %scan3A_229 = %broadcast_in_dim3A_18, %scan3A_230 = %broadcast_in_dim3A_20, %scan3A_231 = %broadcast_in_dim3A_22, %scan3A_232 = %broadcast_in_dim3A_24) -> (vector<16xf32>, vector<16xf32>, vector<16xf32>, vector<16xf32>, vector<16xf32>, vector<16xf32>, vector<16xf32>, vector<16xf32>)  : i32 {
      %get3A_233 = arith.index_cast %scan3A_224 : i32 to index
      %get3A_234 = arith.constant 0 : index
      %get3A_235 = tpu.vector_load %arg7[%get3A_233, %get3A_234] {strides = array<i32>} : memref<200x128xi32, #tpu.memory_space<vmem>>, vector<16xi32>,
      %gather3A = tpu.vector_load_idx %arg6[%get3A_235] : memref<100000xf32, #tpu.memory_space<vmem>>[vector<16xi32>], vector<16xf32>,
      %add3A_236 = arith.addf %scan3A_225, %gather3A : vector<16xf32>
      %get3A_237 = arith.index_cast %scan3A_224 : i32 to index
      %get3A_238 = arith.constant 16 : index
      %get3A_239 = tpu.vector_load %arg7[%get3A_237, %get3A_238] {strides = array<i32>} : memref<200x128xi32, #tpu.memory_space<vmem>>, vector<16xi32>,
      %gather3A_240 = tpu.vector_load_idx %arg6[%get3A_239] : memref<100000xf32, #tpu.memory_space<vmem>>[vector<16xi32>], vector<16xf32>,
      %add3A_241 = arith.addf %scan3A_226, %gather3A_240 : vector<16xf32>
      %get3A_242 = arith.index_cast %scan3A_224 : i32 to index
      %get3A_243 = arith.constant 32 : index
      %get3A_244 = tpu.vector_load %arg7[%get3A_242, %get3A_243] {strides = array<i32>} : memref<200x128xi32, #tpu.memory_space<vmem>>, vector<16xi32>,
      %gather3A_245 = tpu.vector_load_idx %arg6[%get3A_244] : memref<100000xf32, #tpu.memory_space<vmem>>[vector<16xi32>], vector<16xf32>,
      %add3A_246 = arith.addf %scan3A_227, %gather3A_245 : vector<16xf32>
      %get3A_247 = arith.index_cast %scan3A_224 : i32 to index
      %get3A_248 = arith.constant 48 : index
      %get3A_249 = tpu.vector_load %arg7[%get3A_247, %get3A_248] {strides = array<i32>} : memref<200x128xi32, #tpu.memory_space<vmem>>, vector<16xi32>,
      %gather3A_250 = tpu.vector_load_idx %arg6[%get3A_249] : memref<100000xf32, #tpu.memory_space<vmem>>[vector<16xi32>], vector<16xf32>,
      %add3A_251 = arith.addf %scan3A_228, %gather3A_250 : vector<16xf32>
      %get3A_252 = arith.index_cast %scan3A_224 : i32 to index
      %get3A_253 = arith.constant 64 : index
      %get3A_254 = tpu.vector_load %arg7[%get3A_252, %get3A_253] {strides = array<i32>} : memref<200x128xi32, #tpu.memory_space<vmem>>, vector<16xi32>,
      %gather3A_255 = tpu.vector_load_idx %arg6[%get3A_254] : memref<100000xf32, #tpu.memory_space<vmem>>[vector<16xi32>], vector<16xf32>,
      %add3A_256 = arith.addf %scan3A_229, %gather3A_255 : vector<16xf32>
      %get3A_257 = arith.index_cast %scan3A_224 : i32 to index
      %get3A_258 = arith.constant 80 : index
      %get3A_259 = tpu.vector_load %arg7[%get3A_257, %get3A_258] {strides = array<i32>} : memref<200x128xi32, #tpu.memory_space<vmem>>, vector<16xi32>,
      %gather3A_260 = tpu.vector_load_idx %arg6[%get3A_259] : memref<100000xf32, #tpu.memory_space<vmem>>[vector<16xi32>], vector<16xf32>,
      %add3A_261 = arith.addf %scan3A_230, %gather3A_260 : vector<16xf32>
      %get3A_262 = arith.index_cast %scan3A_224 : i32 to index
      %get3A_263 = arith.constant 96 : index
      %get3A_264 = tpu.vector_load %arg7[%get3A_262, %get3A_263] {strides = array<i32>} : memref<200x128xi32, #tpu.memory_space<vmem>>, vector<16xi32>,
      %gather3A_265 = tpu.vector_load_idx %arg6[%get3A_264] : memref<100000xf32, #tpu.memory_space<vmem>>[vector<16xi32>], vector<16xf32>,
      %add3A_266 = arith.addf %scan3A_231, %gather3A_265 : vector<16xf32>
      %get3A_267 = arith.index_cast %scan3A_224 : i32 to index
      %get3A_268 = arith.constant 112 : index
      %get3A_269 = tpu.vector_load %arg7[%get3A_267, %get3A_268] {strides = array<i32>} : memref<200x128xi32, #tpu.memory_space<vmem>>, vector<16xi32>,
      %gather3A_270 = tpu.vector_load_idx %arg6[%get3A_269] : memref<100000xf32, #tpu.memory_space<vmem>>[vector<16xi32>], vector<16xf32>,
      %add3A_271 = arith.addf %scan3A_232, %gather3A_270 : vector<16xf32>
      %scan3A_272 = arith.constant 1 : i32
      %scan3A_273 = arith.addi %scan3A_224, %scan3A_272 : i32
      %get3A_274 = arith.index_cast %scan3A_273 : i32 to index
      %get3A_275 = arith.constant 0 : index
      %get3A_276 = tpu.vector_load %arg7[%get3A_274, %get3A_275] {strides = array<i32>} : memref<200x128xi32, #tpu.memory_space<vmem>>, vector<16xi32>,
      %gather3A_277 = tpu.vector_load_idx %arg6[%get3A_276] : memref<100000xf32, #tpu.memory_space<vmem>>[vector<16xi32>], vector<16xf32>,
      %add3A_278 = arith.addf %add3A_236, %gather3A_277 : vector<16xf32>
      %get3A_279 = arith.index_cast %scan3A_273 : i32 to index
      %get3A_280 = arith.constant 16 : index
      %get3A_281 = tpu.vector_load %arg7[%get3A_279, %get3A_280] {strides = array<i32>} : memref<200x128xi32, #tpu.memory_space<vmem>>, vector<16xi32>,
      %gather3A_282 = tpu.vector_load_idx %arg6[%get3A_281] : memref<100000xf32, #tpu.memory_space<vmem>>[vector<16xi32>], vector<16xf32>,
      %add3A_283 = arith.addf %add3A_241, %gather3A_282 : vector<16xf32>
      %get3A_284 = arith.index_cast %scan3A_273 : i32 to index
      %get3A_285 = arith.constant 32 : index
      %get3A_286 = tpu.vector_load %arg7[%get3A_284, %get3A_285] {strides = array<i32>} : memref<200x128xi32, #tpu.memory_space<vmem>>, vector<16xi32>,
      %gather3A_287 = tpu.vector_load_idx %arg6[%get3A_286] : memref<100000xf32, #tpu.memory_space<vmem>>[vector<16xi32>], vector<16xf32>,
      %add3A_288 = arith.addf %add3A_246, %gather3A_287 : vector<16xf32>
      %get3A_289 = arith.index_cast %scan3A_273 : i32 to index
      %get3A_290 = arith.constant 48 : index
      %get3A_291 = tpu.vector_load %arg7[%get3A_289, %get3A_290] {strides = array<i32>} : memref<200x128xi32, #tpu.memory_space<vmem>>, vector<16xi32>,
      %gather3A_292 = tpu.vector_load_idx %arg6[%get3A_291] : memref<100000xf32, #tpu.memory_space<vmem>>[vector<16xi32>], vector<16xf32>,
      %add3A_293 = arith.addf %add3A_251, %gather3A_292 : vector<16xf32>
      %get3A_294 = arith.index_cast %scan3A_273 : i32 to index
      %get3A_295 = arith.constant 64 : index
      %get3A_296 = tpu.vector_load %arg7[%get3A_294, %get3A_295] {strides = array<i32>} : memref<200x128xi32, #tpu.memory_space<vmem>>, vector<16xi32>,
      %gather3A_297 = tpu.vector_load_idx %arg6[%get3A_296] : memref<100000xf32, #tpu.memory_space<vmem>>[vector<16xi32>], vector<16xf32>,
      %add3A_298 = arith.addf %add3A_256, %gather3A_297 : vector<16xf32>
      %get3A_299 = arith.index_cast %scan3A_273 : i32 to index
      %get3A_300 = arith.constant 80 : index
      %get3A_301 = tpu.vector_load %arg7[%get3A_299, %get3A_300] {strides = array<i32>} : memref<200x128xi32, #tpu.memory_space<vmem>>, vector<16xi32>,
      %gather3A_302 = tpu.vector_load_idx %arg6[%get3A_301] : memref<100000xf32, #tpu.memory_space<vmem>>[vector<16xi32>], vector<16xf32>,
      %add3A_303 = arith.addf %add3A_261, %gather3A_302 : vector<16xf32>
      %get3A_304 = arith.index_cast %scan3A_273 : i32 to index
      %get3A_305 = arith.constant 96 : index
      %get3A_306 = tpu.vector_load %arg7[%get3A_304, %get3A_305] {strides = array<i32>} : memref<200x128xi32, #tpu.memory_space<vmem>>, vector<16xi32>,
      %gather3A_307 = tpu.vector_load_idx %arg6[%get3A_306] : memref<100000xf32, #tpu.memory_space<vmem>>[vector<16xi32>], vector<16xf32>,
      %add3A_308 = arith.addf %add3A_266, %gather3A_307 : vector<16xf32>
      %get3A_309 = arith.index_cast %scan3A_273 : i32 to index
      %get3A_310 = arith.constant 112 : index
      %get3A_311 = tpu.vector_load %arg7[%get3A_309, %get3A_310] {strides = array<i32>} : memref<200x128xi32, #tpu.memory_space<vmem>>, vector<16xi32>,
      %gather3A_312 = tpu.vector_load_idx %arg6[%get3A_311] : memref<100000xf32, #tpu.memory_space<vmem>>[vector<16xi32>], vector<16xf32>,
      %add3A_313 = arith.addf %add3A_271, %gather3A_312 : vector<16xf32>
      %scan3A_314 = arith.constant 2 : i32
      %scan3A_315 = arith.addi %scan3A_224, %scan3A_314 : i32
      %get3A_316 = arith.index_cast %scan3A_315 : i32 to index
      %get3A_317 = arith.constant 0 : index
      %get3A_318 = tpu.vector_load %arg7[%get3A_316, %get3A_317] {strides = array<i32>} : memref<200x128xi32, #tpu.memory_space<vmem>>, vector<16xi32>,
      %gather3A_319 = tpu.vector_load_idx %arg6[%get3A_318] : memref<100000xf32, #tpu.memory_space<vmem>>[vector<16xi32>], vector<16xf32>,
      %add3A_320 = arith.addf %add3A_278, %gather3A_319 : vector<16xf32>
      %get3A_321 = arith.index_cast %scan3A_315 : i32 to index
      %get3A_322 = arith.constant 16 : index
      %get3A_323 = tpu.vector_load %arg7[%get3A_321, %get3A_322] {strides = array<i32>} : memref<200x128xi32, #tpu.memory_space<vmem>>, vector<16xi32>,
      %gather3A_324 = tpu.vector_load_idx %arg6[%get3A_323] : memref<100000xf32, #tpu.memory_space<vmem>>[vector<16xi32>], vector<16xf32>,
      %add3A_325 = arith.addf %add3A_283, %gather3A_324 : vector<16xf32>
      %get3A_326 = arith.index_cast %scan3A_315 : i32 to index
      %get3A_327 = arith.constant 32 : index
      %get3A_328 = tpu.vector_load %arg7[%get3A_326, %get3A_327] {strides = array<i32>} : memref<200x128xi32, #tpu.memory_space<vmem>>, vector<16xi32>,
      %gather3A_329 = tpu.vector_load_idx %arg6[%get3A_328] : memref<100000xf32, #tpu.memory_space<vmem>>[vector<16xi32>], vector<16xf32>,
      %add3A_330 = arith.addf %add3A_288, %gather3A_329 : vector<16xf32>
      %get3A_331 = arith.index_cast %scan3A_315 : i32 to index
      %get3A_332 = arith.constant 48 : index
      %get3A_333 = tpu.vector_load %arg7[%get3A_331, %get3A_332] {strides = array<i32>} : memref<200x128xi32, #tpu.memory_space<vmem>>, vector<16xi32>,
      %gather3A_334 = tpu.vector_load_idx %arg6[%get3A_333] : memref<100000xf32, #tpu.memory_space<vmem>>[vector<16xi32>], vector<16xf32>,
      %add3A_335 = arith.addf %add3A_293, %gather3A_334 : vector<16xf32>
      %get3A_336 = arith.index_cast %scan3A_315 : i32 to index
      %get3A_337 = arith.constant 64 : index
      %get3A_338 = tpu.vector_load %arg7[%get3A_336, %get3A_337] {strides = array<i32>} : memref<200x128xi32, #tpu.memory_space<vmem>>, vector<16xi32>,
      %gather3A_339 = tpu.vector_load_idx %arg6[%get3A_338] : memref<100000xf32, #tpu.memory_space<vmem>>[vector<16xi32>], vector<16xf32>,
      %add3A_340 = arith.addf %add3A_298, %gather3A_339 : vector<16xf32>
      %get3A_341 = arith.index_cast %scan3A_315 : i32 to index
      %get3A_342 = arith.constant 80 : index
      %get3A_343 = tpu.vector_load %arg7[%get3A_341, %get3A_342] {strides = array<i32>} : memref<200x128xi32, #tpu.memory_space<vmem>>, vector<16xi32>,
      %gather3A_344 = tpu.vector_load_idx %arg6[%get3A_343] : memref<100000xf32, #tpu.memory_space<vmem>>[vector<16xi32>], vector<16xf32>,
      %add3A_345 = arith.addf %add3A_303, %gather3A_344 : vector<16xf32>
      %get3A_346 = arith.index_cast %scan3A_315 : i32 to index
      %get3A_347 = arith.constant 96 : index
      %get3A_348 = tpu.vector_load %arg7[%get3A_346, %get3A_347] {strides = array<i32>} : memref<200x128xi32, #tpu.memory_space<vmem>>, vector<16xi32>,
      %gather3A_349 = tpu.vector_load_idx %arg6[%get3A_348] : memref<100000xf32, #tpu.memory_space<vmem>>[vector<16xi32>], vector<16xf32>,
      %add3A_350 = arith.addf %add3A_308, %gather3A_349 : vector<16xf32>
      %get3A_351 = arith.index_cast %scan3A_315 : i32 to index
      %get3A_352 = arith.constant 112 : index
      %get3A_353 = tpu.vector_load %arg7[%get3A_351, %get3A_352] {strides = array<i32>} : memref<200x128xi32, #tpu.memory_space<vmem>>, vector<16xi32>,
      %gather3A_354 = tpu.vector_load_idx %arg6[%get3A_353] : memref<100000xf32, #tpu.memory_space<vmem>>[vector<16xi32>], vector<16xf32>,
      %add3A_355 = arith.addf %add3A_313, %gather3A_354 : vector<16xf32>
      %scan3A_356 = arith.constant 3 : i32
      %scan3A_357 = arith.addi %scan3A_224, %scan3A_356 : i32
      %get3A_358 = arith.index_cast %scan3A_357 : i32 to index
      %get3A_359 = arith.constant 0 : index
      %get3A_360 = tpu.vector_load %arg7[%get3A_358, %get3A_359] {strides = array<i32>} : memref<200x128xi32, #tpu.memory_space<vmem>>, vector<16xi32>,
      %gather3A_361 = tpu.vector_load_idx %arg6[%get3A_360] : memref<100000xf32, #tpu.memory_space<vmem>>[vector<16xi32>], vector<16xf32>,
      %add3A_362 = arith.addf %add3A_320, %gather3A_361 : vector<16xf32>
      %get3A_363 = arith.index_cast %scan3A_357 : i32 to index
      %get3A_364 = arith.constant 16 : index
      %get3A_365 = tpu.vector_load %arg7[%get3A_363, %get3A_364] {strides = array<i32>} : memref<200x128xi32, #tpu.memory_space<vmem>>, vector<16xi32>,
      %gather3A_366 = tpu.vector_load_idx %arg6[%get3A_365] : memref<100000xf32, #tpu.memory_space<vmem>>[vector<16xi32>], vector<16xf32>,
      %add3A_367 = arith.addf %add3A_325, %gather3A_366 : vector<16xf32>
      %get3A_368 = arith.index_cast %scan3A_357 : i32 to index
      %get3A_369 = arith.constant 32 : index
      %get3A_370 = tpu.vector_load %arg7[%get3A_368, %get3A_369] {strides = array<i32>} : memref<200x128xi32, #tpu.memory_space<vmem>>, vector<16xi32>,
      %gather3A_371 = tpu.vector_load_idx %arg6[%get3A_370] : memref<100000xf32, #tpu.memory_space<vmem>>[vector<16xi32>], vector<16xf32>,
      %add3A_372 = arith.addf %add3A_330, %gather3A_371 : vector<16xf32>
      %get3A_373 = arith.index_cast %scan3A_357 : i32 to index
      %get3A_374 = arith.constant 48 : index
      %get3A_375 = tpu.vector_load %arg7[%get3A_373, %get3A_374] {strides = array<i32>} : memref<200x128xi32, #tpu.memory_space<vmem>>, vector<16xi32>,
      %gather3A_376 = tpu.vector_load_idx %arg6[%get3A_375] : memref<100000xf32, #tpu.memory_space<vmem>>[vector<16xi32>], vector<16xf32>,
      %add3A_377 = arith.addf %add3A_335, %gather3A_376 : vector<16xf32>
      %get3A_378 = arith.index_cast %scan3A_357 : i32 to index
      %get3A_379 = arith.constant 64 : index
      %get3A_380 = tpu.vector_load %arg7[%get3A_378, %get3A_379] {strides = array<i32>} : memref<200x128xi32, #tpu.memory_space<vmem>>, vector<16xi32>,
      %gather3A_381 = tpu.vector_load_idx %arg6[%get3A_380] : memref<100000xf32, #tpu.memory_space<vmem>>[vector<16xi32>], vector<16xf32>,
      %add3A_382 = arith.addf %add3A_340, %gather3A_381 : vector<16xf32>
      %get3A_383 = arith.index_cast %scan3A_357 : i32 to index
      %get3A_384 = arith.constant 80 : index
      %get3A_385 = tpu.vector_load %arg7[%get3A_383, %get3A_384] {strides = array<i32>} : memref<200x128xi32, #tpu.memory_space<vmem>>, vector<16xi32>,
      %gather3A_386 = tpu.vector_load_idx %arg6[%get3A_385] : memref<100000xf32, #tpu.memory_space<vmem>>[vector<16xi32>], vector<16xf32>,
      %add3A_387 = arith.addf %add3A_345, %gather3A_386 : vector<16xf32>
      %get3A_388 = arith.index_cast %scan3A_357 : i32 to index
      %get3A_389 = arith.constant 96 : index
      %get3A_390 = tpu.vector_load %arg7[%get3A_388, %get3A_389] {strides = array<i32>} : memref<200x128xi32, #tpu.memory_space<vmem>>, vector<16xi32>,
      %gather3A_391 = tpu.vector_load_idx %arg6[%get3A_390] : memref<100000xf32, #tpu.memory_space<vmem>>[vector<16xi32>], vector<16xf32>,
      %add3A_392 = arith.addf %add3A_350, %gather3A_391 : vector<16xf32>
      %get3A_393 = arith.index_cast %scan3A_357 : i32 to index
      %get3A_394 = arith.constant 112 : index
      %get3A_395 = tpu.vector_load %arg7[%get3A_393, %get3A_394] {strides = array<i32>} : memref<200x128xi32, #tpu.memory_space<vmem>>, vector<16xi32>,
      %gather3A_396 = tpu.vector_load_idx %arg6[%get3A_395] : memref<100000xf32, #tpu.memory_space<vmem>>[vector<16xi32>], vector<16xf32>,
      %add3A_397 = arith.addf %add3A_355, %gather3A_396 : vector<16xf32>
      scf.yield %add3A_362, %add3A_367, %add3A_372, %add3A_377, %add3A_382, %add3A_387, %add3A_392, %add3A_397 : vector<16xf32>, vector<16xf32>, vector<16xf32>, vector<16xf32>, vector<16xf32>, vector<16xf32>, vector<16xf32>, vector<16xf32>
    }
    %scan3A_29 = arith.constant 200 : i32
    %mul3A_30 = arith.constant 5.000000e-03 : f32
    %mul3A_31 = vector.broadcast %mul3A_30 : f32 to vector<16xf32>
    %mul3A_32 = arith.mulf %scan3A_28#0, %mul3A_31 : vector<16xf32>
    %add3A_33 = arith.addf %mul3A_32, %get3A_9 : vector<16xf32>
    %abs3A = math.absf %add3A_33 : vector<16xf32>
    %mul3A_34 = arith.constant -2.000000e+00 : f32
    %mul3A_35 = vector.broadcast %mul3A_34 : f32 to vector<16xf32>
    %mul3A_36 = arith.mulf %mul3A_35, %abs3A : vector<16xf32>
    %exp3A = math.exp %mul3A_36 : vector<16xf32>
    %sub3A = arith.constant 1.000000e+00 : f32
    %sub3A_37 = vector.broadcast %sub3A : f32 to vector<16xf32>
    %sub3A_38 = arith.subf %sub3A_37, %exp3A : vector<16xf32>
    %add3A_39 = arith.constant 1.000000e+00 : f32
    %add3A_40 = vector.broadcast %add3A_39 : f32 to vector<16xf32>
    %add3A_41 = arith.addf %add3A_40, %exp3A : vector<16xf32>
    %div3A = arith.divf %sub3A_38, %add3A_41 : vector<16xf32>
    %lt3A = arith.constant 0.000000e+00 : f32
    %lt3A_42 = vector.broadcast %lt3A : f32 to vector<16xf32>
    %lt3A_43 = arith.cmpf olt, %add3A_33, %lt3A_42 : vector<16xf32>
    %neg3A = arith.constant 0.000000e+00 : f32
    %neg3A_44 = vector.broadcast %neg3A : f32 to vector<16xf32>
    %neg3A_45 = arith.subf %neg3A_44, %div3A : vector<16xf32>
    %select_n3A = arith.select %lt3A_43, %neg3A_45, %div3A : vector<16xi1>, vector<16xf32>
    %swap3A = arith.constant 0 : index
    %swap3A_46 = tpu.vector_load %arg8[%swap3A] {strides = array<i32>} : memref<128xf32, #tpu.memory_space<vmem>>, vector<16xf32>,
    tpu.vector_store %arg8[%swap3A], %select_n3A {strides = array<i32>} : memref<128xf32, #tpu.memory_space<vmem>>, vector<16xf32>,
    %mul3A_47 = arith.constant 5.000000e-03 : f32
    %mul3A_48 = vector.broadcast %mul3A_47 : f32 to vector<16xf32>
    %mul3A_49 = arith.mulf %scan3A_28#1, %mul3A_48 : vector<16xf32>
    %add3A_50 = arith.addf %mul3A_49, %get3A_9 : vector<16xf32>
    %abs3A_51 = math.absf %add3A_50 : vector<16xf32>
    %mul3A_52 = arith.constant -2.000000e+00 : f32
    %mul3A_53 = vector.broadcast %mul3A_52 : f32 to vector<16xf32>
    %mul3A_54 = arith.mulf %mul3A_53, %abs3A_51 : vector<16xf32>
    %exp3A_55 = math.exp %mul3A_54 : vector<16xf32>
    %sub3A_56 = arith.constant 1.000000e+00 : f32
    %sub3A_57 = vector.broadcast %sub3A_56 : f32 to vector<16xf32>
    %sub3A_58 = arith.subf %sub3A_57, %exp3A_55 : vector<16xf32>
    %add3A_59 = arith.constant 1.000000e+00 : f32
    %add3A_60 = vector.broadcast %add3A_59 : f32 to vector<16xf32>
    %add3A_61 = arith.addf %add3A_60, %exp3A_55 : vector<16xf32>
    %div3A_62 = arith.divf %sub3A_58, %add3A_61 : vector<16xf32>
    %lt3A_63 = arith.constant 0.000000e+00 : f32
    %lt3A_64 = vector.broadcast %lt3A_63 : f32 to vector<16xf32>
    %lt3A_65 = arith.cmpf olt, %add3A_50, %lt3A_64 : vector<16xf32>
    %neg3A_66 = arith.constant 0.000000e+00 : f32
    %neg3A_67 = vector.broadcast %neg3A_66 : f32 to vector<16xf32>
    %neg3A_68 = arith.subf %neg3A_67, %div3A_62 : vector<16xf32>
    %select_n3A_69 = arith.select %lt3A_65, %neg3A_68, %div3A_62 : vector<16xi1>, vector<16xf32>
    %swap3A_70 = arith.constant 16 : index
    %swap3A_71 = tpu.vector_load %arg8[%swap3A_70] {strides = array<i32>} : memref<128xf32, #tpu.memory_space<vmem>>, vector<16xf32>,
    tpu.vector_store %arg8[%swap3A_70], %select_n3A_69 {strides = array<i32>} : memref<128xf32, #tpu.memory_space<vmem>>, vector<16xf32>,
    %mul3A_72 = arith.constant 5.000000e-03 : f32
    %mul3A_73 = vector.broadcast %mul3A_72 : f32 to vector<16xf32>
    %mul3A_74 = arith.mulf %scan3A_28#2, %mul3A_73 : vector<16xf32>
    %add3A_75 = arith.addf %mul3A_74, %get3A_9 : vector<16xf32>
    %abs3A_76 = math.absf %add3A_75 : vector<16xf32>
    %mul3A_77 = arith.constant -2.000000e+00 : f32
    %mul3A_78 = vector.broadcast %mul3A_77 : f32 to vector<16xf32>
    %mul3A_79 = arith.mulf %mul3A_78, %abs3A_76 : vector<16xf32>
    %exp3A_80 = math.exp %mul3A_79 : vector<16xf32>
    %sub3A_81 = arith.constant 1.000000e+00 : f32
    %sub3A_82 = vector.broadcast %sub3A_81 : f32 to vector<16xf32>
    %sub3A_83 = arith.subf %sub3A_82, %exp3A_80 : vector<16xf32>
    %add3A_84 = arith.constant 1.000000e+00 : f32
    %add3A_85 = vector.broadcast %add3A_84 : f32 to vector<16xf32>
    %add3A_86 = arith.addf %add3A_85, %exp3A_80 : vector<16xf32>
    %div3A_87 = arith.divf %sub3A_83, %add3A_86 : vector<16xf32>
    %lt3A_88 = arith.constant 0.000000e+00 : f32
    %lt3A_89 = vector.broadcast %lt3A_88 : f32 to vector<16xf32>
    %lt3A_90 = arith.cmpf olt, %add3A_75, %lt3A_89 : vector<16xf32>
    %neg3A_91 = arith.constant 0.000000e+00 : f32
    %neg3A_92 = vector.broadcast %neg3A_91 : f32 to vector<16xf32>
    %neg3A_93 = arith.subf %neg3A_92, %div3A_87 : vector<16xf32>
    %select_n3A_94 = arith.select %lt3A_90, %neg3A_93, %div3A_87 : vector<16xi1>, vector<16xf32>
    %swap3A_95 = arith.constant 32 : index
    %swap3A_96 = tpu.vector_load %arg8[%swap3A_95] {strides = array<i32>} : memref<128xf32, #tpu.memory_space<vmem>>, vector<16xf32>,
    tpu.vector_store %arg8[%swap3A_95], %select_n3A_94 {strides = array<i32>} : memref<128xf32, #tpu.memory_space<vmem>>, vector<16xf32>,
    %mul3A_97 = arith.constant 5.000000e-03 : f32
    %mul3A_98 = vector.broadcast %mul3A_97 : f32 to vector<16xf32>
    %mul3A_99 = arith.mulf %scan3A_28#3, %mul3A_98 : vector<16xf32>
    %add3A_100 = arith.addf %mul3A_99, %get3A_9 : vector<16xf32>
    %abs3A_101 = math.absf %add3A_100 : vector<16xf32>
    %mul3A_102 = arith.constant -2.000000e+00 : f32
    %mul3A_103 = vector.broadcast %mul3A_102 : f32 to vector<16xf32>
    %mul3A_104 = arith.mulf %mul3A_103, %abs3A_101 : vector<16xf32>
    %exp3A_105 = math.exp %mul3A_104 : vector<16xf32>
    %sub3A_106 = arith.constant 1.000000e+00 : f32
    %sub3A_107 = vector.broadcast %sub3A_106 : f32 to vector<16xf32>
    %sub3A_108 = arith.subf %sub3A_107, %exp3A_105 : vector<16xf32>
    %add3A_109 = arith.constant 1.000000e+00 : f32
    %add3A_110 = vector.broadcast %add3A_109 : f32 to vector<16xf32>
    %add3A_111 = arith.addf %add3A_110, %exp3A_105 : vector<16xf32>
    %div3A_112 = arith.divf %sub3A_108, %add3A_111 : vector<16xf32>
    %lt3A_113 = arith.constant 0.000000e+00 : f32
    %lt3A_114 = vector.broadcast %lt3A_113 : f32 to vector<16xf32>
    %lt3A_115 = arith.cmpf olt, %add3A_100, %lt3A_114 : vector<16xf32>
    %neg3A_116 = arith.constant 0.000000e+00 : f32
    %neg3A_117 = vector.broadcast %neg3A_116 : f32 to vector<16xf32>
    %neg3A_118 = arith.subf %neg3A_117, %div3A_112 : vector<16xf32>
    %select_n3A_119 = arith.select %lt3A_115, %neg3A_118, %div3A_112 : vector<16xi1>, vector<16xf32>
    %swap3A_120 = arith.constant 48 : index
    %swap3A_121 = tpu.vector_load %arg8[%swap3A_120] {strides = array<i32>} : memref<128xf32, #tpu.memory_space<vmem>>, vector<16xf32>,
    tpu.vector_store %arg8[%swap3A_120], %select_n3A_119 {strides = array<i32>} : memref<128xf32, #tpu.memory_space<vmem>>, vector<16xf32>,
    %mul3A_122 = arith.constant 5.000000e-03 : f32
    %mul3A_123 = vector.broadcast %mul3A_122 : f32 to vector<16xf32>
    %mul3A_124 = arith.mulf %scan3A_28#4, %mul3A_123 : vector<16xf32>
    %add3A_125 = arith.addf %mul3A_124, %get3A_9 : vector<16xf32>
    %abs3A_126 = math.absf %add3A_125 : vector<16xf32>
    %mul3A_127 = arith.constant -2.000000e+00 : f32
    %mul3A_128 = vector.broadcast %mul3A_127 : f32 to vector<16xf32>
    %mul3A_129 = arith.mulf %mul3A_128, %abs3A_126 : vector<16xf32>
    %exp3A_130 = math.exp %mul3A_129 : vector<16xf32>
    %sub3A_131 = arith.constant 1.000000e+00 : f32
    %sub3A_132 = vector.broadcast %sub3A_131 : f32 to vector<16xf32>
    %sub3A_133 = arith.subf %sub3A_132, %exp3A_130 : vector<16xf32>
    %add3A_134 = arith.constant 1.000000e+00 : f32
    %add3A_135 = vector.broadcast %add3A_134 : f32 to vector<16xf32>
    %add3A_136 = arith.addf %add3A_135, %exp3A_130 : vector<16xf32>
    %div3A_137 = arith.divf %sub3A_133, %add3A_136 : vector<16xf32>
    %lt3A_138 = arith.constant 0.000000e+00 : f32
    %lt3A_139 = vector.broadcast %lt3A_138 : f32 to vector<16xf32>
    %lt3A_140 = arith.cmpf olt, %add3A_125, %lt3A_139 : vector<16xf32>
    %neg3A_141 = arith.constant 0.000000e+00 : f32
    %neg3A_142 = vector.broadcast %neg3A_141 : f32 to vector<16xf32>
    %neg3A_143 = arith.subf %neg3A_142, %div3A_137 : vector<16xf32>
    %select_n3A_144 = arith.select %lt3A_140, %neg3A_143, %div3A_137 : vector<16xi1>, vector<16xf32>
    %swap3A_145 = arith.constant 64 : index
    %swap3A_146 = tpu.vector_load %arg8[%swap3A_145] {strides = array<i32>} : memref<128xf32, #tpu.memory_space<vmem>>, vector<16xf32>,
    tpu.vector_store %arg8[%swap3A_145], %select_n3A_144 {strides = array<i32>} : memref<128xf32, #tpu.memory_space<vmem>>, vector<16xf32>,
    %mul3A_147 = arith.constant 5.000000e-03 : f32
    %mul3A_148 = vector.broadcast %mul3A_147 : f32 to vector<16xf32>
    %mul3A_149 = arith.mulf %scan3A_28#5, %mul3A_148 : vector<16xf32>
    %add3A_150 = arith.addf %mul3A_149, %get3A_9 : vector<16xf32>
    %abs3A_151 = math.absf %add3A_150 : vector<16xf32>
    %mul3A_152 = arith.constant -2.000000e+00 : f32
    %mul3A_153 = vector.broadcast %mul3A_152 : f32 to vector<16xf32>
    %mul3A_154 = arith.mulf %mul3A_153, %abs3A_151 : vector<16xf32>
    %exp3A_155 = math.exp %mul3A_154 : vector<16xf32>
    %sub3A_156 = arith.constant 1.000000e+00 : f32
    %sub3A_157 = vector.broadcast %sub3A_156 : f32 to vector<16xf32>
    %sub3A_158 = arith.subf %sub3A_157, %exp3A_155 : vector<16xf32>
    %add3A_159 = arith.constant 1.000000e+00 : f32
    %add3A_160 = vector.broadcast %add3A_159 : f32 to vector<16xf32>
    %add3A_161 = arith.addf %add3A_160, %exp3A_155 : vector<16xf32>
    %div3A_162 = arith.divf %sub3A_158, %add3A_161 : vector<16xf32>
    %lt3A_163 = arith.constant 0.000000e+00 : f32
    %lt3A_164 = vector.broadcast %lt3A_163 : f32 to vector<16xf32>
    %lt3A_165 = arith.cmpf olt, %add3A_150, %lt3A_164 : vector<16xf32>
    %neg3A_166 = arith.constant 0.000000e+00 : f32
    %neg3A_167 = vector.broadcast %neg3A_166 : f32 to vector<16xf32>
    %neg3A_168 = arith.subf %neg3A_167, %div3A_162 : vector<16xf32>
    %select_n3A_169 = arith.select %lt3A_165, %neg3A_168, %div3A_162 : vector<16xi1>, vector<16xf32>
    %swap3A_170 = arith.constant 80 : index
    %swap3A_171 = tpu.vector_load %arg8[%swap3A_170] {strides = array<i32>} : memref<128xf32, #tpu.memory_space<vmem>>, vector<16xf32>,
    tpu.vector_store %arg8[%swap3A_170], %select_n3A_169 {strides = array<i32>} : memref<128xf32, #tpu.memory_space<vmem>>, vector<16xf32>,
    %mul3A_172 = arith.constant 5.000000e-03 : f32
    %mul3A_173 = vector.broadcast %mul3A_172 : f32 to vector<16xf32>
    %mul3A_174 = arith.mulf %scan3A_28#6, %mul3A_173 : vector<16xf32>
    %add3A_175 = arith.addf %mul3A_174, %get3A_9 : vector<16xf32>
    %abs3A_176 = math.absf %add3A_175 : vector<16xf32>
    %mul3A_177 = arith.constant -2.000000e+00 : f32
    %mul3A_178 = vector.broadcast %mul3A_177 : f32 to vector<16xf32>
    %mul3A_179 = arith.mulf %mul3A_178, %abs3A_176 : vector<16xf32>
    %exp3A_180 = math.exp %mul3A_179 : vector<16xf32>
    %sub3A_181 = arith.constant 1.000000e+00 : f32
    %sub3A_182 = vector.broadcast %sub3A_181 : f32 to vector<16xf32>
    %sub3A_183 = arith.subf %sub3A_182, %exp3A_180 : vector<16xf32>
    %add3A_184 = arith.constant 1.000000e+00 : f32
    %add3A_185 = vector.broadcast %add3A_184 : f32 to vector<16xf32>
    %add3A_186 = arith.addf %add3A_185, %exp3A_180 : vector<16xf32>
    %div3A_187 = arith.divf %sub3A_183, %add3A_186 : vector<16xf32>
    %lt3A_188 = arith.constant 0.000000e+00 : f32
    %lt3A_189 = vector.broadcast %lt3A_188 : f32 to vector<16xf32>
    %lt3A_190 = arith.cmpf olt, %add3A_175, %lt3A_189 : vector<16xf32>
    %neg3A_191 = arith.constant 0.000000e+00 : f32
    %neg3A_192 = vector.broadcast %neg3A_191 : f32 to vector<16xf32>
    %neg3A_193 = arith.subf %neg3A_192, %div3A_187 : vector<16xf32>
    %select_n3A_194 = arith.select %lt3A_190, %neg3A_193, %div3A_187 : vector<16xi1>, vector<16xf32>
    %swap3A_195 = arith.constant 96 : index
    %swap3A_196 = tpu.vector_load %arg8[%swap3A_195] {strides = array<i32>} : memref<128xf32, #tpu.memory_space<vmem>>, vector<16xf32>,
    tpu.vector_store %arg8[%swap3A_195], %select_n3A_194 {strides = array<i32>} : memref<128xf32, #tpu.memory_space<vmem>>, vector<16xf32>,
    %mul3A_197 = arith.constant 5.000000e-03 : f32
    %mul3A_198 = vector.broadcast %mul3A_197 : f32 to vector<16xf32>
    %mul3A_199 = arith.mulf %scan3A_28#7, %mul3A_198 : vector<16xf32>
    %add3A_200 = arith.addf %mul3A_199, %get3A_9 : vector<16xf32>
    %abs3A_201 = math.absf %add3A_200 : vector<16xf32>
    %mul3A_202 = arith.constant -2.000000e+00 : f32
    %mul3A_203 = vector.broadcast %mul3A_202 : f32 to vector<16xf32>
    %mul3A_204 = arith.mulf %mul3A_203, %abs3A_201 : vector<16xf32>
    %exp3A_205 = math.exp %mul3A_204 : vector<16xf32>
    %sub3A_206 = arith.constant 1.000000e+00 : f32
    %sub3A_207 = vector.broadcast %sub3A_206 : f32 to vector<16xf32>
    %sub3A_208 = arith.subf %sub3A_207, %exp3A_205 : vector<16xf32>
    %add3A_209 = arith.constant 1.000000e+00 : f32
    %add3A_210 = vector.broadcast %add3A_209 : f32 to vector<16xf32>
    %add3A_211 = arith.addf %add3A_210, %exp3A_205 : vector<16xf32>
    %div3A_212 = arith.divf %sub3A_208, %add3A_211 : vector<16xf32>
    %lt3A_213 = arith.constant 0.000000e+00 : f32
    %lt3A_214 = vector.broadcast %lt3A_213 : f32 to vector<16xf32>
    %lt3A_215 = arith.cmpf olt, %add3A_200, %lt3A_214 : vector<16xf32>
    %neg3A_216 = arith.constant 0.000000e+00 : f32
    %neg3A_217 = vector.broadcast %neg3A_216 : f32 to vector<16xf32>
    %neg3A_218 = arith.subf %neg3A_217, %div3A_212 : vector<16xf32>
    %select_n3A_219 = arith.select %lt3A_215, %neg3A_218, %div3A_212 : vector<16xi1>, vector<16xf32>
    %swap3A_220 = arith.constant 112 : index
    %swap3A_221 = tpu.vector_load %arg8[%swap3A_220] {strides = array<i32>} : memref<128xf32, #tpu.memory_space<vmem>>, vector<16xf32>,
    tpu.vector_store %arg8[%swap3A_220], %select_n3A_219 {strides = array<i32>} : memref<128xf32, #tpu.memory_space<vmem>>, vector<16xf32>,
    %mul3A_222 = arith.constant 128 : i32
    %mul3A_223 = arith.muli %add3A, %mul3A_222 : i32
    "tpu.region"() ({
      %run_scoped3A = tpu.sem_alloc : memref<!tpu.dma_semaphore, #tpu.memory_space<semaphore_mem>>
      %dma_start3A_224 = tpu.memref_slice %arg5[%mul3A_223] : memref<4096xf32, #tpu.memory_space<hbm>> -> memref<128xf32, #tpu.memory_space<hbm>>
      %dma_start3A_225 = tpu.memref_slice %arg5[%mul3A_223] : memref<4096xf32, #tpu.memory_space<hbm>> -> memref<128xf32, #tpu.memory_space<hbm>>
      tpu.enqueue_dma source(%arg8 : memref<128xf32, #tpu.memory_space<vmem>>) target(%dma_start3A_225 : memref<128xf32, #tpu.memory_space<hbm>>) target_semaphore(%run_scoped3A : memref<!tpu.dma_semaphore, #tpu.memory_space<semaphore_mem>>)
      %dma_wait3A_226 = tpu.memref_slice %arg5[%mul3A_223] : memref<4096xf32, #tpu.memory_space<hbm>> -> memref<128xf32, #tpu.memory_space<hbm>>
      %dma_wait3A_227 = tpu.memref_slice %arg5[%mul3A_223] : memref<4096xf32, #tpu.memory_space<hbm>> -> memref<128xf32, #tpu.memory_space<hbm>>
      tpu.wait_dma2 semaphore(%run_scoped3A : memref<!tpu.dma_semaphore, #tpu.memory_space<semaphore_mem>>) src(%arg8 : memref<128xf32, #tpu.memory_space<vmem>>) dst(%dma_wait3A_227 : memref<128xf32, #tpu.memory_space<hbm>>)
      tpu.yield
    }) : () -> ()
    return
  }
}

module attributes {stable_mosaic.version = 14 : i64} {
  func.func @_s_table_body(%arg0: i32, %arg1: memref<25600x128xf32, #tpu.memory_space<vmem>>, %arg2: memref<1x128xf32, #tpu.memory_space<vmem>>, %arg3: memref<1xf32, #tpu.memory_space<vmem>>, %arg4: memref<25600xf32, #tpu.memory_space<vmem>>, %arg5: memref<16xf32, #tpu.memory_space<vmem>>) attributes {dimension_semantics = [#tpu.dimension_semantics<parallel>], iteration_bounds = array<i64: 4>, scalar_prefetch = 0 : i64, scratch_operands = 0 : i64, tpu.core_type = #tpu.core_type<tc>, window_params = [{transform_indices = @transform_0, window_bounds = array<i64: 25600, 128>}, {pipeline_mode = #tpu.pipeline_mode<synchronous>, transform_indices = @transform_1, window_bounds = array<i64: 1, 128>}, {pipeline_mode = #tpu.pipeline_mode<synchronous>, transform_indices = @transform_2, window_bounds = array<i64: 1>}, {transform_indices = @transform_3, window_bounds = array<i64: 25600>}, {pipeline_mode = #tpu.pipeline_mode<synchronous>, transform_indices = @transform_4, window_bounds = array<i64: 16>}]} {
    %get3A = arith.constant 0 : index
    %get3A_0 = arith.constant 0 : index
    %get3A_1 = vector.load %arg2[%get3A, %get3A_0] : memref<1x128xf32, #tpu.memory_space<vmem>>, vector<1x128xf32>
    %get3A_2 = arith.constant 0 : index
    %get3A_3 = arith.constant 0 : index
    %get3A_4 = vector.load %arg1[%get3A_2, %get3A_3] : memref<25600x128xf32, #tpu.memory_space<vmem>>, vector<128x128xf32>
    %dot_general3A = arith.constant dense<0.000000e+00> : vector<1x128xf32>
    %dot_general3A_5 = tpu.matmul %get3A_1, %get3A_4, %dot_general3A {dimension_numbers = #tpu.dot_dimension_numbers<[1], [1], [0], [0], [0, 0, 1, 0], [], []>, transpose_lhs_hint = false} : vector<1x128xf32>, vector<128x128xf32>, vector<1x128xf32> -> vector<1x128xf32>
    %reshape3A = vector.shape_cast %dot_general3A_5 : vector<1x128xf32> to vector<128xf32>
    %swap3A = arith.constant 0 : index
    %swap3A_6 = vector.load %arg4[%swap3A] : memref<25600xf32, #tpu.memory_space<vmem>>, vector<128xf32>
    tpu.vector_store %arg4[%swap3A], %reshape3A {strides = array<i32>} : memref<25600xf32, #tpu.memory_space<vmem>>, vector<128xf32>,
    %get3A_7 = arith.constant 128 : index
    %get3A_8 = arith.constant 0 : index
    %get3A_9 = vector.load %arg1[%get3A_7, %get3A_8] : memref<25600x128xf32, #tpu.memory_space<vmem>>, vector<128x128xf32>
    %dot_general3A_10 = arith.constant dense<0.000000e+00> : vector<1x128xf32>
    %dot_general3A_11 = tpu.matmul %get3A_1, %get3A_9, %dot_general3A_10 {dimension_numbers = #tpu.dot_dimension_numbers<[1], [1], [0], [0], [0, 0, 1, 0], [], []>, transpose_lhs_hint = false} : vector<1x128xf32>, vector<128x128xf32>, vector<1x128xf32> -> vector<1x128xf32>
    %reshape3A_12 = vector.shape_cast %dot_general3A_11 : vector<1x128xf32> to vector<128xf32>
    %swap3A_13 = arith.constant 128 : index
    %swap3A_14 = vector.load %arg4[%swap3A_13] : memref<25600xf32, #tpu.memory_space<vmem>>, vector<128xf32>
    tpu.vector_store %arg4[%swap3A_13], %reshape3A_12 {strides = array<i32>} : memref<25600xf32, #tpu.memory_space<vmem>>, vector<128xf32>,
    %get3A_15 = arith.constant 256 : index
    %get3A_16 = arith.constant 0 : index
    %get3A_17 = vector.load %arg1[%get3A_15, %get3A_16] : memref<25600x128xf32, #tpu.memory_space<vmem>>, vector<128x128xf32>
    %dot_general3A_18 = arith.constant dense<0.000000e+00> : vector<1x128xf32>
    %dot_general3A_19 = tpu.matmul %get3A_1, %get3A_17, %dot_general3A_18 {dimension_numbers = #tpu.dot_dimension_numbers<[1], [1], [0], [0], [0, 0, 1, 0], [], []>, transpose_lhs_hint = false} : vector<1x128xf32>, vector<128x128xf32>, vector<1x128xf32> -> vector<1x128xf32>
    %reshape3A_20 = vector.shape_cast %dot_general3A_19 : vector<1x128xf32> to vector<128xf32>
    %swap3A_21 = arith.constant 256 : index
    %swap3A_22 = vector.load %arg4[%swap3A_21] : memref<25600xf32, #tpu.memory_space<vmem>>, vector<128xf32>
    tpu.vector_store %arg4[%swap3A_21], %reshape3A_20 {strides = array<i32>} : memref<25600xf32, #tpu.memory_space<vmem>>, vector<128xf32>,
    %get3A_23 = arith.constant 384 : index
    %get3A_24 = arith.constant 0 : index
    %get3A_25 = vector.load %arg1[%get3A_23, %get3A_24] : memref<25600x128xf32, #tpu.memory_space<vmem>>, vector<128x128xf32>
    %dot_general3A_26 = arith.constant dense<0.000000e+00> : vector<1x128xf32>
    %dot_general3A_27 = tpu.matmul %get3A_1, %get3A_25, %dot_general3A_26 {dimension_numbers = #tpu.dot_dimension_numbers<[1], [1], [0], [0], [0, 0, 1, 0], [], []>, transpose_lhs_hint = false} : vector<1x128xf32>, vector<128x128xf32>, vector<1x128xf32> -> vector<1x128xf32>
    %reshape3A_28 = vector.shape_cast %dot_general3A_27 : vector<1x128xf32> to vector<128xf32>
    %swap3A_29 = arith.constant 384 : index
    %swap3A_30 = vector.load %arg4[%swap3A_29] : memref<25600xf32, #tpu.memory_space<vmem>>, vector<128xf32>
    tpu.vector_store %arg4[%swap3A_29], %reshape3A_28 {strides = array<i32>} : memref<25600xf32, #tpu.memory_space<vmem>>, vector<128xf32>,
    %get3A_31 = arith.constant 512 : index
    %get3A_32 = arith.constant 0 : index
    %get3A_33 = vector.load %arg1[%get3A_31, %get3A_32] : memref<25600x128xf32, #tpu.memory_space<vmem>>, vector<128x128xf32>
    %dot_general3A_34 = arith.constant dense<0.000000e+00> : vector<1x128xf32>
    %dot_general3A_35 = tpu.matmul %get3A_1, %get3A_33, %dot_general3A_34 {dimension_numbers = #tpu.dot_dimension_numbers<[1], [1], [0], [0], [0, 0, 1, 0], [], []>, transpose_lhs_hint = false} : vector<1x128xf32>, vector<128x128xf32>, vector<1x128xf32> -> vector<1x128xf32>
    %reshape3A_36 = vector.shape_cast %dot_general3A_35 : vector<1x128xf32> to vector<128xf32>
    %swap3A_37 = arith.constant 512 : index
    %swap3A_38 = vector.load %arg4[%swap3A_37] : memref<25600xf32, #tpu.memory_space<vmem>>, vector<128xf32>
    tpu.vector_store %arg4[%swap3A_37], %reshape3A_36 {strides = array<i32>} : memref<25600xf32, #tpu.memory_space<vmem>>, vector<128xf32>,
    %get3A_39 = arith.constant 640 : index
    %get3A_40 = arith.constant 0 : index
    %get3A_41 = vector.load %arg1[%get3A_39, %get3A_40] : memref<25600x128xf32, #tpu.memory_space<vmem>>, vector<128x128xf32>
    %dot_general3A_42 = arith.constant dense<0.000000e+00> : vector<1x128xf32>
    %dot_general3A_43 = tpu.matmul %get3A_1, %get3A_41, %dot_general3A_42 {dimension_numbers = #tpu.dot_dimension_numbers<[1], [1], [0], [0], [0, 0, 1, 0], [], []>, transpose_lhs_hint = false} : vector<1x128xf32>, vector<128x128xf32>, vector<1x128xf32> -> vector<1x128xf32>
    %reshape3A_44 = vector.shape_cast %dot_general3A_43 : vector<1x128xf32> to vector<128xf32>
    %swap3A_45 = arith.constant 640 : index
    %swap3A_46 = vector.load %arg4[%swap3A_45] : memref<25600xf32, #tpu.memory_space<vmem>>, vector<128xf32>
    tpu.vector_store %arg4[%swap3A_45], %reshape3A_44 {strides = array<i32>} : memref<25600xf32, #tpu.memory_space<vmem>>, vector<128xf32>,
    %get3A_47 = arith.constant 768 : index
    %get3A_48 = arith.constant 0 : index
    %get3A_49 = vector.load %arg1[%get3A_47, %get3A_48] : memref<25600x128xf32, #tpu.memory_space<vmem>>, vector<128x128xf32>
    %dot_general3A_50 = arith.constant dense<0.000000e+00> : vector<1x128xf32>
    %dot_general3A_51 = tpu.matmul %get3A_1, %get3A_49, %dot_general3A_50 {dimension_numbers = #tpu.dot_dimension_numbers<[1], [1], [0], [0], [0, 0, 1, 0], [], []>, transpose_lhs_hint = false} : vector<1x128xf32>, vector<128x128xf32>, vector<1x128xf32> -> vector<1x128xf32>
    %reshape3A_52 = vector.shape_cast %dot_general3A_51 : vector<1x128xf32> to vector<128xf32>
    %swap3A_53 = arith.constant 768 : index
    %swap3A_54 = vector.load %arg4[%swap3A_53] : memref<25600xf32, #tpu.memory_space<vmem>>, vector<128xf32>
    tpu.vector_store %arg4[%swap3A_53], %reshape3A_52 {strides = array<i32>} : memref<25600xf32, #tpu.memory_space<vmem>>, vector<128xf32>,
    %get3A_55 = arith.constant 896 : index
    %get3A_56 = arith.constant 0 : index
    %get3A_57 = vector.load %arg1[%get3A_55, %get3A_56] : memref<25600x128xf32, #tpu.memory_space<vmem>>, vector<128x128xf32>
    %dot_general3A_58 = arith.constant dense<0.000000e+00> : vector<1x128xf32>
    %dot_general3A_59 = tpu.matmul %get3A_1, %get3A_57, %dot_general3A_58 {dimension_numbers = #tpu.dot_dimension_numbers<[1], [1], [0], [0], [0, 0, 1, 0], [], []>, transpose_lhs_hint = false} : vector<1x128xf32>, vector<128x128xf32>, vector<1x128xf32> -> vector<1x128xf32>
    %reshape3A_60 = vector.shape_cast %dot_general3A_59 : vector<1x128xf32> to vector<128xf32>
    %swap3A_61 = arith.constant 896 : index
    %swap3A_62 = vector.load %arg4[%swap3A_61] : memref<25600xf32, #tpu.memory_space<vmem>>, vector<128xf32>
    tpu.vector_store %arg4[%swap3A_61], %reshape3A_60 {strides = array<i32>} : memref<25600xf32, #tpu.memory_space<vmem>>, vector<128xf32>,
    %get3A_63 = arith.constant 1024 : index
    %get3A_64 = arith.constant 0 : index
    %get3A_65 = vector.load %arg1[%get3A_63, %get3A_64] : memref<25600x128xf32, #tpu.memory_space<vmem>>, vector<128x128xf32>
    %dot_general3A_66 = arith.constant dense<0.000000e+00> : vector<1x128xf32>
    %dot_general3A_67 = tpu.matmul %get3A_1, %get3A_65, %dot_general3A_66 {dimension_numbers = #tpu.dot_dimension_numbers<[1], [1], [0], [0], [0, 0, 1, 0], [], []>, transpose_lhs_hint = false} : vector<1x128xf32>, vector<128x128xf32>, vector<1x128xf32> -> vector<1x128xf32>
    %reshape3A_68 = vector.shape_cast %dot_general3A_67 : vector<1x128xf32> to vector<128xf32>
    %swap3A_69 = arith.constant 1024 : index
    %swap3A_70 = vector.load %arg4[%swap3A_69] : memref<25600xf32, #tpu.memory_space<vmem>>, vector<128xf32>
    tpu.vector_store %arg4[%swap3A_69], %reshape3A_68 {strides = array<i32>} : memref<25600xf32, #tpu.memory_space<vmem>>, vector<128xf32>,
    %get3A_71 = arith.constant 1152 : index
    %get3A_72 = arith.constant 0 : index
    %get3A_73 = vector.load %arg1[%get3A_71, %get3A_72] : memref<25600x128xf32, #tpu.memory_space<vmem>>, vector<128x128xf32>
    %dot_general3A_74 = arith.constant dense<0.000000e+00> : vector<1x128xf32>
    %dot_general3A_75 = tpu.matmul %get3A_1, %get3A_73, %dot_general3A_74 {dimension_numbers = #tpu.dot_dimension_numbers<[1], [1], [0], [0], [0, 0, 1, 0], [], []>, transpose_lhs_hint = false} : vector<1x128xf32>, vector<128x128xf32>, vector<1x128xf32> -> vector<1x128xf32>
    %reshape3A_76 = vector.shape_cast %dot_general3A_75 : vector<1x128xf32> to vector<128xf32>
    %swap3A_77 = arith.constant 1152 : index
    %swap3A_78 = vector.load %arg4[%swap3A_77] : memref<25600xf32, #tpu.memory_space<vmem>>, vector<128xf32>
    tpu.vector_store %arg4[%swap3A_77], %reshape3A_76 {strides = array<i32>} : memref<25600xf32, #tpu.memory_space<vmem>>, vector<128xf32>,
    %get3A_79 = arith.constant 1280 : index
    %get3A_80 = arith.constant 0 : index
    %get3A_81 = vector.load %arg1[%get3A_79, %get3A_80] : memref<25600x128xf32, #tpu.memory_space<vmem>>, vector<128x128xf32>
    %dot_general3A_82 = arith.constant dense<0.000000e+00> : vector<1x128xf32>
    %dot_general3A_83 = tpu.matmul %get3A_1, %get3A_81, %dot_general3A_82 {dimension_numbers = #tpu.dot_dimension_numbers<[1], [1], [0], [0], [0, 0, 1, 0], [], []>, transpose_lhs_hint = false} : vector<1x128xf32>, vector<128x128xf32>, vector<1x128xf32> -> vector<1x128xf32>
    %reshape3A_84 = vector.shape_cast %dot_general3A_83 : vector<1x128xf32> to vector<128xf32>
    %swap3A_85 = arith.constant 1280 : index
    %swap3A_86 = vector.load %arg4[%swap3A_85] : memref<25600xf32, #tpu.memory_space<vmem>>, vector<128xf32>
    tpu.vector_store %arg4[%swap3A_85], %reshape3A_84 {strides = array<i32>} : memref<25600xf32, #tpu.memory_space<vmem>>, vector<128xf32>,
    %get3A_87 = arith.constant 1408 : index
    %get3A_88 = arith.constant 0 : index
    %get3A_89 = vector.load %arg1[%get3A_87, %get3A_88] : memref<25600x128xf32, #tpu.memory_space<vmem>>, vector<128x128xf32>
    %dot_general3A_90 = arith.constant dense<0.000000e+00> : vector<1x128xf32>
    %dot_general3A_91 = tpu.matmul %get3A_1, %get3A_89, %dot_general3A_90 {dimension_numbers = #tpu.dot_dimension_numbers<[1], [1], [0], [0], [0, 0, 1, 0], [], []>, transpose_lhs_hint = false} : vector<1x128xf32>, vector<128x128xf32>, vector<1x128xf32> -> vector<1x128xf32>
    %reshape3A_92 = vector.shape_cast %dot_general3A_91 : vector<1x128xf32> to vector<128xf32>
    %swap3A_93 = arith.constant 1408 : index
    %swap3A_94 = vector.load %arg4[%swap3A_93] : memref<25600xf32, #tpu.memory_space<vmem>>, vector<128xf32>
    tpu.vector_store %arg4[%swap3A_93], %reshape3A_92 {strides = array<i32>} : memref<25600xf32, #tpu.memory_space<vmem>>, vector<128xf32>,
    %get3A_95 = arith.constant 1536 : index
    %get3A_96 = arith.constant 0 : index
    %get3A_97 = vector.load %arg1[%get3A_95, %get3A_96] : memref<25600x128xf32, #tpu.memory_space<vmem>>, vector<128x128xf32>
    %dot_general3A_98 = arith.constant dense<0.000000e+00> : vector<1x128xf32>
    %dot_general3A_99 = tpu.matmul %get3A_1, %get3A_97, %dot_general3A_98 {dimension_numbers = #tpu.dot_dimension_numbers<[1], [1], [0], [0], [0, 0, 1, 0], [], []>, transpose_lhs_hint = false} : vector<1x128xf32>, vector<128x128xf32>, vector<1x128xf32> -> vector<1x128xf32>
    %reshape3A_100 = vector.shape_cast %dot_general3A_99 : vector<1x128xf32> to vector<128xf32>
    %swap3A_101 = arith.constant 1536 : index
    %swap3A_102 = vector.load %arg4[%swap3A_101] : memref<25600xf32, #tpu.memory_space<vmem>>, vector<128xf32>
    tpu.vector_store %arg4[%swap3A_101], %reshape3A_100 {strides = array<i32>} : memref<25600xf32, #tpu.memory_space<vmem>>, vector<128xf32>,
    %get3A_103 = arith.constant 1664 : index
    %get3A_104 = arith.constant 0 : index
    %get3A_105 = vector.load %arg1[%get3A_103, %get3A_104] : memref<25600x128xf32, #tpu.memory_space<vmem>>, vector<128x128xf32>
    %dot_general3A_106 = arith.constant dense<0.000000e+00> : vector<1x128xf32>
    %dot_general3A_107 = tpu.matmul %get3A_1, %get3A_105, %dot_general3A_106 {dimension_numbers = #tpu.dot_dimension_numbers<[1], [1], [0], [0], [0, 0, 1, 0], [], []>, transpose_lhs_hint = false} : vector<1x128xf32>, vector<128x128xf32>, vector<1x128xf32> -> vector<1x128xf32>
    %reshape3A_108 = vector.shape_cast %dot_general3A_107 : vector<1x128xf32> to vector<128xf32>
    %swap3A_109 = arith.constant 1664 : index
    %swap3A_110 = vector.load %arg4[%swap3A_109] : memref<25600xf32, #tpu.memory_space<vmem>>, vector<128xf32>
    tpu.vector_store %arg4[%swap3A_109], %reshape3A_108 {strides = array<i32>} : memref<25600xf32, #tpu.memory_space<vmem>>, vector<128xf32>,
    %get3A_111 = arith.constant 1792 : index
    %get3A_112 = arith.constant 0 : index
    %get3A_113 = vector.load %arg1[%get3A_111, %get3A_112] : memref<25600x128xf32, #tpu.memory_space<vmem>>, vector<128x128xf32>
    %dot_general3A_114 = arith.constant dense<0.000000e+00> : vector<1x128xf32>
    %dot_general3A_115 = tpu.matmul %get3A_1, %get3A_113, %dot_general3A_114 {dimension_numbers = #tpu.dot_dimension_numbers<[1], [1], [0], [0], [0, 0, 1, 0], [], []>, transpose_lhs_hint = false} : vector<1x128xf32>, vector<128x128xf32>, vector<1x128xf32> -> vector<1x128xf32>
    %reshape3A_116 = vector.shape_cast %dot_general3A_115 : vector<1x128xf32> to vector<128xf32>
    %swap3A_117 = arith.constant 1792 : index
    %swap3A_118 = vector.load %arg4[%swap3A_117] : memref<25600xf32, #tpu.memory_space<vmem>>, vector<128xf32>
    tpu.vector_store %arg4[%swap3A_117], %reshape3A_116 {strides = array<i32>} : memref<25600xf32, #tpu.memory_space<vmem>>, vector<128xf32>,
    %get3A_119 = arith.constant 1920 : index
    %get3A_120 = arith.constant 0 : index
    %get3A_121 = vector.load %arg1[%get3A_119, %get3A_120] : memref<25600x128xf32, #tpu.memory_space<vmem>>, vector<128x128xf32>
    %dot_general3A_122 = arith.constant dense<0.000000e+00> : vector<1x128xf32>
    %dot_general3A_123 = tpu.matmul %get3A_1, %get3A_121, %dot_general3A_122 {dimension_numbers = #tpu.dot_dimension_numbers<[1], [1], [0], [0], [0, 0, 1, 0], [], []>, transpose_lhs_hint = false} : vector<1x128xf32>, vector<128x128xf32>, vector<1x128xf32> -> vector<1x128xf32>
    %reshape3A_124 = vector.shape_cast %dot_general3A_123 : vector<1x128xf32> to vector<128xf32>
    %swap3A_125 = arith.constant 1920 : index
    %swap3A_126 = vector.load %arg4[%swap3A_125] : memref<25600xf32, #tpu.memory_space<vmem>>, vector<128xf32>
    tpu.vector_store %arg4[%swap3A_125], %reshape3A_124 {strides = array<i32>} : memref<25600xf32, #tpu.memory_space<vmem>>, vector<128xf32>,
    %get3A_127 = arith.constant 2048 : index
    %get3A_128 = arith.constant 0 : index
    %get3A_129 = vector.load %arg1[%get3A_127, %get3A_128] : memref<25600x128xf32, #tpu.memory_space<vmem>>, vector<128x128xf32>
    %dot_general3A_130 = arith.constant dense<0.000000e+00> : vector<1x128xf32>
    %dot_general3A_131 = tpu.matmul %get3A_1, %get3A_129, %dot_general3A_130 {dimension_numbers = #tpu.dot_dimension_numbers<[1], [1], [0], [0], [0, 0, 1, 0], [], []>, transpose_lhs_hint = false} : vector<1x128xf32>, vector<128x128xf32>, vector<1x128xf32> -> vector<1x128xf32>
    %reshape3A_132 = vector.shape_cast %dot_general3A_131 : vector<1x128xf32> to vector<128xf32>
    %swap3A_133 = arith.constant 2048 : index
    %swap3A_134 = vector.load %arg4[%swap3A_133] : memref<25600xf32, #tpu.memory_space<vmem>>, vector<128xf32>
    tpu.vector_store %arg4[%swap3A_133], %reshape3A_132 {strides = array<i32>} : memref<25600xf32, #tpu.memory_space<vmem>>, vector<128xf32>,
    %get3A_135 = arith.constant 2176 : index
    %get3A_136 = arith.constant 0 : index
    %get3A_137 = vector.load %arg1[%get3A_135, %get3A_136] : memref<25600x128xf32, #tpu.memory_space<vmem>>, vector<128x128xf32>
    %dot_general3A_138 = arith.constant dense<0.000000e+00> : vector<1x128xf32>
    %dot_general3A_139 = tpu.matmul %get3A_1, %get3A_137, %dot_general3A_138 {dimension_numbers = #tpu.dot_dimension_numbers<[1], [1], [0], [0], [0, 0, 1, 0], [], []>, transpose_lhs_hint = false} : vector<1x128xf32>, vector<128x128xf32>, vector<1x128xf32> -> vector<1x128xf32>
    %reshape3A_140 = vector.shape_cast %dot_general3A_139 : vector<1x128xf32> to vector<128xf32>
    %swap3A_141 = arith.constant 2176 : index
    %swap3A_142 = vector.load %arg4[%swap3A_141] : memref<25600xf32, #tpu.memory_space<vmem>>, vector<128xf32>
    tpu.vector_store %arg4[%swap3A_141], %reshape3A_140 {strides = array<i32>} : memref<25600xf32, #tpu.memory_space<vmem>>, vector<128xf32>,
    %get3A_143 = arith.constant 2304 : index
    %get3A_144 = arith.constant 0 : index
    %get3A_145 = vector.load %arg1[%get3A_143, %get3A_144] : memref<25600x128xf32, #tpu.memory_space<vmem>>, vector<128x128xf32>
    %dot_general3A_146 = arith.constant dense<0.000000e+00> : vector<1x128xf32>
    %dot_general3A_147 = tpu.matmul %get3A_1, %get3A_145, %dot_general3A_146 {dimension_numbers = #tpu.dot_dimension_numbers<[1], [1], [0], [0], [0, 0, 1, 0], [], []>, transpose_lhs_hint = false} : vector<1x128xf32>, vector<128x128xf32>, vector<1x128xf32> -> vector<1x128xf32>
    %reshape3A_148 = vector.shape_cast %dot_general3A_147 : vector<1x128xf32> to vector<128xf32>
    %swap3A_149 = arith.constant 2304 : index
    %swap3A_150 = vector.load %arg4[%swap3A_149] : memref<25600xf32, #tpu.memory_space<vmem>>, vector<128xf32>
    tpu.vector_store %arg4[%swap3A_149], %reshape3A_148 {strides = array<i32>} : memref<25600xf32, #tpu.memory_space<vmem>>, vector<128xf32>,
    %get3A_151 = arith.constant 2432 : index
    %get3A_152 = arith.constant 0 : index
    %get3A_153 = vector.load %arg1[%get3A_151, %get3A_152] : memref<25600x128xf32, #tpu.memory_space<vmem>>, vector<128x128xf32>
    %dot_general3A_154 = arith.constant dense<0.000000e+00> : vector<1x128xf32>
    %dot_general3A_155 = tpu.matmul %get3A_1, %get3A_153, %dot_general3A_154 {dimension_numbers = #tpu.dot_dimension_numbers<[1], [1], [0], [0], [0, 0, 1, 0], [], []>, transpose_lhs_hint = false} : vector<1x128xf32>, vector<128x128xf32>, vector<1x128xf32> -> vector<1x128xf32>
    %reshape3A_156 = vector.shape_cast %dot_general3A_155 : vector<1x128xf32> to vector<128xf32>
    %swap3A_157 = arith.constant 2432 : index
    %swap3A_158 = vector.load %arg4[%swap3A_157] : memref<25600xf32, #tpu.memory_space<vmem>>, vector<128xf32>
    tpu.vector_store %arg4[%swap3A_157], %reshape3A_156 {strides = array<i32>} : memref<25600xf32, #tpu.memory_space<vmem>>, vector<128xf32>,
    %get3A_159 = arith.constant 2560 : index
    %get3A_160 = arith.constant 0 : index
    %get3A_161 = vector.load %arg1[%get3A_159, %get3A_160] : memref<25600x128xf32, #tpu.memory_space<vmem>>, vector<128x128xf32>
    %dot_general3A_162 = arith.constant dense<0.000000e+00> : vector<1x128xf32>
    %dot_general3A_163 = tpu.matmul %get3A_1, %get3A_161, %dot_general3A_162 {dimension_numbers = #tpu.dot_dimension_numbers<[1], [1], [0], [0], [0, 0, 1, 0], [], []>, transpose_lhs_hint = false} : vector<1x128xf32>, vector<128x128xf32>, vector<1x128xf32> -> vector<1x128xf32>
    %reshape3A_164 = vector.shape_cast %dot_general3A_163 : vector<1x128xf32> to vector<128xf32>
    %swap3A_165 = arith.constant 2560 : index
    %swap3A_166 = vector.load %arg4[%swap3A_165] : memref<25600xf32, #tpu.memory_space<vmem>>, vector<128xf32>
    tpu.vector_store %arg4[%swap3A_165], %reshape3A_164 {strides = array<i32>} : memref<25600xf32, #tpu.memory_space<vmem>>, vector<128xf32>,
    %get3A_167 = arith.constant 2688 : index
    %get3A_168 = arith.constant 0 : index
    %get3A_169 = vector.load %arg1[%get3A_167, %get3A_168] : memref<25600x128xf32, #tpu.memory_space<vmem>>, vector<128x128xf32>
    %dot_general3A_170 = arith.constant dense<0.000000e+00> : vector<1x128xf32>
    %dot_general3A_171 = tpu.matmul %get3A_1, %get3A_169, %dot_general3A_170 {dimension_numbers = #tpu.dot_dimension_numbers<[1], [1], [0], [0], [0, 0, 1, 0], [], []>, transpose_lhs_hint = false} : vector<1x128xf32>, vector<128x128xf32>, vector<1x128xf32> -> vector<1x128xf32>
    %reshape3A_172 = vector.shape_cast %dot_general3A_171 : vector<1x128xf32> to vector<128xf32>
    %swap3A_173 = arith.constant 2688 : index
    %swap3A_174 = vector.load %arg4[%swap3A_173] : memref<25600xf32, #tpu.memory_space<vmem>>, vector<128xf32>
    tpu.vector_store %arg4[%swap3A_173], %reshape3A_172 {strides = array<i32>} : memref<25600xf32, #tpu.memory_space<vmem>>, vector<128xf32>,
    %get3A_175 = arith.constant 2816 : index
    %get3A_176 = arith.constant 0 : index
    %get3A_177 = vector.load %arg1[%get3A_175, %get3A_176] : memref<25600x128xf32, #tpu.memory_space<vmem>>, vector<128x128xf32>
    %dot_general3A_178 = arith.constant dense<0.000000e+00> : vector<1x128xf32>
    %dot_general3A_179 = tpu.matmul %get3A_1, %get3A_177, %dot_general3A_178 {dimension_numbers = #tpu.dot_dimension_numbers<[1], [1], [0], [0], [0, 0, 1, 0], [], []>, transpose_lhs_hint = false} : vector<1x128xf32>, vector<128x128xf32>, vector<1x128xf32> -> vector<1x128xf32>
    %reshape3A_180 = vector.shape_cast %dot_general3A_179 : vector<1x128xf32> to vector<128xf32>
    %swap3A_181 = arith.constant 2816 : index
    %swap3A_182 = vector.load %arg4[%swap3A_181] : memref<25600xf32, #tpu.memory_space<vmem>>, vector<128xf32>
    tpu.vector_store %arg4[%swap3A_181], %reshape3A_180 {strides = array<i32>} : memref<25600xf32, #tpu.memory_space<vmem>>, vector<128xf32>,
    %get3A_183 = arith.constant 2944 : index
    %get3A_184 = arith.constant 0 : index
    %get3A_185 = vector.load %arg1[%get3A_183, %get3A_184] : memref<25600x128xf32, #tpu.memory_space<vmem>>, vector<128x128xf32>
    %dot_general3A_186 = arith.constant dense<0.000000e+00> : vector<1x128xf32>
    %dot_general3A_187 = tpu.matmul %get3A_1, %get3A_185, %dot_general3A_186 {dimension_numbers = #tpu.dot_dimension_numbers<[1], [1], [0], [0], [0, 0, 1, 0], [], []>, transpose_lhs_hint = false} : vector<1x128xf32>, vector<128x128xf32>, vector<1x128xf32> -> vector<1x128xf32>
    %reshape3A_188 = vector.shape_cast %dot_general3A_187 : vector<1x128xf32> to vector<128xf32>
    %swap3A_189 = arith.constant 2944 : index
    %swap3A_190 = vector.load %arg4[%swap3A_189] : memref<25600xf32, #tpu.memory_space<vmem>>, vector<128xf32>
    tpu.vector_store %arg4[%swap3A_189], %reshape3A_188 {strides = array<i32>} : memref<25600xf32, #tpu.memory_space<vmem>>, vector<128xf32>,
    %get3A_191 = arith.constant 3072 : index
    %get3A_192 = arith.constant 0 : index
    %get3A_193 = vector.load %arg1[%get3A_191, %get3A_192] : memref<25600x128xf32, #tpu.memory_space<vmem>>, vector<128x128xf32>
    %dot_general3A_194 = arith.constant dense<0.000000e+00> : vector<1x128xf32>
    %dot_general3A_195 = tpu.matmul %get3A_1, %get3A_193, %dot_general3A_194 {dimension_numbers = #tpu.dot_dimension_numbers<[1], [1], [0], [0], [0, 0, 1, 0], [], []>, transpose_lhs_hint = false} : vector<1x128xf32>, vector<128x128xf32>, vector<1x128xf32> -> vector<1x128xf32>
    %reshape3A_196 = vector.shape_cast %dot_general3A_195 : vector<1x128xf32> to vector<128xf32>
    %swap3A_197 = arith.constant 3072 : index
    %swap3A_198 = vector.load %arg4[%swap3A_197] : memref<25600xf32, #tpu.memory_space<vmem>>, vector<128xf32>
    tpu.vector_store %arg4[%swap3A_197], %reshape3A_196 {strides = array<i32>} : memref<25600xf32, #tpu.memory_space<vmem>>, vector<128xf32>,
    %get3A_199 = arith.constant 3200 : index
    %get3A_200 = arith.constant 0 : index
    %get3A_201 = vector.load %arg1[%get3A_199, %get3A_200] : memref<25600x128xf32, #tpu.memory_space<vmem>>, vector<128x128xf32>
    %dot_general3A_202 = arith.constant dense<0.000000e+00> : vector<1x128xf32>
    %dot_general3A_203 = tpu.matmul %get3A_1, %get3A_201, %dot_general3A_202 {dimension_numbers = #tpu.dot_dimension_numbers<[1], [1], [0], [0], [0, 0, 1, 0], [], []>, transpose_lhs_hint = false} : vector<1x128xf32>, vector<128x128xf32>, vector<1x128xf32> -> vector<1x128xf32>
    %reshape3A_204 = vector.shape_cast %dot_general3A_203 : vector<1x128xf32> to vector<128xf32>
    %swap3A_205 = arith.constant 3200 : index
    %swap3A_206 = vector.load %arg4[%swap3A_205] : memref<25600xf32, #tpu.memory_space<vmem>>, vector<128xf32>
    tpu.vector_store %arg4[%swap3A_205], %reshape3A_204 {strides = array<i32>} : memref<25600xf32, #tpu.memory_space<vmem>>, vector<128xf32>,
    %get3A_207 = arith.constant 3328 : index
    %get3A_208 = arith.constant 0 : index
    %get3A_209 = vector.load %arg1[%get3A_207, %get3A_208] : memref<25600x128xf32, #tpu.memory_space<vmem>>, vector<128x128xf32>
    %dot_general3A_210 = arith.constant dense<0.000000e+00> : vector<1x128xf32>
    %dot_general3A_211 = tpu.matmul %get3A_1, %get3A_209, %dot_general3A_210 {dimension_numbers = #tpu.dot_dimension_numbers<[1], [1], [0], [0], [0, 0, 1, 0], [], []>, transpose_lhs_hint = false} : vector<1x128xf32>, vector<128x128xf32>, vector<1x128xf32> -> vector<1x128xf32>
    %reshape3A_212 = vector.shape_cast %dot_general3A_211 : vector<1x128xf32> to vector<128xf32>
    %swap3A_213 = arith.constant 3328 : index
    %swap3A_214 = vector.load %arg4[%swap3A_213] : memref<25600xf32, #tpu.memory_space<vmem>>, vector<128xf32>
    tpu.vector_store %arg4[%swap3A_213], %reshape3A_212 {strides = array<i32>} : memref<25600xf32, #tpu.memory_space<vmem>>, vector<128xf32>,
    %get3A_215 = arith.constant 3456 : index
    %get3A_216 = arith.constant 0 : index
    %get3A_217 = vector.load %arg1[%get3A_215, %get3A_216] : memref<25600x128xf32, #tpu.memory_space<vmem>>, vector<128x128xf32>
    %dot_general3A_218 = arith.constant dense<0.000000e+00> : vector<1x128xf32>
    %dot_general3A_219 = tpu.matmul %get3A_1, %get3A_217, %dot_general3A_218 {dimension_numbers = #tpu.dot_dimension_numbers<[1], [1], [0], [0], [0, 0, 1, 0], [], []>, transpose_lhs_hint = false} : vector<1x128xf32>, vector<128x128xf32>, vector<1x128xf32> -> vector<1x128xf32>
    %reshape3A_220 = vector.shape_cast %dot_general3A_219 : vector<1x128xf32> to vector<128xf32>
    %swap3A_221 = arith.constant 3456 : index
    %swap3A_222 = vector.load %arg4[%swap3A_221] : memref<25600xf32, #tpu.memory_space<vmem>>, vector<128xf32>
    tpu.vector_store %arg4[%swap3A_221], %reshape3A_220 {strides = array<i32>} : memref<25600xf32, #tpu.memory_space<vmem>>, vector<128xf32>,
    %get3A_223 = arith.constant 3584 : index
    %get3A_224 = arith.constant 0 : index
    %get3A_225 = vector.load %arg1[%get3A_223, %get3A_224] : memref<25600x128xf32, #tpu.memory_space<vmem>>, vector<128x128xf32>
    %dot_general3A_226 = arith.constant dense<0.000000e+00> : vector<1x128xf32>
    %dot_general3A_227 = tpu.matmul %get3A_1, %get3A_225, %dot_general3A_226 {dimension_numbers = #tpu.dot_dimension_numbers<[1], [1], [0], [0], [0, 0, 1, 0], [], []>, transpose_lhs_hint = false} : vector<1x128xf32>, vector<128x128xf32>, vector<1x128xf32> -> vector<1x128xf32>
    %reshape3A_228 = vector.shape_cast %dot_general3A_227 : vector<1x128xf32> to vector<128xf32>
    %swap3A_229 = arith.constant 3584 : index
    %swap3A_230 = vector.load %arg4[%swap3A_229] : memref<25600xf32, #tpu.memory_space<vmem>>, vector<128xf32>
    tpu.vector_store %arg4[%swap3A_229], %reshape3A_228 {strides = array<i32>} : memref<25600xf32, #tpu.memory_space<vmem>>, vector<128xf32>,
    %get3A_231 = arith.constant 3712 : index
    %get3A_232 = arith.constant 0 : index
    %get3A_233 = vector.load %arg1[%get3A_231, %get3A_232] : memref<25600x128xf32, #tpu.memory_space<vmem>>, vector<128x128xf32>
    %dot_general3A_234 = arith.constant dense<0.000000e+00> : vector<1x128xf32>
    %dot_general3A_235 = tpu.matmul %get3A_1, %get3A_233, %dot_general3A_234 {dimension_numbers = #tpu.dot_dimension_numbers<[1], [1], [0], [0], [0, 0, 1, 0], [], []>, transpose_lhs_hint = false} : vector<1x128xf32>, vector<128x128xf32>, vector<1x128xf32> -> vector<1x128xf32>
    %reshape3A_236 = vector.shape_cast %dot_general3A_235 : vector<1x128xf32> to vector<128xf32>
    %swap3A_237 = arith.constant 3712 : index
    %swap3A_238 = vector.load %arg4[%swap3A_237] : memref<25600xf32, #tpu.memory_space<vmem>>, vector<128xf32>
    tpu.vector_store %arg4[%swap3A_237], %reshape3A_236 {strides = array<i32>} : memref<25600xf32, #tpu.memory_space<vmem>>, vector<128xf32>,
    %get3A_239 = arith.constant 3840 : index
    %get3A_240 = arith.constant 0 : index
    %get3A_241 = vector.load %arg1[%get3A_239, %get3A_240] : memref<25600x128xf32, #tpu.memory_space<vmem>>, vector<128x128xf32>
    %dot_general3A_242 = arith.constant dense<0.000000e+00> : vector<1x128xf32>
    %dot_general3A_243 = tpu.matmul %get3A_1, %get3A_241, %dot_general3A_242 {dimension_numbers = #tpu.dot_dimension_numbers<[1], [1], [0], [0], [0, 0, 1, 0], [], []>, transpose_lhs_hint = false} : vector<1x128xf32>, vector<128x128xf32>, vector<1x128xf32> -> vector<1x128xf32>
    %reshape3A_244 = vector.shape_cast %dot_general3A_243 : vector<1x128xf32> to vector<128xf32>
    %swap3A_245 = arith.constant 3840 : index
    %swap3A_246 = vector.load %arg4[%swap3A_245] : memref<25600xf32, #tpu.memory_space<vmem>>, vector<128xf32>
    tpu.vector_store %arg4[%swap3A_245], %reshape3A_244 {strides = array<i32>} : memref<25600xf32, #tpu.memory_space<vmem>>, vector<128xf32>,
    %get3A_247 = arith.constant 3968 : index
    %get3A_248 = arith.constant 0 : index
    %get3A_249 = vector.load %arg1[%get3A_247, %get3A_248] : memref<25600x128xf32, #tpu.memory_space<vmem>>, vector<128x128xf32>
    %dot_general3A_250 = arith.constant dense<0.000000e+00> : vector<1x128xf32>
    %dot_general3A_251 = tpu.matmul %get3A_1, %get3A_249, %dot_general3A_250 {dimension_numbers = #tpu.dot_dimension_numbers<[1], [1], [0], [0], [0, 0, 1, 0], [], []>, transpose_lhs_hint = false} : vector<1x128xf32>, vector<128x128xf32>, vector<1x128xf32> -> vector<1x128xf32>
    %reshape3A_252 = vector.shape_cast %dot_general3A_251 : vector<1x128xf32> to vector<128xf32>
    %swap3A_253 = arith.constant 3968 : index
    %swap3A_254 = vector.load %arg4[%swap3A_253] : memref<25600xf32, #tpu.memory_space<vmem>>, vector<128xf32>
    tpu.vector_store %arg4[%swap3A_253], %reshape3A_252 {strides = array<i32>} : memref<25600xf32, #tpu.memory_space<vmem>>, vector<128xf32>,
    %get3A_255 = arith.constant 4096 : index
    %get3A_256 = arith.constant 0 : index
    %get3A_257 = vector.load %arg1[%get3A_255, %get3A_256] : memref<25600x128xf32, #tpu.memory_space<vmem>>, vector<128x128xf32>
    %dot_general3A_258 = arith.constant dense<0.000000e+00> : vector<1x128xf32>
    %dot_general3A_259 = tpu.matmul %get3A_1, %get3A_257, %dot_general3A_258 {dimension_numbers = #tpu.dot_dimension_numbers<[1], [1], [0], [0], [0, 0, 1, 0], [], []>, transpose_lhs_hint = false} : vector<1x128xf32>, vector<128x128xf32>, vector<1x128xf32> -> vector<1x128xf32>
    %reshape3A_260 = vector.shape_cast %dot_general3A_259 : vector<1x128xf32> to vector<128xf32>
    %swap3A_261 = arith.constant 4096 : index
    %swap3A_262 = vector.load %arg4[%swap3A_261] : memref<25600xf32, #tpu.memory_space<vmem>>, vector<128xf32>
    tpu.vector_store %arg4[%swap3A_261], %reshape3A_260 {strides = array<i32>} : memref<25600xf32, #tpu.memory_space<vmem>>, vector<128xf32>,
    %get3A_263 = arith.constant 4224 : index
    %get3A_264 = arith.constant 0 : index
    %get3A_265 = vector.load %arg1[%get3A_263, %get3A_264] : memref<25600x128xf32, #tpu.memory_space<vmem>>, vector<128x128xf32>
    %dot_general3A_266 = arith.constant dense<0.000000e+00> : vector<1x128xf32>
    %dot_general3A_267 = tpu.matmul %get3A_1, %get3A_265, %dot_general3A_266 {dimension_numbers = #tpu.dot_dimension_numbers<[1], [1], [0], [0], [0, 0, 1, 0], [], []>, transpose_lhs_hint = false} : vector<1x128xf32>, vector<128x128xf32>, vector<1x128xf32> -> vector<1x128xf32>
    %reshape3A_268 = vector.shape_cast %dot_general3A_267 : vector<1x128xf32> to vector<128xf32>
    %swap3A_269 = arith.constant 4224 : index
    %swap3A_270 = vector.load %arg4[%swap3A_269] : memref<25600xf32, #tpu.memory_space<vmem>>, vector<128xf32>
    tpu.vector_store %arg4[%swap3A_269], %reshape3A_268 {strides = array<i32>} : memref<25600xf32, #tpu.memory_space<vmem>>, vector<128xf32>,
    %get3A_271 = arith.constant 4352 : index
    %get3A_272 = arith.constant 0 : index
    %get3A_273 = vector.load %arg1[%get3A_271, %get3A_272] : memref<25600x128xf32, #tpu.memory_space<vmem>>, vector<128x128xf32>
    %dot_general3A_274 = arith.constant dense<0.000000e+00> : vector<1x128xf32>
    %dot_general3A_275 = tpu.matmul %get3A_1, %get3A_273, %dot_general3A_274 {dimension_numbers = #tpu.dot_dimension_numbers<[1], [1], [0], [0], [0, 0, 1, 0], [], []>, transpose_lhs_hint = false} : vector<1x128xf32>, vector<128x128xf32>, vector<1x128xf32> -> vector<1x128xf32>
    %reshape3A_276 = vector.shape_cast %dot_general3A_275 : vector<1x128xf32> to vector<128xf32>
    %swap3A_277 = arith.constant 4352 : index
    %swap3A_278 = vector.load %arg4[%swap3A_277] : memref<25600xf32, #tpu.memory_space<vmem>>, vector<128xf32>
    tpu.vector_store %arg4[%swap3A_277], %reshape3A_276 {strides = array<i32>} : memref<25600xf32, #tpu.memory_space<vmem>>, vector<128xf32>,
    %get3A_279 = arith.constant 4480 : index
    %get3A_280 = arith.constant 0 : index
    %get3A_281 = vector.load %arg1[%get3A_279, %get3A_280] : memref<25600x128xf32, #tpu.memory_space<vmem>>, vector<128x128xf32>
    %dot_general3A_282 = arith.constant dense<0.000000e+00> : vector<1x128xf32>
    %dot_general3A_283 = tpu.matmul %get3A_1, %get3A_281, %dot_general3A_282 {dimension_numbers = #tpu.dot_dimension_numbers<[1], [1], [0], [0], [0, 0, 1, 0], [], []>, transpose_lhs_hint = false} : vector<1x128xf32>, vector<128x128xf32>, vector<1x128xf32> -> vector<1x128xf32>
    %reshape3A_284 = vector.shape_cast %dot_general3A_283 : vector<1x128xf32> to vector<128xf32>
    %swap3A_285 = arith.constant 4480 : index
    %swap3A_286 = vector.load %arg4[%swap3A_285] : memref<25600xf32, #tpu.memory_space<vmem>>, vector<128xf32>
    tpu.vector_store %arg4[%swap3A_285], %reshape3A_284 {strides = array<i32>} : memref<25600xf32, #tpu.memory_space<vmem>>, vector<128xf32>,
    %get3A_287 = arith.constant 4608 : index
    %get3A_288 = arith.constant 0 : index
    %get3A_289 = vector.load %arg1[%get3A_287, %get3A_288] : memref<25600x128xf32, #tpu.memory_space<vmem>>, vector<128x128xf32>
    %dot_general3A_290 = arith.constant dense<0.000000e+00> : vector<1x128xf32>
    %dot_general3A_291 = tpu.matmul %get3A_1, %get3A_289, %dot_general3A_290 {dimension_numbers = #tpu.dot_dimension_numbers<[1], [1], [0], [0], [0, 0, 1, 0], [], []>, transpose_lhs_hint = false} : vector<1x128xf32>, vector<128x128xf32>, vector<1x128xf32> -> vector<1x128xf32>
    %reshape3A_292 = vector.shape_cast %dot_general3A_291 : vector<1x128xf32> to vector<128xf32>
    %swap3A_293 = arith.constant 4608 : index
    %swap3A_294 = vector.load %arg4[%swap3A_293] : memref<25600xf32, #tpu.memory_space<vmem>>, vector<128xf32>
    tpu.vector_store %arg4[%swap3A_293], %reshape3A_292 {strides = array<i32>} : memref<25600xf32, #tpu.memory_space<vmem>>, vector<128xf32>,
    %get3A_295 = arith.constant 4736 : index
    %get3A_296 = arith.constant 0 : index
    %get3A_297 = vector.load %arg1[%get3A_295, %get3A_296] : memref<25600x128xf32, #tpu.memory_space<vmem>>, vector<128x128xf32>
    %dot_general3A_298 = arith.constant dense<0.000000e+00> : vector<1x128xf32>
    %dot_general3A_299 = tpu.matmul %get3A_1, %get3A_297, %dot_general3A_298 {dimension_numbers = #tpu.dot_dimension_numbers<[1], [1], [0], [0], [0, 0, 1, 0], [], []>, transpose_lhs_hint = false} : vector<1x128xf32>, vector<128x128xf32>, vector<1x128xf32> -> vector<1x128xf32>
    %reshape3A_300 = vector.shape_cast %dot_general3A_299 : vector<1x128xf32> to vector<128xf32>
    %swap3A_301 = arith.constant 4736 : index
    %swap3A_302 = vector.load %arg4[%swap3A_301] : memref<25600xf32, #tpu.memory_space<vmem>>, vector<128xf32>
    tpu.vector_store %arg4[%swap3A_301], %reshape3A_300 {strides = array<i32>} : memref<25600xf32, #tpu.memory_space<vmem>>, vector<128xf32>,
    %get3A_303 = arith.constant 4864 : index
    %get3A_304 = arith.constant 0 : index
    %get3A_305 = vector.load %arg1[%get3A_303, %get3A_304] : memref<25600x128xf32, #tpu.memory_space<vmem>>, vector<128x128xf32>
    %dot_general3A_306 = arith.constant dense<0.000000e+00> : vector<1x128xf32>
    %dot_general3A_307 = tpu.matmul %get3A_1, %get3A_305, %dot_general3A_306 {dimension_numbers = #tpu.dot_dimension_numbers<[1], [1], [0], [0], [0, 0, 1, 0], [], []>, transpose_lhs_hint = false} : vector<1x128xf32>, vector<128x128xf32>, vector<1x128xf32> -> vector<1x128xf32>
    %reshape3A_308 = vector.shape_cast %dot_general3A_307 : vector<1x128xf32> to vector<128xf32>
    %swap3A_309 = arith.constant 4864 : index
    %swap3A_310 = vector.load %arg4[%swap3A_309] : memref<25600xf32, #tpu.memory_space<vmem>>, vector<128xf32>
    tpu.vector_store %arg4[%swap3A_309], %reshape3A_308 {strides = array<i32>} : memref<25600xf32, #tpu.memory_space<vmem>>, vector<128xf32>,
    %get3A_311 = arith.constant 4992 : index
    %get3A_312 = arith.constant 0 : index
    %get3A_313 = vector.load %arg1[%get3A_311, %get3A_312] : memref<25600x128xf32, #tpu.memory_space<vmem>>, vector<128x128xf32>
    %dot_general3A_314 = arith.constant dense<0.000000e+00> : vector<1x128xf32>
    %dot_general3A_315 = tpu.matmul %get3A_1, %get3A_313, %dot_general3A_314 {dimension_numbers = #tpu.dot_dimension_numbers<[1], [1], [0], [0], [0, 0, 1, 0], [], []>, transpose_lhs_hint = false} : vector<1x128xf32>, vector<128x128xf32>, vector<1x128xf32> -> vector<1x128xf32>
    %reshape3A_316 = vector.shape_cast %dot_general3A_315 : vector<1x128xf32> to vector<128xf32>
    %swap3A_317 = arith.constant 4992 : index
    %swap3A_318 = vector.load %arg4[%swap3A_317] : memref<25600xf32, #tpu.memory_space<vmem>>, vector<128xf32>
    tpu.vector_store %arg4[%swap3A_317], %reshape3A_316 {strides = array<i32>} : memref<25600xf32, #tpu.memory_space<vmem>>, vector<128xf32>,
    %get3A_319 = arith.constant 5120 : index
    %get3A_320 = arith.constant 0 : index
    %get3A_321 = vector.load %arg1[%get3A_319, %get3A_320] : memref<25600x128xf32, #tpu.memory_space<vmem>>, vector<128x128xf32>
    %dot_general3A_322 = arith.constant dense<0.000000e+00> : vector<1x128xf32>
    %dot_general3A_323 = tpu.matmul %get3A_1, %get3A_321, %dot_general3A_322 {dimension_numbers = #tpu.dot_dimension_numbers<[1], [1], [0], [0], [0, 0, 1, 0], [], []>, transpose_lhs_hint = false} : vector<1x128xf32>, vector<128x128xf32>, vector<1x128xf32> -> vector<1x128xf32>
    %reshape3A_324 = vector.shape_cast %dot_general3A_323 : vector<1x128xf32> to vector<128xf32>
    %swap3A_325 = arith.constant 5120 : index
    %swap3A_326 = vector.load %arg4[%swap3A_325] : memref<25600xf32, #tpu.memory_space<vmem>>, vector<128xf32>
    tpu.vector_store %arg4[%swap3A_325], %reshape3A_324 {strides = array<i32>} : memref<25600xf32, #tpu.memory_space<vmem>>, vector<128xf32>,
    %get3A_327 = arith.constant 5248 : index
    %get3A_328 = arith.constant 0 : index
    %get3A_329 = vector.load %arg1[%get3A_327, %get3A_328] : memref<25600x128xf32, #tpu.memory_space<vmem>>, vector<128x128xf32>
    %dot_general3A_330 = arith.constant dense<0.000000e+00> : vector<1x128xf32>
    %dot_general3A_331 = tpu.matmul %get3A_1, %get3A_329, %dot_general3A_330 {dimension_numbers = #tpu.dot_dimension_numbers<[1], [1], [0], [0], [0, 0, 1, 0], [], []>, transpose_lhs_hint = false} : vector<1x128xf32>, vector<128x128xf32>, vector<1x128xf32> -> vector<1x128xf32>
    %reshape3A_332 = vector.shape_cast %dot_general3A_331 : vector<1x128xf32> to vector<128xf32>
    %swap3A_333 = arith.constant 5248 : index
    %swap3A_334 = vector.load %arg4[%swap3A_333] : memref<25600xf32, #tpu.memory_space<vmem>>, vector<128xf32>
    tpu.vector_store %arg4[%swap3A_333], %reshape3A_332 {strides = array<i32>} : memref<25600xf32, #tpu.memory_space<vmem>>, vector<128xf32>,
    %get3A_335 = arith.constant 5376 : index
    %get3A_336 = arith.constant 0 : index
    %get3A_337 = vector.load %arg1[%get3A_335, %get3A_336] : memref<25600x128xf32, #tpu.memory_space<vmem>>, vector<128x128xf32>
    %dot_general3A_338 = arith.constant dense<0.000000e+00> : vector<1x128xf32>
    %dot_general3A_339 = tpu.matmul %get3A_1, %get3A_337, %dot_general3A_338 {dimension_numbers = #tpu.dot_dimension_numbers<[1], [1], [0], [0], [0, 0, 1, 0], [], []>, transpose_lhs_hint = false} : vector<1x128xf32>, vector<128x128xf32>, vector<1x128xf32> -> vector<1x128xf32>
    %reshape3A_340 = vector.shape_cast %dot_general3A_339 : vector<1x128xf32> to vector<128xf32>
    %swap3A_341 = arith.constant 5376 : index
    %swap3A_342 = vector.load %arg4[%swap3A_341] : memref<25600xf32, #tpu.memory_space<vmem>>, vector<128xf32>
    tpu.vector_store %arg4[%swap3A_341], %reshape3A_340 {strides = array<i32>} : memref<25600xf32, #tpu.memory_space<vmem>>, vector<128xf32>,
    %get3A_343 = arith.constant 5504 : index
    %get3A_344 = arith.constant 0 : index
    %get3A_345 = vector.load %arg1[%get3A_343, %get3A_344] : memref<25600x128xf32, #tpu.memory_space<vmem>>, vector<128x128xf32>
    %dot_general3A_346 = arith.constant dense<0.000000e+00> : vector<1x128xf32>
    %dot_general3A_347 = tpu.matmul %get3A_1, %get3A_345, %dot_general3A_346 {dimension_numbers = #tpu.dot_dimension_numbers<[1], [1], [0], [0], [0, 0, 1, 0], [], []>, transpose_lhs_hint = false} : vector<1x128xf32>, vector<128x128xf32>, vector<1x128xf32> -> vector<1x128xf32>
    %reshape3A_348 = vector.shape_cast %dot_general3A_347 : vector<1x128xf32> to vector<128xf32>
    %swap3A_349 = arith.constant 5504 : index
    %swap3A_350 = vector.load %arg4[%swap3A_349] : memref<25600xf32, #tpu.memory_space<vmem>>, vector<128xf32>
    tpu.vector_store %arg4[%swap3A_349], %reshape3A_348 {strides = array<i32>} : memref<25600xf32, #tpu.memory_space<vmem>>, vector<128xf32>,
    %get3A_351 = arith.constant 5632 : index
    %get3A_352 = arith.constant 0 : index
    %get3A_353 = vector.load %arg1[%get3A_351, %get3A_352] : memref<25600x128xf32, #tpu.memory_space<vmem>>, vector<128x128xf32>
    %dot_general3A_354 = arith.constant dense<0.000000e+00> : vector<1x128xf32>
    %dot_general3A_355 = tpu.matmul %get3A_1, %get3A_353, %dot_general3A_354 {dimension_numbers = #tpu.dot_dimension_numbers<[1], [1], [0], [0], [0, 0, 1, 0], [], []>, transpose_lhs_hint = false} : vector<1x128xf32>, vector<128x128xf32>, vector<1x128xf32> -> vector<1x128xf32>
    %reshape3A_356 = vector.shape_cast %dot_general3A_355 : vector<1x128xf32> to vector<128xf32>
    %swap3A_357 = arith.constant 5632 : index
    %swap3A_358 = vector.load %arg4[%swap3A_357] : memref<25600xf32, #tpu.memory_space<vmem>>, vector<128xf32>
    tpu.vector_store %arg4[%swap3A_357], %reshape3A_356 {strides = array<i32>} : memref<25600xf32, #tpu.memory_space<vmem>>, vector<128xf32>,
    %get3A_359 = arith.constant 5760 : index
    %get3A_360 = arith.constant 0 : index
    %get3A_361 = vector.load %arg1[%get3A_359, %get3A_360] : memref<25600x128xf32, #tpu.memory_space<vmem>>, vector<128x128xf32>
    %dot_general3A_362 = arith.constant dense<0.000000e+00> : vector<1x128xf32>
    %dot_general3A_363 = tpu.matmul %get3A_1, %get3A_361, %dot_general3A_362 {dimension_numbers = #tpu.dot_dimension_numbers<[1], [1], [0], [0], [0, 0, 1, 0], [], []>, transpose_lhs_hint = false} : vector<1x128xf32>, vector<128x128xf32>, vector<1x128xf32> -> vector<1x128xf32>
    %reshape3A_364 = vector.shape_cast %dot_general3A_363 : vector<1x128xf32> to vector<128xf32>
    %swap3A_365 = arith.constant 5760 : index
    %swap3A_366 = vector.load %arg4[%swap3A_365] : memref<25600xf32, #tpu.memory_space<vmem>>, vector<128xf32>
    tpu.vector_store %arg4[%swap3A_365], %reshape3A_364 {strides = array<i32>} : memref<25600xf32, #tpu.memory_space<vmem>>, vector<128xf32>,
    %get3A_367 = arith.constant 5888 : index
    %get3A_368 = arith.constant 0 : index
    %get3A_369 = vector.load %arg1[%get3A_367, %get3A_368] : memref<25600x128xf32, #tpu.memory_space<vmem>>, vector<128x128xf32>
    %dot_general3A_370 = arith.constant dense<0.000000e+00> : vector<1x128xf32>
    %dot_general3A_371 = tpu.matmul %get3A_1, %get3A_369, %dot_general3A_370 {dimension_numbers = #tpu.dot_dimension_numbers<[1], [1], [0], [0], [0, 0, 1, 0], [], []>, transpose_lhs_hint = false} : vector<1x128xf32>, vector<128x128xf32>, vector<1x128xf32> -> vector<1x128xf32>
    %reshape3A_372 = vector.shape_cast %dot_general3A_371 : vector<1x128xf32> to vector<128xf32>
    %swap3A_373 = arith.constant 5888 : index
    %swap3A_374 = vector.load %arg4[%swap3A_373] : memref<25600xf32, #tpu.memory_space<vmem>>, vector<128xf32>
    tpu.vector_store %arg4[%swap3A_373], %reshape3A_372 {strides = array<i32>} : memref<25600xf32, #tpu.memory_space<vmem>>, vector<128xf32>,
    %get3A_375 = arith.constant 6016 : index
    %get3A_376 = arith.constant 0 : index
    %get3A_377 = vector.load %arg1[%get3A_375, %get3A_376] : memref<25600x128xf32, #tpu.memory_space<vmem>>, vector<128x128xf32>
    %dot_general3A_378 = arith.constant dense<0.000000e+00> : vector<1x128xf32>
    %dot_general3A_379 = tpu.matmul %get3A_1, %get3A_377, %dot_general3A_378 {dimension_numbers = #tpu.dot_dimension_numbers<[1], [1], [0], [0], [0, 0, 1, 0], [], []>, transpose_lhs_hint = false} : vector<1x128xf32>, vector<128x128xf32>, vector<1x128xf32> -> vector<1x128xf32>
    %reshape3A_380 = vector.shape_cast %dot_general3A_379 : vector<1x128xf32> to vector<128xf32>
    %swap3A_381 = arith.constant 6016 : index
    %swap3A_382 = vector.load %arg4[%swap3A_381] : memref<25600xf32, #tpu.memory_space<vmem>>, vector<128xf32>
    tpu.vector_store %arg4[%swap3A_381], %reshape3A_380 {strides = array<i32>} : memref<25600xf32, #tpu.memory_space<vmem>>, vector<128xf32>,
    %get3A_383 = arith.constant 6144 : index
    %get3A_384 = arith.constant 0 : index
    %get3A_385 = vector.load %arg1[%get3A_383, %get3A_384] : memref<25600x128xf32, #tpu.memory_space<vmem>>, vector<128x128xf32>
    %dot_general3A_386 = arith.constant dense<0.000000e+00> : vector<1x128xf32>
    %dot_general3A_387 = tpu.matmul %get3A_1, %get3A_385, %dot_general3A_386 {dimension_numbers = #tpu.dot_dimension_numbers<[1], [1], [0], [0], [0, 0, 1, 0], [], []>, transpose_lhs_hint = false} : vector<1x128xf32>, vector<128x128xf32>, vector<1x128xf32> -> vector<1x128xf32>
    %reshape3A_388 = vector.shape_cast %dot_general3A_387 : vector<1x128xf32> to vector<128xf32>
    %swap3A_389 = arith.constant 6144 : index
    %swap3A_390 = vector.load %arg4[%swap3A_389] : memref<25600xf32, #tpu.memory_space<vmem>>, vector<128xf32>
    tpu.vector_store %arg4[%swap3A_389], %reshape3A_388 {strides = array<i32>} : memref<25600xf32, #tpu.memory_space<vmem>>, vector<128xf32>,
    %get3A_391 = arith.constant 6272 : index
    %get3A_392 = arith.constant 0 : index
    %get3A_393 = vector.load %arg1[%get3A_391, %get3A_392] : memref<25600x128xf32, #tpu.memory_space<vmem>>, vector<128x128xf32>
    %dot_general3A_394 = arith.constant dense<0.000000e+00> : vector<1x128xf32>
    %dot_general3A_395 = tpu.matmul %get3A_1, %get3A_393, %dot_general3A_394 {dimension_numbers = #tpu.dot_dimension_numbers<[1], [1], [0], [0], [0, 0, 1, 0], [], []>, transpose_lhs_hint = false} : vector<1x128xf32>, vector<128x128xf32>, vector<1x128xf32> -> vector<1x128xf32>
    %reshape3A_396 = vector.shape_cast %dot_general3A_395 : vector<1x128xf32> to vector<128xf32>
    %swap3A_397 = arith.constant 6272 : index
    %swap3A_398 = vector.load %arg4[%swap3A_397] : memref<25600xf32, #tpu.memory_space<vmem>>, vector<128xf32>
    tpu.vector_store %arg4[%swap3A_397], %reshape3A_396 {strides = array<i32>} : memref<25600xf32, #tpu.memory_space<vmem>>, vector<128xf32>,
    %get3A_399 = arith.constant 6400 : index
    %get3A_400 = arith.constant 0 : index
    %get3A_401 = vector.load %arg1[%get3A_399, %get3A_400] : memref<25600x128xf32, #tpu.memory_space<vmem>>, vector<128x128xf32>
    %dot_general3A_402 = arith.constant dense<0.000000e+00> : vector<1x128xf32>
    %dot_general3A_403 = tpu.matmul %get3A_1, %get3A_401, %dot_general3A_402 {dimension_numbers = #tpu.dot_dimension_numbers<[1], [1], [0], [0], [0, 0, 1, 0], [], []>, transpose_lhs_hint = false} : vector<1x128xf32>, vector<128x128xf32>, vector<1x128xf32> -> vector<1x128xf32>
    %reshape3A_404 = vector.shape_cast %dot_general3A_403 : vector<1x128xf32> to vector<128xf32>
    %swap3A_405 = arith.constant 6400 : index
    %swap3A_406 = vector.load %arg4[%swap3A_405] : memref<25600xf32, #tpu.memory_space<vmem>>, vector<128xf32>
    tpu.vector_store %arg4[%swap3A_405], %reshape3A_404 {strides = array<i32>} : memref<25600xf32, #tpu.memory_space<vmem>>, vector<128xf32>,
    %get3A_407 = arith.constant 6528 : index
    %get3A_408 = arith.constant 0 : index
    %get3A_409 = vector.load %arg1[%get3A_407, %get3A_408] : memref<25600x128xf32, #tpu.memory_space<vmem>>, vector<128x128xf32>
    %dot_general3A_410 = arith.constant dense<0.000000e+00> : vector<1x128xf32>
    %dot_general3A_411 = tpu.matmul %get3A_1, %get3A_409, %dot_general3A_410 {dimension_numbers = #tpu.dot_dimension_numbers<[1], [1], [0], [0], [0, 0, 1, 0], [], []>, transpose_lhs_hint = false} : vector<1x128xf32>, vector<128x128xf32>, vector<1x128xf32> -> vector<1x128xf32>
    %reshape3A_412 = vector.shape_cast %dot_general3A_411 : vector<1x128xf32> to vector<128xf32>
    %swap3A_413 = arith.constant 6528 : index
    %swap3A_414 = vector.load %arg4[%swap3A_413] : memref<25600xf32, #tpu.memory_space<vmem>>, vector<128xf32>
    tpu.vector_store %arg4[%swap3A_413], %reshape3A_412 {strides = array<i32>} : memref<25600xf32, #tpu.memory_space<vmem>>, vector<128xf32>,
    %get3A_415 = arith.constant 6656 : index
    %get3A_416 = arith.constant 0 : index
    %get3A_417 = vector.load %arg1[%get3A_415, %get3A_416] : memref<25600x128xf32, #tpu.memory_space<vmem>>, vector<128x128xf32>
    %dot_general3A_418 = arith.constant dense<0.000000e+00> : vector<1x128xf32>
    %dot_general3A_419 = tpu.matmul %get3A_1, %get3A_417, %dot_general3A_418 {dimension_numbers = #tpu.dot_dimension_numbers<[1], [1], [0], [0], [0, 0, 1, 0], [], []>, transpose_lhs_hint = false} : vector<1x128xf32>, vector<128x128xf32>, vector<1x128xf32> -> vector<1x128xf32>
    %reshape3A_420 = vector.shape_cast %dot_general3A_419 : vector<1x128xf32> to vector<128xf32>
    %swap3A_421 = arith.constant 6656 : index
    %swap3A_422 = vector.load %arg4[%swap3A_421] : memref<25600xf32, #tpu.memory_space<vmem>>, vector<128xf32>
    tpu.vector_store %arg4[%swap3A_421], %reshape3A_420 {strides = array<i32>} : memref<25600xf32, #tpu.memory_space<vmem>>, vector<128xf32>,
    %get3A_423 = arith.constant 6784 : index
    %get3A_424 = arith.constant 0 : index
    %get3A_425 = vector.load %arg1[%get3A_423, %get3A_424] : memref<25600x128xf32, #tpu.memory_space<vmem>>, vector<128x128xf32>
    %dot_general3A_426 = arith.constant dense<0.000000e+00> : vector<1x128xf32>
    %dot_general3A_427 = tpu.matmul %get3A_1, %get3A_425, %dot_general3A_426 {dimension_numbers = #tpu.dot_dimension_numbers<[1], [1], [0], [0], [0, 0, 1, 0], [], []>, transpose_lhs_hint = false} : vector<1x128xf32>, vector<128x128xf32>, vector<1x128xf32> -> vector<1x128xf32>
    %reshape3A_428 = vector.shape_cast %dot_general3A_427 : vector<1x128xf32> to vector<128xf32>
    %swap3A_429 = arith.constant 6784 : index
    %swap3A_430 = vector.load %arg4[%swap3A_429] : memref<25600xf32, #tpu.memory_space<vmem>>, vector<128xf32>
    tpu.vector_store %arg4[%swap3A_429], %reshape3A_428 {strides = array<i32>} : memref<25600xf32, #tpu.memory_space<vmem>>, vector<128xf32>,
    %get3A_431 = arith.constant 6912 : index
    %get3A_432 = arith.constant 0 : index
    %get3A_433 = vector.load %arg1[%get3A_431, %get3A_432] : memref<25600x128xf32, #tpu.memory_space<vmem>>, vector<128x128xf32>
    %dot_general3A_434 = arith.constant dense<0.000000e+00> : vector<1x128xf32>
    %dot_general3A_435 = tpu.matmul %get3A_1, %get3A_433, %dot_general3A_434 {dimension_numbers = #tpu.dot_dimension_numbers<[1], [1], [0], [0], [0, 0, 1, 0], [], []>, transpose_lhs_hint = false} : vector<1x128xf32>, vector<128x128xf32>, vector<1x128xf32> -> vector<1x128xf32>
    %reshape3A_436 = vector.shape_cast %dot_general3A_435 : vector<1x128xf32> to vector<128xf32>
    %swap3A_437 = arith.constant 6912 : index
    %swap3A_438 = vector.load %arg4[%swap3A_437] : memref<25600xf32, #tpu.memory_space<vmem>>, vector<128xf32>
    tpu.vector_store %arg4[%swap3A_437], %reshape3A_436 {strides = array<i32>} : memref<25600xf32, #tpu.memory_space<vmem>>, vector<128xf32>,
    %get3A_439 = arith.constant 7040 : index
    %get3A_440 = arith.constant 0 : index
    %get3A_441 = vector.load %arg1[%get3A_439, %get3A_440] : memref<25600x128xf32, #tpu.memory_space<vmem>>, vector<128x128xf32>
    %dot_general3A_442 = arith.constant dense<0.000000e+00> : vector<1x128xf32>
    %dot_general3A_443 = tpu.matmul %get3A_1, %get3A_441, %dot_general3A_442 {dimension_numbers = #tpu.dot_dimension_numbers<[1], [1], [0], [0], [0, 0, 1, 0], [], []>, transpose_lhs_hint = false} : vector<1x128xf32>, vector<128x128xf32>, vector<1x128xf32> -> vector<1x128xf32>
    %reshape3A_444 = vector.shape_cast %dot_general3A_443 : vector<1x128xf32> to vector<128xf32>
    %swap3A_445 = arith.constant 7040 : index
    %swap3A_446 = vector.load %arg4[%swap3A_445] : memref<25600xf32, #tpu.memory_space<vmem>>, vector<128xf32>
    tpu.vector_store %arg4[%swap3A_445], %reshape3A_444 {strides = array<i32>} : memref<25600xf32, #tpu.memory_space<vmem>>, vector<128xf32>,
    %get3A_447 = arith.constant 7168 : index
    %get3A_448 = arith.constant 0 : index
    %get3A_449 = vector.load %arg1[%get3A_447, %get3A_448] : memref<25600x128xf32, #tpu.memory_space<vmem>>, vector<128x128xf32>
    %dot_general3A_450 = arith.constant dense<0.000000e+00> : vector<1x128xf32>
    %dot_general3A_451 = tpu.matmul %get3A_1, %get3A_449, %dot_general3A_450 {dimension_numbers = #tpu.dot_dimension_numbers<[1], [1], [0], [0], [0, 0, 1, 0], [], []>, transpose_lhs_hint = false} : vector<1x128xf32>, vector<128x128xf32>, vector<1x128xf32> -> vector<1x128xf32>
    %reshape3A_452 = vector.shape_cast %dot_general3A_451 : vector<1x128xf32> to vector<128xf32>
    %swap3A_453 = arith.constant 7168 : index
    %swap3A_454 = vector.load %arg4[%swap3A_453] : memref<25600xf32, #tpu.memory_space<vmem>>, vector<128xf32>
    tpu.vector_store %arg4[%swap3A_453], %reshape3A_452 {strides = array<i32>} : memref<25600xf32, #tpu.memory_space<vmem>>, vector<128xf32>,
    %get3A_455 = arith.constant 7296 : index
    %get3A_456 = arith.constant 0 : index
    %get3A_457 = vector.load %arg1[%get3A_455, %get3A_456] : memref<25600x128xf32, #tpu.memory_space<vmem>>, vector<128x128xf32>
    %dot_general3A_458 = arith.constant dense<0.000000e+00> : vector<1x128xf32>
    %dot_general3A_459 = tpu.matmul %get3A_1, %get3A_457, %dot_general3A_458 {dimension_numbers = #tpu.dot_dimension_numbers<[1], [1], [0], [0], [0, 0, 1, 0], [], []>, transpose_lhs_hint = false} : vector<1x128xf32>, vector<128x128xf32>, vector<1x128xf32> -> vector<1x128xf32>
    %reshape3A_460 = vector.shape_cast %dot_general3A_459 : vector<1x128xf32> to vector<128xf32>
    %swap3A_461 = arith.constant 7296 : index
    %swap3A_462 = vector.load %arg4[%swap3A_461] : memref<25600xf32, #tpu.memory_space<vmem>>, vector<128xf32>
    tpu.vector_store %arg4[%swap3A_461], %reshape3A_460 {strides = array<i32>} : memref<25600xf32, #tpu.memory_space<vmem>>, vector<128xf32>,
    %get3A_463 = arith.constant 7424 : index
    %get3A_464 = arith.constant 0 : index
    %get3A_465 = vector.load %arg1[%get3A_463, %get3A_464] : memref<25600x128xf32, #tpu.memory_space<vmem>>, vector<128x128xf32>
    %dot_general3A_466 = arith.constant dense<0.000000e+00> : vector<1x128xf32>
    %dot_general3A_467 = tpu.matmul %get3A_1, %get3A_465, %dot_general3A_466 {dimension_numbers = #tpu.dot_dimension_numbers<[1], [1], [0], [0], [0, 0, 1, 0], [], []>, transpose_lhs_hint = false} : vector<1x128xf32>, vector<128x128xf32>, vector<1x128xf32> -> vector<1x128xf32>
    %reshape3A_468 = vector.shape_cast %dot_general3A_467 : vector<1x128xf32> to vector<128xf32>
    %swap3A_469 = arith.constant 7424 : index
    %swap3A_470 = vector.load %arg4[%swap3A_469] : memref<25600xf32, #tpu.memory_space<vmem>>, vector<128xf32>
    tpu.vector_store %arg4[%swap3A_469], %reshape3A_468 {strides = array<i32>} : memref<25600xf32, #tpu.memory_space<vmem>>, vector<128xf32>,
    %get3A_471 = arith.constant 7552 : index
    %get3A_472 = arith.constant 0 : index
    %get3A_473 = vector.load %arg1[%get3A_471, %get3A_472] : memref<25600x128xf32, #tpu.memory_space<vmem>>, vector<128x128xf32>
    %dot_general3A_474 = arith.constant dense<0.000000e+00> : vector<1x128xf32>
    %dot_general3A_475 = tpu.matmul %get3A_1, %get3A_473, %dot_general3A_474 {dimension_numbers = #tpu.dot_dimension_numbers<[1], [1], [0], [0], [0, 0, 1, 0], [], []>, transpose_lhs_hint = false} : vector<1x128xf32>, vector<128x128xf32>, vector<1x128xf32> -> vector<1x128xf32>
    %reshape3A_476 = vector.shape_cast %dot_general3A_475 : vector<1x128xf32> to vector<128xf32>
    %swap3A_477 = arith.constant 7552 : index
    %swap3A_478 = vector.load %arg4[%swap3A_477] : memref<25600xf32, #tpu.memory_space<vmem>>, vector<128xf32>
    tpu.vector_store %arg4[%swap3A_477], %reshape3A_476 {strides = array<i32>} : memref<25600xf32, #tpu.memory_space<vmem>>, vector<128xf32>,
    %get3A_479 = arith.constant 7680 : index
    %get3A_480 = arith.constant 0 : index
    %get3A_481 = vector.load %arg1[%get3A_479, %get3A_480] : memref<25600x128xf32, #tpu.memory_space<vmem>>, vector<128x128xf32>
    %dot_general3A_482 = arith.constant dense<0.000000e+00> : vector<1x128xf32>
    %dot_general3A_483 = tpu.matmul %get3A_1, %get3A_481, %dot_general3A_482 {dimension_numbers = #tpu.dot_dimension_numbers<[1], [1], [0], [0], [0, 0, 1, 0], [], []>, transpose_lhs_hint = false} : vector<1x128xf32>, vector<128x128xf32>, vector<1x128xf32> -> vector<1x128xf32>
    %reshape3A_484 = vector.shape_cast %dot_general3A_483 : vector<1x128xf32> to vector<128xf32>
    %swap3A_485 = arith.constant 7680 : index
    %swap3A_486 = vector.load %arg4[%swap3A_485] : memref<25600xf32, #tpu.memory_space<vmem>>, vector<128xf32>
    tpu.vector_store %arg4[%swap3A_485], %reshape3A_484 {strides = array<i32>} : memref<25600xf32, #tpu.memory_space<vmem>>, vector<128xf32>,
    %get3A_487 = arith.constant 7808 : index
    %get3A_488 = arith.constant 0 : index
    %get3A_489 = vector.load %arg1[%get3A_487, %get3A_488] : memref<25600x128xf32, #tpu.memory_space<vmem>>, vector<128x128xf32>
    %dot_general3A_490 = arith.constant dense<0.000000e+00> : vector<1x128xf32>
    %dot_general3A_491 = tpu.matmul %get3A_1, %get3A_489, %dot_general3A_490 {dimension_numbers = #tpu.dot_dimension_numbers<[1], [1], [0], [0], [0, 0, 1, 0], [], []>, transpose_lhs_hint = false} : vector<1x128xf32>, vector<128x128xf32>, vector<1x128xf32> -> vector<1x128xf32>
    %reshape3A_492 = vector.shape_cast %dot_general3A_491 : vector<1x128xf32> to vector<128xf32>
    %swap3A_493 = arith.constant 7808 : index
    %swap3A_494 = vector.load %arg4[%swap3A_493] : memref<25600xf32, #tpu.memory_space<vmem>>, vector<128xf32>
    tpu.vector_store %arg4[%swap3A_493], %reshape3A_492 {strides = array<i32>} : memref<25600xf32, #tpu.memory_space<vmem>>, vector<128xf32>,
    %get3A_495 = arith.constant 7936 : index
    %get3A_496 = arith.constant 0 : index
    %get3A_497 = vector.load %arg1[%get3A_495, %get3A_496] : memref<25600x128xf32, #tpu.memory_space<vmem>>, vector<128x128xf32>
    %dot_general3A_498 = arith.constant dense<0.000000e+00> : vector<1x128xf32>
    %dot_general3A_499 = tpu.matmul %get3A_1, %get3A_497, %dot_general3A_498 {dimension_numbers = #tpu.dot_dimension_numbers<[1], [1], [0], [0], [0, 0, 1, 0], [], []>, transpose_lhs_hint = false} : vector<1x128xf32>, vector<128x128xf32>, vector<1x128xf32> -> vector<1x128xf32>
    %reshape3A_500 = vector.shape_cast %dot_general3A_499 : vector<1x128xf32> to vector<128xf32>
    %swap3A_501 = arith.constant 7936 : index
    %swap3A_502 = vector.load %arg4[%swap3A_501] : memref<25600xf32, #tpu.memory_space<vmem>>, vector<128xf32>
    tpu.vector_store %arg4[%swap3A_501], %reshape3A_500 {strides = array<i32>} : memref<25600xf32, #tpu.memory_space<vmem>>, vector<128xf32>,
    %get3A_503 = arith.constant 8064 : index
    %get3A_504 = arith.constant 0 : index
    %get3A_505 = vector.load %arg1[%get3A_503, %get3A_504] : memref<25600x128xf32, #tpu.memory_space<vmem>>, vector<128x128xf32>
    %dot_general3A_506 = arith.constant dense<0.000000e+00> : vector<1x128xf32>
    %dot_general3A_507 = tpu.matmul %get3A_1, %get3A_505, %dot_general3A_506 {dimension_numbers = #tpu.dot_dimension_numbers<[1], [1], [0], [0], [0, 0, 1, 0], [], []>, transpose_lhs_hint = false} : vector<1x128xf32>, vector<128x128xf32>, vector<1x128xf32> -> vector<1x128xf32>
    %reshape3A_508 = vector.shape_cast %dot_general3A_507 : vector<1x128xf32> to vector<128xf32>
    %swap3A_509 = arith.constant 8064 : index
    %swap3A_510 = vector.load %arg4[%swap3A_509] : memref<25600xf32, #tpu.memory_space<vmem>>, vector<128xf32>
    tpu.vector_store %arg4[%swap3A_509], %reshape3A_508 {strides = array<i32>} : memref<25600xf32, #tpu.memory_space<vmem>>, vector<128xf32>,
    %get3A_511 = arith.constant 8192 : index
    %get3A_512 = arith.constant 0 : index
    %get3A_513 = vector.load %arg1[%get3A_511, %get3A_512] : memref<25600x128xf32, #tpu.memory_space<vmem>>, vector<128x128xf32>
    %dot_general3A_514 = arith.constant dense<0.000000e+00> : vector<1x128xf32>
    %dot_general3A_515 = tpu.matmul %get3A_1, %get3A_513, %dot_general3A_514 {dimension_numbers = #tpu.dot_dimension_numbers<[1], [1], [0], [0], [0, 0, 1, 0], [], []>, transpose_lhs_hint = false} : vector<1x128xf32>, vector<128x128xf32>, vector<1x128xf32> -> vector<1x128xf32>
    %reshape3A_516 = vector.shape_cast %dot_general3A_515 : vector<1x128xf32> to vector<128xf32>
    %swap3A_517 = arith.constant 8192 : index
    %swap3A_518 = vector.load %arg4[%swap3A_517] : memref<25600xf32, #tpu.memory_space<vmem>>, vector<128xf32>
    tpu.vector_store %arg4[%swap3A_517], %reshape3A_516 {strides = array<i32>} : memref<25600xf32, #tpu.memory_space<vmem>>, vector<128xf32>,
    %get3A_519 = arith.constant 8320 : index
    %get3A_520 = arith.constant 0 : index
    %get3A_521 = vector.load %arg1[%get3A_519, %get3A_520] : memref<25600x128xf32, #tpu.memory_space<vmem>>, vector<128x128xf32>
    %dot_general3A_522 = arith.constant dense<0.000000e+00> : vector<1x128xf32>
    %dot_general3A_523 = tpu.matmul %get3A_1, %get3A_521, %dot_general3A_522 {dimension_numbers = #tpu.dot_dimension_numbers<[1], [1], [0], [0], [0, 0, 1, 0], [], []>, transpose_lhs_hint = false} : vector<1x128xf32>, vector<128x128xf32>, vector<1x128xf32> -> vector<1x128xf32>
    %reshape3A_524 = vector.shape_cast %dot_general3A_523 : vector<1x128xf32> to vector<128xf32>
    %swap3A_525 = arith.constant 8320 : index
    %swap3A_526 = vector.load %arg4[%swap3A_525] : memref<25600xf32, #tpu.memory_space<vmem>>, vector<128xf32>
    tpu.vector_store %arg4[%swap3A_525], %reshape3A_524 {strides = array<i32>} : memref<25600xf32, #tpu.memory_space<vmem>>, vector<128xf32>,
    %get3A_527 = arith.constant 8448 : index
    %get3A_528 = arith.constant 0 : index
    %get3A_529 = vector.load %arg1[%get3A_527, %get3A_528] : memref<25600x128xf32, #tpu.memory_space<vmem>>, vector<128x128xf32>
    %dot_general3A_530 = arith.constant dense<0.000000e+00> : vector<1x128xf32>
    %dot_general3A_531 = tpu.matmul %get3A_1, %get3A_529, %dot_general3A_530 {dimension_numbers = #tpu.dot_dimension_numbers<[1], [1], [0], [0], [0, 0, 1, 0], [], []>, transpose_lhs_hint = false} : vector<1x128xf32>, vector<128x128xf32>, vector<1x128xf32> -> vector<1x128xf32>
    %reshape3A_532 = vector.shape_cast %dot_general3A_531 : vector<1x128xf32> to vector<128xf32>
    %swap3A_533 = arith.constant 8448 : index
    %swap3A_534 = vector.load %arg4[%swap3A_533] : memref<25600xf32, #tpu.memory_space<vmem>>, vector<128xf32>
    tpu.vector_store %arg4[%swap3A_533], %reshape3A_532 {strides = array<i32>} : memref<25600xf32, #tpu.memory_space<vmem>>, vector<128xf32>,
    %get3A_535 = arith.constant 8576 : index
    %get3A_536 = arith.constant 0 : index
    %get3A_537 = vector.load %arg1[%get3A_535, %get3A_536] : memref<25600x128xf32, #tpu.memory_space<vmem>>, vector<128x128xf32>
    %dot_general3A_538 = arith.constant dense<0.000000e+00> : vector<1x128xf32>
    %dot_general3A_539 = tpu.matmul %get3A_1, %get3A_537, %dot_general3A_538 {dimension_numbers = #tpu.dot_dimension_numbers<[1], [1], [0], [0], [0, 0, 1, 0], [], []>, transpose_lhs_hint = false} : vector<1x128xf32>, vector<128x128xf32>, vector<1x128xf32> -> vector<1x128xf32>
    %reshape3A_540 = vector.shape_cast %dot_general3A_539 : vector<1x128xf32> to vector<128xf32>
    %swap3A_541 = arith.constant 8576 : index
    %swap3A_542 = vector.load %arg4[%swap3A_541] : memref<25600xf32, #tpu.memory_space<vmem>>, vector<128xf32>
    tpu.vector_store %arg4[%swap3A_541], %reshape3A_540 {strides = array<i32>} : memref<25600xf32, #tpu.memory_space<vmem>>, vector<128xf32>,
    %get3A_543 = arith.constant 8704 : index
    %get3A_544 = arith.constant 0 : index
    %get3A_545 = vector.load %arg1[%get3A_543, %get3A_544] : memref<25600x128xf32, #tpu.memory_space<vmem>>, vector<128x128xf32>
    %dot_general3A_546 = arith.constant dense<0.000000e+00> : vector<1x128xf32>
    %dot_general3A_547 = tpu.matmul %get3A_1, %get3A_545, %dot_general3A_546 {dimension_numbers = #tpu.dot_dimension_numbers<[1], [1], [0], [0], [0, 0, 1, 0], [], []>, transpose_lhs_hint = false} : vector<1x128xf32>, vector<128x128xf32>, vector<1x128xf32> -> vector<1x128xf32>
    %reshape3A_548 = vector.shape_cast %dot_general3A_547 : vector<1x128xf32> to vector<128xf32>
    %swap3A_549 = arith.constant 8704 : index
    %swap3A_550 = vector.load %arg4[%swap3A_549] : memref<25600xf32, #tpu.memory_space<vmem>>, vector<128xf32>
    tpu.vector_store %arg4[%swap3A_549], %reshape3A_548 {strides = array<i32>} : memref<25600xf32, #tpu.memory_space<vmem>>, vector<128xf32>,
    %get3A_551 = arith.constant 8832 : index
    %get3A_552 = arith.constant 0 : index
    %get3A_553 = vector.load %arg1[%get3A_551, %get3A_552] : memref<25600x128xf32, #tpu.memory_space<vmem>>, vector<128x128xf32>
    %dot_general3A_554 = arith.constant dense<0.000000e+00> : vector<1x128xf32>
    %dot_general3A_555 = tpu.matmul %get3A_1, %get3A_553, %dot_general3A_554 {dimension_numbers = #tpu.dot_dimension_numbers<[1], [1], [0], [0], [0, 0, 1, 0], [], []>, transpose_lhs_hint = false} : vector<1x128xf32>, vector<128x128xf32>, vector<1x128xf32> -> vector<1x128xf32>
    %reshape3A_556 = vector.shape_cast %dot_general3A_555 : vector<1x128xf32> to vector<128xf32>
    %swap3A_557 = arith.constant 8832 : index
    %swap3A_558 = vector.load %arg4[%swap3A_557] : memref<25600xf32, #tpu.memory_space<vmem>>, vector<128xf32>
    tpu.vector_store %arg4[%swap3A_557], %reshape3A_556 {strides = array<i32>} : memref<25600xf32, #tpu.memory_space<vmem>>, vector<128xf32>,
    %get3A_559 = arith.constant 8960 : index
    %get3A_560 = arith.constant 0 : index
    %get3A_561 = vector.load %arg1[%get3A_559, %get3A_560] : memref<25600x128xf32, #tpu.memory_space<vmem>>, vector<128x128xf32>
    %dot_general3A_562 = arith.constant dense<0.000000e+00> : vector<1x128xf32>
    %dot_general3A_563 = tpu.matmul %get3A_1, %get3A_561, %dot_general3A_562 {dimension_numbers = #tpu.dot_dimension_numbers<[1], [1], [0], [0], [0, 0, 1, 0], [], []>, transpose_lhs_hint = false} : vector<1x128xf32>, vector<128x128xf32>, vector<1x128xf32> -> vector<1x128xf32>
    %reshape3A_564 = vector.shape_cast %dot_general3A_563 : vector<1x128xf32> to vector<128xf32>
    %swap3A_565 = arith.constant 8960 : index
    %swap3A_566 = vector.load %arg4[%swap3A_565] : memref<25600xf32, #tpu.memory_space<vmem>>, vector<128xf32>
    tpu.vector_store %arg4[%swap3A_565], %reshape3A_564 {strides = array<i32>} : memref<25600xf32, #tpu.memory_space<vmem>>, vector<128xf32>,
    %get3A_567 = arith.constant 9088 : index
    %get3A_568 = arith.constant 0 : index
    %get3A_569 = vector.load %arg1[%get3A_567, %get3A_568] : memref<25600x128xf32, #tpu.memory_space<vmem>>, vector<128x128xf32>
    %dot_general3A_570 = arith.constant dense<0.000000e+00> : vector<1x128xf32>
    %dot_general3A_571 = tpu.matmul %get3A_1, %get3A_569, %dot_general3A_570 {dimension_numbers = #tpu.dot_dimension_numbers<[1], [1], [0], [0], [0, 0, 1, 0], [], []>, transpose_lhs_hint = false} : vector<1x128xf32>, vector<128x128xf32>, vector<1x128xf32> -> vector<1x128xf32>
    %reshape3A_572 = vector.shape_cast %dot_general3A_571 : vector<1x128xf32> to vector<128xf32>
    %swap3A_573 = arith.constant 9088 : index
    %swap3A_574 = vector.load %arg4[%swap3A_573] : memref<25600xf32, #tpu.memory_space<vmem>>, vector<128xf32>
    tpu.vector_store %arg4[%swap3A_573], %reshape3A_572 {strides = array<i32>} : memref<25600xf32, #tpu.memory_space<vmem>>, vector<128xf32>,
    %get3A_575 = arith.constant 9216 : index
    %get3A_576 = arith.constant 0 : index
    %get3A_577 = vector.load %arg1[%get3A_575, %get3A_576] : memref<25600x128xf32, #tpu.memory_space<vmem>>, vector<128x128xf32>
    %dot_general3A_578 = arith.constant dense<0.000000e+00> : vector<1x128xf32>
    %dot_general3A_579 = tpu.matmul %get3A_1, %get3A_577, %dot_general3A_578 {dimension_numbers = #tpu.dot_dimension_numbers<[1], [1], [0], [0], [0, 0, 1, 0], [], []>, transpose_lhs_hint = false} : vector<1x128xf32>, vector<128x128xf32>, vector<1x128xf32> -> vector<1x128xf32>
    %reshape3A_580 = vector.shape_cast %dot_general3A_579 : vector<1x128xf32> to vector<128xf32>
    %swap3A_581 = arith.constant 9216 : index
    %swap3A_582 = vector.load %arg4[%swap3A_581] : memref<25600xf32, #tpu.memory_space<vmem>>, vector<128xf32>
    tpu.vector_store %arg4[%swap3A_581], %reshape3A_580 {strides = array<i32>} : memref<25600xf32, #tpu.memory_space<vmem>>, vector<128xf32>,
    %get3A_583 = arith.constant 9344 : index
    %get3A_584 = arith.constant 0 : index
    %get3A_585 = vector.load %arg1[%get3A_583, %get3A_584] : memref<25600x128xf32, #tpu.memory_space<vmem>>, vector<128x128xf32>
    %dot_general3A_586 = arith.constant dense<0.000000e+00> : vector<1x128xf32>
    %dot_general3A_587 = tpu.matmul %get3A_1, %get3A_585, %dot_general3A_586 {dimension_numbers = #tpu.dot_dimension_numbers<[1], [1], [0], [0], [0, 0, 1, 0], [], []>, transpose_lhs_hint = false} : vector<1x128xf32>, vector<128x128xf32>, vector<1x128xf32> -> vector<1x128xf32>
    %reshape3A_588 = vector.shape_cast %dot_general3A_587 : vector<1x128xf32> to vector<128xf32>
    %swap3A_589 = arith.constant 9344 : index
    %swap3A_590 = vector.load %arg4[%swap3A_589] : memref<25600xf32, #tpu.memory_space<vmem>>, vector<128xf32>
    tpu.vector_store %arg4[%swap3A_589], %reshape3A_588 {strides = array<i32>} : memref<25600xf32, #tpu.memory_space<vmem>>, vector<128xf32>,
    %get3A_591 = arith.constant 9472 : index
    %get3A_592 = arith.constant 0 : index
    %get3A_593 = vector.load %arg1[%get3A_591, %get3A_592] : memref<25600x128xf32, #tpu.memory_space<vmem>>, vector<128x128xf32>
    %dot_general3A_594 = arith.constant dense<0.000000e+00> : vector<1x128xf32>
    %dot_general3A_595 = tpu.matmul %get3A_1, %get3A_593, %dot_general3A_594 {dimension_numbers = #tpu.dot_dimension_numbers<[1], [1], [0], [0], [0, 0, 1, 0], [], []>, transpose_lhs_hint = false} : vector<1x128xf32>, vector<128x128xf32>, vector<1x128xf32> -> vector<1x128xf32>
    %reshape3A_596 = vector.shape_cast %dot_general3A_595 : vector<1x128xf32> to vector<128xf32>
    %swap3A_597 = arith.constant 9472 : index
    %swap3A_598 = vector.load %arg4[%swap3A_597] : memref<25600xf32, #tpu.memory_space<vmem>>, vector<128xf32>
    tpu.vector_store %arg4[%swap3A_597], %reshape3A_596 {strides = array<i32>} : memref<25600xf32, #tpu.memory_space<vmem>>, vector<128xf32>,
    %get3A_599 = arith.constant 9600 : index
    %get3A_600 = arith.constant 0 : index
    %get3A_601 = vector.load %arg1[%get3A_599, %get3A_600] : memref<25600x128xf32, #tpu.memory_space<vmem>>, vector<128x128xf32>
    %dot_general3A_602 = arith.constant dense<0.000000e+00> : vector<1x128xf32>
    %dot_general3A_603 = tpu.matmul %get3A_1, %get3A_601, %dot_general3A_602 {dimension_numbers = #tpu.dot_dimension_numbers<[1], [1], [0], [0], [0, 0, 1, 0], [], []>, transpose_lhs_hint = false} : vector<1x128xf32>, vector<128x128xf32>, vector<1x128xf32> -> vector<1x128xf32>
    %reshape3A_604 = vector.shape_cast %dot_general3A_603 : vector<1x128xf32> to vector<128xf32>
    %swap3A_605 = arith.constant 9600 : index
    %swap3A_606 = vector.load %arg4[%swap3A_605] : memref<25600xf32, #tpu.memory_space<vmem>>, vector<128xf32>
    tpu.vector_store %arg4[%swap3A_605], %reshape3A_604 {strides = array<i32>} : memref<25600xf32, #tpu.memory_space<vmem>>, vector<128xf32>,
    %get3A_607 = arith.constant 9728 : index
    %get3A_608 = arith.constant 0 : index
    %get3A_609 = vector.load %arg1[%get3A_607, %get3A_608] : memref<25600x128xf32, #tpu.memory_space<vmem>>, vector<128x128xf32>
    %dot_general3A_610 = arith.constant dense<0.000000e+00> : vector<1x128xf32>
    %dot_general3A_611 = tpu.matmul %get3A_1, %get3A_609, %dot_general3A_610 {dimension_numbers = #tpu.dot_dimension_numbers<[1], [1], [0], [0], [0, 0, 1, 0], [], []>, transpose_lhs_hint = false} : vector<1x128xf32>, vector<128x128xf32>, vector<1x128xf32> -> vector<1x128xf32>
    %reshape3A_612 = vector.shape_cast %dot_general3A_611 : vector<1x128xf32> to vector<128xf32>
    %swap3A_613 = arith.constant 9728 : index
    %swap3A_614 = vector.load %arg4[%swap3A_613] : memref<25600xf32, #tpu.memory_space<vmem>>, vector<128xf32>
    tpu.vector_store %arg4[%swap3A_613], %reshape3A_612 {strides = array<i32>} : memref<25600xf32, #tpu.memory_space<vmem>>, vector<128xf32>,
    %get3A_615 = arith.constant 9856 : index
    %get3A_616 = arith.constant 0 : index
    %get3A_617 = vector.load %arg1[%get3A_615, %get3A_616] : memref<25600x128xf32, #tpu.memory_space<vmem>>, vector<128x128xf32>
    %dot_general3A_618 = arith.constant dense<0.000000e+00> : vector<1x128xf32>
    %dot_general3A_619 = tpu.matmul %get3A_1, %get3A_617, %dot_general3A_618 {dimension_numbers = #tpu.dot_dimension_numbers<[1], [1], [0], [0], [0, 0, 1, 0], [], []>, transpose_lhs_hint = false} : vector<1x128xf32>, vector<128x128xf32>, vector<1x128xf32> -> vector<1x128xf32>
    %reshape3A_620 = vector.shape_cast %dot_general3A_619 : vector<1x128xf32> to vector<128xf32>
    %swap3A_621 = arith.constant 9856 : index
    %swap3A_622 = vector.load %arg4[%swap3A_621] : memref<25600xf32, #tpu.memory_space<vmem>>, vector<128xf32>
    tpu.vector_store %arg4[%swap3A_621], %reshape3A_620 {strides = array<i32>} : memref<25600xf32, #tpu.memory_space<vmem>>, vector<128xf32>,
    %get3A_623 = arith.constant 9984 : index
    %get3A_624 = arith.constant 0 : index
    %get3A_625 = vector.load %arg1[%get3A_623, %get3A_624] : memref<25600x128xf32, #tpu.memory_space<vmem>>, vector<128x128xf32>
    %dot_general3A_626 = arith.constant dense<0.000000e+00> : vector<1x128xf32>
    %dot_general3A_627 = tpu.matmul %get3A_1, %get3A_625, %dot_general3A_626 {dimension_numbers = #tpu.dot_dimension_numbers<[1], [1], [0], [0], [0, 0, 1, 0], [], []>, transpose_lhs_hint = false} : vector<1x128xf32>, vector<128x128xf32>, vector<1x128xf32> -> vector<1x128xf32>
    %reshape3A_628 = vector.shape_cast %dot_general3A_627 : vector<1x128xf32> to vector<128xf32>
    %swap3A_629 = arith.constant 9984 : index
    %swap3A_630 = vector.load %arg4[%swap3A_629] : memref<25600xf32, #tpu.memory_space<vmem>>, vector<128xf32>
    tpu.vector_store %arg4[%swap3A_629], %reshape3A_628 {strides = array<i32>} : memref<25600xf32, #tpu.memory_space<vmem>>, vector<128xf32>,
    %get3A_631 = arith.constant 10112 : index
    %get3A_632 = arith.constant 0 : index
    %get3A_633 = vector.load %arg1[%get3A_631, %get3A_632] : memref<25600x128xf32, #tpu.memory_space<vmem>>, vector<128x128xf32>
    %dot_general3A_634 = arith.constant dense<0.000000e+00> : vector<1x128xf32>
    %dot_general3A_635 = tpu.matmul %get3A_1, %get3A_633, %dot_general3A_634 {dimension_numbers = #tpu.dot_dimension_numbers<[1], [1], [0], [0], [0, 0, 1, 0], [], []>, transpose_lhs_hint = false} : vector<1x128xf32>, vector<128x128xf32>, vector<1x128xf32> -> vector<1x128xf32>
    %reshape3A_636 = vector.shape_cast %dot_general3A_635 : vector<1x128xf32> to vector<128xf32>
    %swap3A_637 = arith.constant 10112 : index
    %swap3A_638 = vector.load %arg4[%swap3A_637] : memref<25600xf32, #tpu.memory_space<vmem>>, vector<128xf32>
    tpu.vector_store %arg4[%swap3A_637], %reshape3A_636 {strides = array<i32>} : memref<25600xf32, #tpu.memory_space<vmem>>, vector<128xf32>,
    %get3A_639 = arith.constant 10240 : index
    %get3A_640 = arith.constant 0 : index
    %get3A_641 = vector.load %arg1[%get3A_639, %get3A_640] : memref<25600x128xf32, #tpu.memory_space<vmem>>, vector<128x128xf32>
    %dot_general3A_642 = arith.constant dense<0.000000e+00> : vector<1x128xf32>
    %dot_general3A_643 = tpu.matmul %get3A_1, %get3A_641, %dot_general3A_642 {dimension_numbers = #tpu.dot_dimension_numbers<[1], [1], [0], [0], [0, 0, 1, 0], [], []>, transpose_lhs_hint = false} : vector<1x128xf32>, vector<128x128xf32>, vector<1x128xf32> -> vector<1x128xf32>
    %reshape3A_644 = vector.shape_cast %dot_general3A_643 : vector<1x128xf32> to vector<128xf32>
    %swap3A_645 = arith.constant 10240 : index
    %swap3A_646 = vector.load %arg4[%swap3A_645] : memref<25600xf32, #tpu.memory_space<vmem>>, vector<128xf32>
    tpu.vector_store %arg4[%swap3A_645], %reshape3A_644 {strides = array<i32>} : memref<25600xf32, #tpu.memory_space<vmem>>, vector<128xf32>,
    %get3A_647 = arith.constant 10368 : index
    %get3A_648 = arith.constant 0 : index
    %get3A_649 = vector.load %arg1[%get3A_647, %get3A_648] : memref<25600x128xf32, #tpu.memory_space<vmem>>, vector<128x128xf32>
    %dot_general3A_650 = arith.constant dense<0.000000e+00> : vector<1x128xf32>
    %dot_general3A_651 = tpu.matmul %get3A_1, %get3A_649, %dot_general3A_650 {dimension_numbers = #tpu.dot_dimension_numbers<[1], [1], [0], [0], [0, 0, 1, 0], [], []>, transpose_lhs_hint = false} : vector<1x128xf32>, vector<128x128xf32>, vector<1x128xf32> -> vector<1x128xf32>
    %reshape3A_652 = vector.shape_cast %dot_general3A_651 : vector<1x128xf32> to vector<128xf32>
    %swap3A_653 = arith.constant 10368 : index
    %swap3A_654 = vector.load %arg4[%swap3A_653] : memref<25600xf32, #tpu.memory_space<vmem>>, vector<128xf32>
    tpu.vector_store %arg4[%swap3A_653], %reshape3A_652 {strides = array<i32>} : memref<25600xf32, #tpu.memory_space<vmem>>, vector<128xf32>,
    %get3A_655 = arith.constant 10496 : index
    %get3A_656 = arith.constant 0 : index
    %get3A_657 = vector.load %arg1[%get3A_655, %get3A_656] : memref<25600x128xf32, #tpu.memory_space<vmem>>, vector<128x128xf32>
    %dot_general3A_658 = arith.constant dense<0.000000e+00> : vector<1x128xf32>
    %dot_general3A_659 = tpu.matmul %get3A_1, %get3A_657, %dot_general3A_658 {dimension_numbers = #tpu.dot_dimension_numbers<[1], [1], [0], [0], [0, 0, 1, 0], [], []>, transpose_lhs_hint = false} : vector<1x128xf32>, vector<128x128xf32>, vector<1x128xf32> -> vector<1x128xf32>
    %reshape3A_660 = vector.shape_cast %dot_general3A_659 : vector<1x128xf32> to vector<128xf32>
    %swap3A_661 = arith.constant 10496 : index
    %swap3A_662 = vector.load %arg4[%swap3A_661] : memref<25600xf32, #tpu.memory_space<vmem>>, vector<128xf32>
    tpu.vector_store %arg4[%swap3A_661], %reshape3A_660 {strides = array<i32>} : memref<25600xf32, #tpu.memory_space<vmem>>, vector<128xf32>,
    %get3A_663 = arith.constant 10624 : index
    %get3A_664 = arith.constant 0 : index
    %get3A_665 = vector.load %arg1[%get3A_663, %get3A_664] : memref<25600x128xf32, #tpu.memory_space<vmem>>, vector<128x128xf32>
    %dot_general3A_666 = arith.constant dense<0.000000e+00> : vector<1x128xf32>
    %dot_general3A_667 = tpu.matmul %get3A_1, %get3A_665, %dot_general3A_666 {dimension_numbers = #tpu.dot_dimension_numbers<[1], [1], [0], [0], [0, 0, 1, 0], [], []>, transpose_lhs_hint = false} : vector<1x128xf32>, vector<128x128xf32>, vector<1x128xf32> -> vector<1x128xf32>
    %reshape3A_668 = vector.shape_cast %dot_general3A_667 : vector<1x128xf32> to vector<128xf32>
    %swap3A_669 = arith.constant 10624 : index
    %swap3A_670 = vector.load %arg4[%swap3A_669] : memref<25600xf32, #tpu.memory_space<vmem>>, vector<128xf32>
    tpu.vector_store %arg4[%swap3A_669], %reshape3A_668 {strides = array<i32>} : memref<25600xf32, #tpu.memory_space<vmem>>, vector<128xf32>,
    %get3A_671 = arith.constant 10752 : index
    %get3A_672 = arith.constant 0 : index
    %get3A_673 = vector.load %arg1[%get3A_671, %get3A_672] : memref<25600x128xf32, #tpu.memory_space<vmem>>, vector<128x128xf32>
    %dot_general3A_674 = arith.constant dense<0.000000e+00> : vector<1x128xf32>
    %dot_general3A_675 = tpu.matmul %get3A_1, %get3A_673, %dot_general3A_674 {dimension_numbers = #tpu.dot_dimension_numbers<[1], [1], [0], [0], [0, 0, 1, 0], [], []>, transpose_lhs_hint = false} : vector<1x128xf32>, vector<128x128xf32>, vector<1x128xf32> -> vector<1x128xf32>
    %reshape3A_676 = vector.shape_cast %dot_general3A_675 : vector<1x128xf32> to vector<128xf32>
    %swap3A_677 = arith.constant 10752 : index
    %swap3A_678 = vector.load %arg4[%swap3A_677] : memref<25600xf32, #tpu.memory_space<vmem>>, vector<128xf32>
    tpu.vector_store %arg4[%swap3A_677], %reshape3A_676 {strides = array<i32>} : memref<25600xf32, #tpu.memory_space<vmem>>, vector<128xf32>,
    %get3A_679 = arith.constant 10880 : index
    %get3A_680 = arith.constant 0 : index
    %get3A_681 = vector.load %arg1[%get3A_679, %get3A_680] : memref<25600x128xf32, #tpu.memory_space<vmem>>, vector<128x128xf32>
    %dot_general3A_682 = arith.constant dense<0.000000e+00> : vector<1x128xf32>
    %dot_general3A_683 = tpu.matmul %get3A_1, %get3A_681, %dot_general3A_682 {dimension_numbers = #tpu.dot_dimension_numbers<[1], [1], [0], [0], [0, 0, 1, 0], [], []>, transpose_lhs_hint = false} : vector<1x128xf32>, vector<128x128xf32>, vector<1x128xf32> -> vector<1x128xf32>
    %reshape3A_684 = vector.shape_cast %dot_general3A_683 : vector<1x128xf32> to vector<128xf32>
    %swap3A_685 = arith.constant 10880 : index
    %swap3A_686 = vector.load %arg4[%swap3A_685] : memref<25600xf32, #tpu.memory_space<vmem>>, vector<128xf32>
    tpu.vector_store %arg4[%swap3A_685], %reshape3A_684 {strides = array<i32>} : memref<25600xf32, #tpu.memory_space<vmem>>, vector<128xf32>,
    %get3A_687 = arith.constant 11008 : index
    %get3A_688 = arith.constant 0 : index
    %get3A_689 = vector.load %arg1[%get3A_687, %get3A_688] : memref<25600x128xf32, #tpu.memory_space<vmem>>, vector<128x128xf32>
    %dot_general3A_690 = arith.constant dense<0.000000e+00> : vector<1x128xf32>
    %dot_general3A_691 = tpu.matmul %get3A_1, %get3A_689, %dot_general3A_690 {dimension_numbers = #tpu.dot_dimension_numbers<[1], [1], [0], [0], [0, 0, 1, 0], [], []>, transpose_lhs_hint = false} : vector<1x128xf32>, vector<128x128xf32>, vector<1x128xf32> -> vector<1x128xf32>
    %reshape3A_692 = vector.shape_cast %dot_general3A_691 : vector<1x128xf32> to vector<128xf32>
    %swap3A_693 = arith.constant 11008 : index
    %swap3A_694 = vector.load %arg4[%swap3A_693] : memref<25600xf32, #tpu.memory_space<vmem>>, vector<128xf32>
    tpu.vector_store %arg4[%swap3A_693], %reshape3A_692 {strides = array<i32>} : memref<25600xf32, #tpu.memory_space<vmem>>, vector<128xf32>,
    %get3A_695 = arith.constant 11136 : index
    %get3A_696 = arith.constant 0 : index
    %get3A_697 = vector.load %arg1[%get3A_695, %get3A_696] : memref<25600x128xf32, #tpu.memory_space<vmem>>, vector<128x128xf32>
    %dot_general3A_698 = arith.constant dense<0.000000e+00> : vector<1x128xf32>
    %dot_general3A_699 = tpu.matmul %get3A_1, %get3A_697, %dot_general3A_698 {dimension_numbers = #tpu.dot_dimension_numbers<[1], [1], [0], [0], [0, 0, 1, 0], [], []>, transpose_lhs_hint = false} : vector<1x128xf32>, vector<128x128xf32>, vector<1x128xf32> -> vector<1x128xf32>
    %reshape3A_700 = vector.shape_cast %dot_general3A_699 : vector<1x128xf32> to vector<128xf32>
    %swap3A_701 = arith.constant 11136 : index
    %swap3A_702 = vector.load %arg4[%swap3A_701] : memref<25600xf32, #tpu.memory_space<vmem>>, vector<128xf32>
    tpu.vector_store %arg4[%swap3A_701], %reshape3A_700 {strides = array<i32>} : memref<25600xf32, #tpu.memory_space<vmem>>, vector<128xf32>,
    %get3A_703 = arith.constant 11264 : index
    %get3A_704 = arith.constant 0 : index
    %get3A_705 = vector.load %arg1[%get3A_703, %get3A_704] : memref<25600x128xf32, #tpu.memory_space<vmem>>, vector<128x128xf32>
    %dot_general3A_706 = arith.constant dense<0.000000e+00> : vector<1x128xf32>
    %dot_general3A_707 = tpu.matmul %get3A_1, %get3A_705, %dot_general3A_706 {dimension_numbers = #tpu.dot_dimension_numbers<[1], [1], [0], [0], [0, 0, 1, 0], [], []>, transpose_lhs_hint = false} : vector<1x128xf32>, vector<128x128xf32>, vector<1x128xf32> -> vector<1x128xf32>
    %reshape3A_708 = vector.shape_cast %dot_general3A_707 : vector<1x128xf32> to vector<128xf32>
    %swap3A_709 = arith.constant 11264 : index
    %swap3A_710 = vector.load %arg4[%swap3A_709] : memref<25600xf32, #tpu.memory_space<vmem>>, vector<128xf32>
    tpu.vector_store %arg4[%swap3A_709], %reshape3A_708 {strides = array<i32>} : memref<25600xf32, #tpu.memory_space<vmem>>, vector<128xf32>,
    %get3A_711 = arith.constant 11392 : index
    %get3A_712 = arith.constant 0 : index
    %get3A_713 = vector.load %arg1[%get3A_711, %get3A_712] : memref<25600x128xf32, #tpu.memory_space<vmem>>, vector<128x128xf32>
    %dot_general3A_714 = arith.constant dense<0.000000e+00> : vector<1x128xf32>
    %dot_general3A_715 = tpu.matmul %get3A_1, %get3A_713, %dot_general3A_714 {dimension_numbers = #tpu.dot_dimension_numbers<[1], [1], [0], [0], [0, 0, 1, 0], [], []>, transpose_lhs_hint = false} : vector<1x128xf32>, vector<128x128xf32>, vector<1x128xf32> -> vector<1x128xf32>
    %reshape3A_716 = vector.shape_cast %dot_general3A_715 : vector<1x128xf32> to vector<128xf32>
    %swap3A_717 = arith.constant 11392 : index
    %swap3A_718 = vector.load %arg4[%swap3A_717] : memref<25600xf32, #tpu.memory_space<vmem>>, vector<128xf32>
    tpu.vector_store %arg4[%swap3A_717], %reshape3A_716 {strides = array<i32>} : memref<25600xf32, #tpu.memory_space<vmem>>, vector<128xf32>,
    %get3A_719 = arith.constant 11520 : index
    %get3A_720 = arith.constant 0 : index
    %get3A_721 = vector.load %arg1[%get3A_719, %get3A_720] : memref<25600x128xf32, #tpu.memory_space<vmem>>, vector<128x128xf32>
    %dot_general3A_722 = arith.constant dense<0.000000e+00> : vector<1x128xf32>
    %dot_general3A_723 = tpu.matmul %get3A_1, %get3A_721, %dot_general3A_722 {dimension_numbers = #tpu.dot_dimension_numbers<[1], [1], [0], [0], [0, 0, 1, 0], [], []>, transpose_lhs_hint = false} : vector<1x128xf32>, vector<128x128xf32>, vector<1x128xf32> -> vector<1x128xf32>
    %reshape3A_724 = vector.shape_cast %dot_general3A_723 : vector<1x128xf32> to vector<128xf32>
    %swap3A_725 = arith.constant 11520 : index
    %swap3A_726 = vector.load %arg4[%swap3A_725] : memref<25600xf32, #tpu.memory_space<vmem>>, vector<128xf32>
    tpu.vector_store %arg4[%swap3A_725], %reshape3A_724 {strides = array<i32>} : memref<25600xf32, #tpu.memory_space<vmem>>, vector<128xf32>,
    %get3A_727 = arith.constant 11648 : index
    %get3A_728 = arith.constant 0 : index
    %get3A_729 = vector.load %arg1[%get3A_727, %get3A_728] : memref<25600x128xf32, #tpu.memory_space<vmem>>, vector<128x128xf32>
    %dot_general3A_730 = arith.constant dense<0.000000e+00> : vector<1x128xf32>
    %dot_general3A_731 = tpu.matmul %get3A_1, %get3A_729, %dot_general3A_730 {dimension_numbers = #tpu.dot_dimension_numbers<[1], [1], [0], [0], [0, 0, 1, 0], [], []>, transpose_lhs_hint = false} : vector<1x128xf32>, vector<128x128xf32>, vector<1x128xf32> -> vector<1x128xf32>
    %reshape3A_732 = vector.shape_cast %dot_general3A_731 : vector<1x128xf32> to vector<128xf32>
    %swap3A_733 = arith.constant 11648 : index
    %swap3A_734 = vector.load %arg4[%swap3A_733] : memref<25600xf32, #tpu.memory_space<vmem>>, vector<128xf32>
    tpu.vector_store %arg4[%swap3A_733], %reshape3A_732 {strides = array<i32>} : memref<25600xf32, #tpu.memory_space<vmem>>, vector<128xf32>,
    %get3A_735 = arith.constant 11776 : index
    %get3A_736 = arith.constant 0 : index
    %get3A_737 = vector.load %arg1[%get3A_735, %get3A_736] : memref<25600x128xf32, #tpu.memory_space<vmem>>, vector<128x128xf32>
    %dot_general3A_738 = arith.constant dense<0.000000e+00> : vector<1x128xf32>
    %dot_general3A_739 = tpu.matmul %get3A_1, %get3A_737, %dot_general3A_738 {dimension_numbers = #tpu.dot_dimension_numbers<[1], [1], [0], [0], [0, 0, 1, 0], [], []>, transpose_lhs_hint = false} : vector<1x128xf32>, vector<128x128xf32>, vector<1x128xf32> -> vector<1x128xf32>
    %reshape3A_740 = vector.shape_cast %dot_general3A_739 : vector<1x128xf32> to vector<128xf32>
    %swap3A_741 = arith.constant 11776 : index
    %swap3A_742 = vector.load %arg4[%swap3A_741] : memref<25600xf32, #tpu.memory_space<vmem>>, vector<128xf32>
    tpu.vector_store %arg4[%swap3A_741], %reshape3A_740 {strides = array<i32>} : memref<25600xf32, #tpu.memory_space<vmem>>, vector<128xf32>,
    %get3A_743 = arith.constant 11904 : index
    %get3A_744 = arith.constant 0 : index
    %get3A_745 = vector.load %arg1[%get3A_743, %get3A_744] : memref<25600x128xf32, #tpu.memory_space<vmem>>, vector<128x128xf32>
    %dot_general3A_746 = arith.constant dense<0.000000e+00> : vector<1x128xf32>
    %dot_general3A_747 = tpu.matmul %get3A_1, %get3A_745, %dot_general3A_746 {dimension_numbers = #tpu.dot_dimension_numbers<[1], [1], [0], [0], [0, 0, 1, 0], [], []>, transpose_lhs_hint = false} : vector<1x128xf32>, vector<128x128xf32>, vector<1x128xf32> -> vector<1x128xf32>
    %reshape3A_748 = vector.shape_cast %dot_general3A_747 : vector<1x128xf32> to vector<128xf32>
    %swap3A_749 = arith.constant 11904 : index
    %swap3A_750 = vector.load %arg4[%swap3A_749] : memref<25600xf32, #tpu.memory_space<vmem>>, vector<128xf32>
    tpu.vector_store %arg4[%swap3A_749], %reshape3A_748 {strides = array<i32>} : memref<25600xf32, #tpu.memory_space<vmem>>, vector<128xf32>,
    %get3A_751 = arith.constant 12032 : index
    %get3A_752 = arith.constant 0 : index
    %get3A_753 = vector.load %arg1[%get3A_751, %get3A_752] : memref<25600x128xf32, #tpu.memory_space<vmem>>, vector<128x128xf32>
    %dot_general3A_754 = arith.constant dense<0.000000e+00> : vector<1x128xf32>
    %dot_general3A_755 = tpu.matmul %get3A_1, %get3A_753, %dot_general3A_754 {dimension_numbers = #tpu.dot_dimension_numbers<[1], [1], [0], [0], [0, 0, 1, 0], [], []>, transpose_lhs_hint = false} : vector<1x128xf32>, vector<128x128xf32>, vector<1x128xf32> -> vector<1x128xf32>
    %reshape3A_756 = vector.shape_cast %dot_general3A_755 : vector<1x128xf32> to vector<128xf32>
    %swap3A_757 = arith.constant 12032 : index
    %swap3A_758 = vector.load %arg4[%swap3A_757] : memref<25600xf32, #tpu.memory_space<vmem>>, vector<128xf32>
    tpu.vector_store %arg4[%swap3A_757], %reshape3A_756 {strides = array<i32>} : memref<25600xf32, #tpu.memory_space<vmem>>, vector<128xf32>,
    %get3A_759 = arith.constant 12160 : index
    %get3A_760 = arith.constant 0 : index
    %get3A_761 = vector.load %arg1[%get3A_759, %get3A_760] : memref<25600x128xf32, #tpu.memory_space<vmem>>, vector<128x128xf32>
    %dot_general3A_762 = arith.constant dense<0.000000e+00> : vector<1x128xf32>
    %dot_general3A_763 = tpu.matmul %get3A_1, %get3A_761, %dot_general3A_762 {dimension_numbers = #tpu.dot_dimension_numbers<[1], [1], [0], [0], [0, 0, 1, 0], [], []>, transpose_lhs_hint = false} : vector<1x128xf32>, vector<128x128xf32>, vector<1x128xf32> -> vector<1x128xf32>
    %reshape3A_764 = vector.shape_cast %dot_general3A_763 : vector<1x128xf32> to vector<128xf32>
    %swap3A_765 = arith.constant 12160 : index
    %swap3A_766 = vector.load %arg4[%swap3A_765] : memref<25600xf32, #tpu.memory_space<vmem>>, vector<128xf32>
    tpu.vector_store %arg4[%swap3A_765], %reshape3A_764 {strides = array<i32>} : memref<25600xf32, #tpu.memory_space<vmem>>, vector<128xf32>,
    %get3A_767 = arith.constant 12288 : index
    %get3A_768 = arith.constant 0 : index
    %get3A_769 = vector.load %arg1[%get3A_767, %get3A_768] : memref<25600x128xf32, #tpu.memory_space<vmem>>, vector<128x128xf32>
    %dot_general3A_770 = arith.constant dense<0.000000e+00> : vector<1x128xf32>
    %dot_general3A_771 = tpu.matmul %get3A_1, %get3A_769, %dot_general3A_770 {dimension_numbers = #tpu.dot_dimension_numbers<[1], [1], [0], [0], [0, 0, 1, 0], [], []>, transpose_lhs_hint = false} : vector<1x128xf32>, vector<128x128xf32>, vector<1x128xf32> -> vector<1x128xf32>
    %reshape3A_772 = vector.shape_cast %dot_general3A_771 : vector<1x128xf32> to vector<128xf32>
    %swap3A_773 = arith.constant 12288 : index
    %swap3A_774 = vector.load %arg4[%swap3A_773] : memref<25600xf32, #tpu.memory_space<vmem>>, vector<128xf32>
    tpu.vector_store %arg4[%swap3A_773], %reshape3A_772 {strides = array<i32>} : memref<25600xf32, #tpu.memory_space<vmem>>, vector<128xf32>,
    %get3A_775 = arith.constant 12416 : index
    %get3A_776 = arith.constant 0 : index
    %get3A_777 = vector.load %arg1[%get3A_775, %get3A_776] : memref<25600x128xf32, #tpu.memory_space<vmem>>, vector<128x128xf32>
    %dot_general3A_778 = arith.constant dense<0.000000e+00> : vector<1x128xf32>
    %dot_general3A_779 = tpu.matmul %get3A_1, %get3A_777, %dot_general3A_778 {dimension_numbers = #tpu.dot_dimension_numbers<[1], [1], [0], [0], [0, 0, 1, 0], [], []>, transpose_lhs_hint = false} : vector<1x128xf32>, vector<128x128xf32>, vector<1x128xf32> -> vector<1x128xf32>
    %reshape3A_780 = vector.shape_cast %dot_general3A_779 : vector<1x128xf32> to vector<128xf32>
    %swap3A_781 = arith.constant 12416 : index
    %swap3A_782 = vector.load %arg4[%swap3A_781] : memref<25600xf32, #tpu.memory_space<vmem>>, vector<128xf32>
    tpu.vector_store %arg4[%swap3A_781], %reshape3A_780 {strides = array<i32>} : memref<25600xf32, #tpu.memory_space<vmem>>, vector<128xf32>,
    %get3A_783 = arith.constant 12544 : index
    %get3A_784 = arith.constant 0 : index
    %get3A_785 = vector.load %arg1[%get3A_783, %get3A_784] : memref<25600x128xf32, #tpu.memory_space<vmem>>, vector<128x128xf32>
    %dot_general3A_786 = arith.constant dense<0.000000e+00> : vector<1x128xf32>
    %dot_general3A_787 = tpu.matmul %get3A_1, %get3A_785, %dot_general3A_786 {dimension_numbers = #tpu.dot_dimension_numbers<[1], [1], [0], [0], [0, 0, 1, 0], [], []>, transpose_lhs_hint = false} : vector<1x128xf32>, vector<128x128xf32>, vector<1x128xf32> -> vector<1x128xf32>
    %reshape3A_788 = vector.shape_cast %dot_general3A_787 : vector<1x128xf32> to vector<128xf32>
    %swap3A_789 = arith.constant 12544 : index
    %swap3A_790 = vector.load %arg4[%swap3A_789] : memref<25600xf32, #tpu.memory_space<vmem>>, vector<128xf32>
    tpu.vector_store %arg4[%swap3A_789], %reshape3A_788 {strides = array<i32>} : memref<25600xf32, #tpu.memory_space<vmem>>, vector<128xf32>,
    %get3A_791 = arith.constant 12672 : index
    %get3A_792 = arith.constant 0 : index
    %get3A_793 = vector.load %arg1[%get3A_791, %get3A_792] : memref<25600x128xf32, #tpu.memory_space<vmem>>, vector<128x128xf32>
    %dot_general3A_794 = arith.constant dense<0.000000e+00> : vector<1x128xf32>
    %dot_general3A_795 = tpu.matmul %get3A_1, %get3A_793, %dot_general3A_794 {dimension_numbers = #tpu.dot_dimension_numbers<[1], [1], [0], [0], [0, 0, 1, 0], [], []>, transpose_lhs_hint = false} : vector<1x128xf32>, vector<128x128xf32>, vector<1x128xf32> -> vector<1x128xf32>
    %reshape3A_796 = vector.shape_cast %dot_general3A_795 : vector<1x128xf32> to vector<128xf32>
    %swap3A_797 = arith.constant 12672 : index
    %swap3A_798 = vector.load %arg4[%swap3A_797] : memref<25600xf32, #tpu.memory_space<vmem>>, vector<128xf32>
    tpu.vector_store %arg4[%swap3A_797], %reshape3A_796 {strides = array<i32>} : memref<25600xf32, #tpu.memory_space<vmem>>, vector<128xf32>,
    %get3A_799 = arith.constant 12800 : index
    %get3A_800 = arith.constant 0 : index
    %get3A_801 = vector.load %arg1[%get3A_799, %get3A_800] : memref<25600x128xf32, #tpu.memory_space<vmem>>, vector<128x128xf32>
    %dot_general3A_802 = arith.constant dense<0.000000e+00> : vector<1x128xf32>
    %dot_general3A_803 = tpu.matmul %get3A_1, %get3A_801, %dot_general3A_802 {dimension_numbers = #tpu.dot_dimension_numbers<[1], [1], [0], [0], [0, 0, 1, 0], [], []>, transpose_lhs_hint = false} : vector<1x128xf32>, vector<128x128xf32>, vector<1x128xf32> -> vector<1x128xf32>
    %reshape3A_804 = vector.shape_cast %dot_general3A_803 : vector<1x128xf32> to vector<128xf32>
    %swap3A_805 = arith.constant 12800 : index
    %swap3A_806 = vector.load %arg4[%swap3A_805] : memref<25600xf32, #tpu.memory_space<vmem>>, vector<128xf32>
    tpu.vector_store %arg4[%swap3A_805], %reshape3A_804 {strides = array<i32>} : memref<25600xf32, #tpu.memory_space<vmem>>, vector<128xf32>,
    %get3A_807 = arith.constant 12928 : index
    %get3A_808 = arith.constant 0 : index
    %get3A_809 = vector.load %arg1[%get3A_807, %get3A_808] : memref<25600x128xf32, #tpu.memory_space<vmem>>, vector<128x128xf32>
    %dot_general3A_810 = arith.constant dense<0.000000e+00> : vector<1x128xf32>
    %dot_general3A_811 = tpu.matmul %get3A_1, %get3A_809, %dot_general3A_810 {dimension_numbers = #tpu.dot_dimension_numbers<[1], [1], [0], [0], [0, 0, 1, 0], [], []>, transpose_lhs_hint = false} : vector<1x128xf32>, vector<128x128xf32>, vector<1x128xf32> -> vector<1x128xf32>
    %reshape3A_812 = vector.shape_cast %dot_general3A_811 : vector<1x128xf32> to vector<128xf32>
    %swap3A_813 = arith.constant 12928 : index
    %swap3A_814 = vector.load %arg4[%swap3A_813] : memref<25600xf32, #tpu.memory_space<vmem>>, vector<128xf32>
    tpu.vector_store %arg4[%swap3A_813], %reshape3A_812 {strides = array<i32>} : memref<25600xf32, #tpu.memory_space<vmem>>, vector<128xf32>,
    %get3A_815 = arith.constant 13056 : index
    %get3A_816 = arith.constant 0 : index
    %get3A_817 = vector.load %arg1[%get3A_815, %get3A_816] : memref<25600x128xf32, #tpu.memory_space<vmem>>, vector<128x128xf32>
    %dot_general3A_818 = arith.constant dense<0.000000e+00> : vector<1x128xf32>
    %dot_general3A_819 = tpu.matmul %get3A_1, %get3A_817, %dot_general3A_818 {dimension_numbers = #tpu.dot_dimension_numbers<[1], [1], [0], [0], [0, 0, 1, 0], [], []>, transpose_lhs_hint = false} : vector<1x128xf32>, vector<128x128xf32>, vector<1x128xf32> -> vector<1x128xf32>
    %reshape3A_820 = vector.shape_cast %dot_general3A_819 : vector<1x128xf32> to vector<128xf32>
    %swap3A_821 = arith.constant 13056 : index
    %swap3A_822 = vector.load %arg4[%swap3A_821] : memref<25600xf32, #tpu.memory_space<vmem>>, vector<128xf32>
    tpu.vector_store %arg4[%swap3A_821], %reshape3A_820 {strides = array<i32>} : memref<25600xf32, #tpu.memory_space<vmem>>, vector<128xf32>,
    %get3A_823 = arith.constant 13184 : index
    %get3A_824 = arith.constant 0 : index
    %get3A_825 = vector.load %arg1[%get3A_823, %get3A_824] : memref<25600x128xf32, #tpu.memory_space<vmem>>, vector<128x128xf32>
    %dot_general3A_826 = arith.constant dense<0.000000e+00> : vector<1x128xf32>
    %dot_general3A_827 = tpu.matmul %get3A_1, %get3A_825, %dot_general3A_826 {dimension_numbers = #tpu.dot_dimension_numbers<[1], [1], [0], [0], [0, 0, 1, 0], [], []>, transpose_lhs_hint = false} : vector<1x128xf32>, vector<128x128xf32>, vector<1x128xf32> -> vector<1x128xf32>
    %reshape3A_828 = vector.shape_cast %dot_general3A_827 : vector<1x128xf32> to vector<128xf32>
    %swap3A_829 = arith.constant 13184 : index
    %swap3A_830 = vector.load %arg4[%swap3A_829] : memref<25600xf32, #tpu.memory_space<vmem>>, vector<128xf32>
    tpu.vector_store %arg4[%swap3A_829], %reshape3A_828 {strides = array<i32>} : memref<25600xf32, #tpu.memory_space<vmem>>, vector<128xf32>,
    %get3A_831 = arith.constant 13312 : index
    %get3A_832 = arith.constant 0 : index
    %get3A_833 = vector.load %arg1[%get3A_831, %get3A_832] : memref<25600x128xf32, #tpu.memory_space<vmem>>, vector<128x128xf32>
    %dot_general3A_834 = arith.constant dense<0.000000e+00> : vector<1x128xf32>
    %dot_general3A_835 = tpu.matmul %get3A_1, %get3A_833, %dot_general3A_834 {dimension_numbers = #tpu.dot_dimension_numbers<[1], [1], [0], [0], [0, 0, 1, 0], [], []>, transpose_lhs_hint = false} : vector<1x128xf32>, vector<128x128xf32>, vector<1x128xf32> -> vector<1x128xf32>
    %reshape3A_836 = vector.shape_cast %dot_general3A_835 : vector<1x128xf32> to vector<128xf32>
    %swap3A_837 = arith.constant 13312 : index
    %swap3A_838 = vector.load %arg4[%swap3A_837] : memref<25600xf32, #tpu.memory_space<vmem>>, vector<128xf32>
    tpu.vector_store %arg4[%swap3A_837], %reshape3A_836 {strides = array<i32>} : memref<25600xf32, #tpu.memory_space<vmem>>, vector<128xf32>,
    %get3A_839 = arith.constant 13440 : index
    %get3A_840 = arith.constant 0 : index
    %get3A_841 = vector.load %arg1[%get3A_839, %get3A_840] : memref<25600x128xf32, #tpu.memory_space<vmem>>, vector<128x128xf32>
    %dot_general3A_842 = arith.constant dense<0.000000e+00> : vector<1x128xf32>
    %dot_general3A_843 = tpu.matmul %get3A_1, %get3A_841, %dot_general3A_842 {dimension_numbers = #tpu.dot_dimension_numbers<[1], [1], [0], [0], [0, 0, 1, 0], [], []>, transpose_lhs_hint = false} : vector<1x128xf32>, vector<128x128xf32>, vector<1x128xf32> -> vector<1x128xf32>
    %reshape3A_844 = vector.shape_cast %dot_general3A_843 : vector<1x128xf32> to vector<128xf32>
    %swap3A_845 = arith.constant 13440 : index
    %swap3A_846 = vector.load %arg4[%swap3A_845] : memref<25600xf32, #tpu.memory_space<vmem>>, vector<128xf32>
    tpu.vector_store %arg4[%swap3A_845], %reshape3A_844 {strides = array<i32>} : memref<25600xf32, #tpu.memory_space<vmem>>, vector<128xf32>,
    %get3A_847 = arith.constant 13568 : index
    %get3A_848 = arith.constant 0 : index
    %get3A_849 = vector.load %arg1[%get3A_847, %get3A_848] : memref<25600x128xf32, #tpu.memory_space<vmem>>, vector<128x128xf32>
    %dot_general3A_850 = arith.constant dense<0.000000e+00> : vector<1x128xf32>
    %dot_general3A_851 = tpu.matmul %get3A_1, %get3A_849, %dot_general3A_850 {dimension_numbers = #tpu.dot_dimension_numbers<[1], [1], [0], [0], [0, 0, 1, 0], [], []>, transpose_lhs_hint = false} : vector<1x128xf32>, vector<128x128xf32>, vector<1x128xf32> -> vector<1x128xf32>
    %reshape3A_852 = vector.shape_cast %dot_general3A_851 : vector<1x128xf32> to vector<128xf32>
    %swap3A_853 = arith.constant 13568 : index
    %swap3A_854 = vector.load %arg4[%swap3A_853] : memref<25600xf32, #tpu.memory_space<vmem>>, vector<128xf32>
    tpu.vector_store %arg4[%swap3A_853], %reshape3A_852 {strides = array<i32>} : memref<25600xf32, #tpu.memory_space<vmem>>, vector<128xf32>,
    %get3A_855 = arith.constant 13696 : index
    %get3A_856 = arith.constant 0 : index
    %get3A_857 = vector.load %arg1[%get3A_855, %get3A_856] : memref<25600x128xf32, #tpu.memory_space<vmem>>, vector<128x128xf32>
    %dot_general3A_858 = arith.constant dense<0.000000e+00> : vector<1x128xf32>
    %dot_general3A_859 = tpu.matmul %get3A_1, %get3A_857, %dot_general3A_858 {dimension_numbers = #tpu.dot_dimension_numbers<[1], [1], [0], [0], [0, 0, 1, 0], [], []>, transpose_lhs_hint = false} : vector<1x128xf32>, vector<128x128xf32>, vector<1x128xf32> -> vector<1x128xf32>
    %reshape3A_860 = vector.shape_cast %dot_general3A_859 : vector<1x128xf32> to vector<128xf32>
    %swap3A_861 = arith.constant 13696 : index
    %swap3A_862 = vector.load %arg4[%swap3A_861] : memref<25600xf32, #tpu.memory_space<vmem>>, vector<128xf32>
    tpu.vector_store %arg4[%swap3A_861], %reshape3A_860 {strides = array<i32>} : memref<25600xf32, #tpu.memory_space<vmem>>, vector<128xf32>,
    %get3A_863 = arith.constant 13824 : index
    %get3A_864 = arith.constant 0 : index
    %get3A_865 = vector.load %arg1[%get3A_863, %get3A_864] : memref<25600x128xf32, #tpu.memory_space<vmem>>, vector<128x128xf32>
    %dot_general3A_866 = arith.constant dense<0.000000e+00> : vector<1x128xf32>
    %dot_general3A_867 = tpu.matmul %get3A_1, %get3A_865, %dot_general3A_866 {dimension_numbers = #tpu.dot_dimension_numbers<[1], [1], [0], [0], [0, 0, 1, 0], [], []>, transpose_lhs_hint = false} : vector<1x128xf32>, vector<128x128xf32>, vector<1x128xf32> -> vector<1x128xf32>
    %reshape3A_868 = vector.shape_cast %dot_general3A_867 : vector<1x128xf32> to vector<128xf32>
    %swap3A_869 = arith.constant 13824 : index
    %swap3A_870 = vector.load %arg4[%swap3A_869] : memref<25600xf32, #tpu.memory_space<vmem>>, vector<128xf32>
    tpu.vector_store %arg4[%swap3A_869], %reshape3A_868 {strides = array<i32>} : memref<25600xf32, #tpu.memory_space<vmem>>, vector<128xf32>,
    %get3A_871 = arith.constant 13952 : index
    %get3A_872 = arith.constant 0 : index
    %get3A_873 = vector.load %arg1[%get3A_871, %get3A_872] : memref<25600x128xf32, #tpu.memory_space<vmem>>, vector<128x128xf32>
    %dot_general3A_874 = arith.constant dense<0.000000e+00> : vector<1x128xf32>
    %dot_general3A_875 = tpu.matmul %get3A_1, %get3A_873, %dot_general3A_874 {dimension_numbers = #tpu.dot_dimension_numbers<[1], [1], [0], [0], [0, 0, 1, 0], [], []>, transpose_lhs_hint = false} : vector<1x128xf32>, vector<128x128xf32>, vector<1x128xf32> -> vector<1x128xf32>
    %reshape3A_876 = vector.shape_cast %dot_general3A_875 : vector<1x128xf32> to vector<128xf32>
    %swap3A_877 = arith.constant 13952 : index
    %swap3A_878 = vector.load %arg4[%swap3A_877] : memref<25600xf32, #tpu.memory_space<vmem>>, vector<128xf32>
    tpu.vector_store %arg4[%swap3A_877], %reshape3A_876 {strides = array<i32>} : memref<25600xf32, #tpu.memory_space<vmem>>, vector<128xf32>,
    %get3A_879 = arith.constant 14080 : index
    %get3A_880 = arith.constant 0 : index
    %get3A_881 = vector.load %arg1[%get3A_879, %get3A_880] : memref<25600x128xf32, #tpu.memory_space<vmem>>, vector<128x128xf32>
    %dot_general3A_882 = arith.constant dense<0.000000e+00> : vector<1x128xf32>
    %dot_general3A_883 = tpu.matmul %get3A_1, %get3A_881, %dot_general3A_882 {dimension_numbers = #tpu.dot_dimension_numbers<[1], [1], [0], [0], [0, 0, 1, 0], [], []>, transpose_lhs_hint = false} : vector<1x128xf32>, vector<128x128xf32>, vector<1x128xf32> -> vector<1x128xf32>
    %reshape3A_884 = vector.shape_cast %dot_general3A_883 : vector<1x128xf32> to vector<128xf32>
    %swap3A_885 = arith.constant 14080 : index
    %swap3A_886 = vector.load %arg4[%swap3A_885] : memref<25600xf32, #tpu.memory_space<vmem>>, vector<128xf32>
    tpu.vector_store %arg4[%swap3A_885], %reshape3A_884 {strides = array<i32>} : memref<25600xf32, #tpu.memory_space<vmem>>, vector<128xf32>,
    %get3A_887 = arith.constant 14208 : index
    %get3A_888 = arith.constant 0 : index
    %get3A_889 = vector.load %arg1[%get3A_887, %get3A_888] : memref<25600x128xf32, #tpu.memory_space<vmem>>, vector<128x128xf32>
    %dot_general3A_890 = arith.constant dense<0.000000e+00> : vector<1x128xf32>
    %dot_general3A_891 = tpu.matmul %get3A_1, %get3A_889, %dot_general3A_890 {dimension_numbers = #tpu.dot_dimension_numbers<[1], [1], [0], [0], [0, 0, 1, 0], [], []>, transpose_lhs_hint = false} : vector<1x128xf32>, vector<128x128xf32>, vector<1x128xf32> -> vector<1x128xf32>
    %reshape3A_892 = vector.shape_cast %dot_general3A_891 : vector<1x128xf32> to vector<128xf32>
    %swap3A_893 = arith.constant 14208 : index
    %swap3A_894 = vector.load %arg4[%swap3A_893] : memref<25600xf32, #tpu.memory_space<vmem>>, vector<128xf32>
    tpu.vector_store %arg4[%swap3A_893], %reshape3A_892 {strides = array<i32>} : memref<25600xf32, #tpu.memory_space<vmem>>, vector<128xf32>,
    %get3A_895 = arith.constant 14336 : index
    %get3A_896 = arith.constant 0 : index
    %get3A_897 = vector.load %arg1[%get3A_895, %get3A_896] : memref<25600x128xf32, #tpu.memory_space<vmem>>, vector<128x128xf32>
    %dot_general3A_898 = arith.constant dense<0.000000e+00> : vector<1x128xf32>
    %dot_general3A_899 = tpu.matmul %get3A_1, %get3A_897, %dot_general3A_898 {dimension_numbers = #tpu.dot_dimension_numbers<[1], [1], [0], [0], [0, 0, 1, 0], [], []>, transpose_lhs_hint = false} : vector<1x128xf32>, vector<128x128xf32>, vector<1x128xf32> -> vector<1x128xf32>
    %reshape3A_900 = vector.shape_cast %dot_general3A_899 : vector<1x128xf32> to vector<128xf32>
    %swap3A_901 = arith.constant 14336 : index
    %swap3A_902 = vector.load %arg4[%swap3A_901] : memref<25600xf32, #tpu.memory_space<vmem>>, vector<128xf32>
    tpu.vector_store %arg4[%swap3A_901], %reshape3A_900 {strides = array<i32>} : memref<25600xf32, #tpu.memory_space<vmem>>, vector<128xf32>,
    %get3A_903 = arith.constant 14464 : index
    %get3A_904 = arith.constant 0 : index
    %get3A_905 = vector.load %arg1[%get3A_903, %get3A_904] : memref<25600x128xf32, #tpu.memory_space<vmem>>, vector<128x128xf32>
    %dot_general3A_906 = arith.constant dense<0.000000e+00> : vector<1x128xf32>
    %dot_general3A_907 = tpu.matmul %get3A_1, %get3A_905, %dot_general3A_906 {dimension_numbers = #tpu.dot_dimension_numbers<[1], [1], [0], [0], [0, 0, 1, 0], [], []>, transpose_lhs_hint = false} : vector<1x128xf32>, vector<128x128xf32>, vector<1x128xf32> -> vector<1x128xf32>
    %reshape3A_908 = vector.shape_cast %dot_general3A_907 : vector<1x128xf32> to vector<128xf32>
    %swap3A_909 = arith.constant 14464 : index
    %swap3A_910 = vector.load %arg4[%swap3A_909] : memref<25600xf32, #tpu.memory_space<vmem>>, vector<128xf32>
    tpu.vector_store %arg4[%swap3A_909], %reshape3A_908 {strides = array<i32>} : memref<25600xf32, #tpu.memory_space<vmem>>, vector<128xf32>,
    %get3A_911 = arith.constant 14592 : index
    %get3A_912 = arith.constant 0 : index
    %get3A_913 = vector.load %arg1[%get3A_911, %get3A_912] : memref<25600x128xf32, #tpu.memory_space<vmem>>, vector<128x128xf32>
    %dot_general3A_914 = arith.constant dense<0.000000e+00> : vector<1x128xf32>
    %dot_general3A_915 = tpu.matmul %get3A_1, %get3A_913, %dot_general3A_914 {dimension_numbers = #tpu.dot_dimension_numbers<[1], [1], [0], [0], [0, 0, 1, 0], [], []>, transpose_lhs_hint = false} : vector<1x128xf32>, vector<128x128xf32>, vector<1x128xf32> -> vector<1x128xf32>
    %reshape3A_916 = vector.shape_cast %dot_general3A_915 : vector<1x128xf32> to vector<128xf32>
    %swap3A_917 = arith.constant 14592 : index
    %swap3A_918 = vector.load %arg4[%swap3A_917] : memref<25600xf32, #tpu.memory_space<vmem>>, vector<128xf32>
    tpu.vector_store %arg4[%swap3A_917], %reshape3A_916 {strides = array<i32>} : memref<25600xf32, #tpu.memory_space<vmem>>, vector<128xf32>,
    %get3A_919 = arith.constant 14720 : index
    %get3A_920 = arith.constant 0 : index
    %get3A_921 = vector.load %arg1[%get3A_919, %get3A_920] : memref<25600x128xf32, #tpu.memory_space<vmem>>, vector<128x128xf32>
    %dot_general3A_922 = arith.constant dense<0.000000e+00> : vector<1x128xf32>
    %dot_general3A_923 = tpu.matmul %get3A_1, %get3A_921, %dot_general3A_922 {dimension_numbers = #tpu.dot_dimension_numbers<[1], [1], [0], [0], [0, 0, 1, 0], [], []>, transpose_lhs_hint = false} : vector<1x128xf32>, vector<128x128xf32>, vector<1x128xf32> -> vector<1x128xf32>
    %reshape3A_924 = vector.shape_cast %dot_general3A_923 : vector<1x128xf32> to vector<128xf32>
    %swap3A_925 = arith.constant 14720 : index
    %swap3A_926 = vector.load %arg4[%swap3A_925] : memref<25600xf32, #tpu.memory_space<vmem>>, vector<128xf32>
    tpu.vector_store %arg4[%swap3A_925], %reshape3A_924 {strides = array<i32>} : memref<25600xf32, #tpu.memory_space<vmem>>, vector<128xf32>,
    %get3A_927 = arith.constant 14848 : index
    %get3A_928 = arith.constant 0 : index
    %get3A_929 = vector.load %arg1[%get3A_927, %get3A_928] : memref<25600x128xf32, #tpu.memory_space<vmem>>, vector<128x128xf32>
    %dot_general3A_930 = arith.constant dense<0.000000e+00> : vector<1x128xf32>
    %dot_general3A_931 = tpu.matmul %get3A_1, %get3A_929, %dot_general3A_930 {dimension_numbers = #tpu.dot_dimension_numbers<[1], [1], [0], [0], [0, 0, 1, 0], [], []>, transpose_lhs_hint = false} : vector<1x128xf32>, vector<128x128xf32>, vector<1x128xf32> -> vector<1x128xf32>
    %reshape3A_932 = vector.shape_cast %dot_general3A_931 : vector<1x128xf32> to vector<128xf32>
    %swap3A_933 = arith.constant 14848 : index
    %swap3A_934 = vector.load %arg4[%swap3A_933] : memref<25600xf32, #tpu.memory_space<vmem>>, vector<128xf32>
    tpu.vector_store %arg4[%swap3A_933], %reshape3A_932 {strides = array<i32>} : memref<25600xf32, #tpu.memory_space<vmem>>, vector<128xf32>,
    %get3A_935 = arith.constant 14976 : index
    %get3A_936 = arith.constant 0 : index
    %get3A_937 = vector.load %arg1[%get3A_935, %get3A_936] : memref<25600x128xf32, #tpu.memory_space<vmem>>, vector<128x128xf32>
    %dot_general3A_938 = arith.constant dense<0.000000e+00> : vector<1x128xf32>
    %dot_general3A_939 = tpu.matmul %get3A_1, %get3A_937, %dot_general3A_938 {dimension_numbers = #tpu.dot_dimension_numbers<[1], [1], [0], [0], [0, 0, 1, 0], [], []>, transpose_lhs_hint = false} : vector<1x128xf32>, vector<128x128xf32>, vector<1x128xf32> -> vector<1x128xf32>
    %reshape3A_940 = vector.shape_cast %dot_general3A_939 : vector<1x128xf32> to vector<128xf32>
    %swap3A_941 = arith.constant 14976 : index
    %swap3A_942 = vector.load %arg4[%swap3A_941] : memref<25600xf32, #tpu.memory_space<vmem>>, vector<128xf32>
    tpu.vector_store %arg4[%swap3A_941], %reshape3A_940 {strides = array<i32>} : memref<25600xf32, #tpu.memory_space<vmem>>, vector<128xf32>,
    %get3A_943 = arith.constant 15104 : index
    %get3A_944 = arith.constant 0 : index
    %get3A_945 = vector.load %arg1[%get3A_943, %get3A_944] : memref<25600x128xf32, #tpu.memory_space<vmem>>, vector<128x128xf32>
    %dot_general3A_946 = arith.constant dense<0.000000e+00> : vector<1x128xf32>
    %dot_general3A_947 = tpu.matmul %get3A_1, %get3A_945, %dot_general3A_946 {dimension_numbers = #tpu.dot_dimension_numbers<[1], [1], [0], [0], [0, 0, 1, 0], [], []>, transpose_lhs_hint = false} : vector<1x128xf32>, vector<128x128xf32>, vector<1x128xf32> -> vector<1x128xf32>
    %reshape3A_948 = vector.shape_cast %dot_general3A_947 : vector<1x128xf32> to vector<128xf32>
    %swap3A_949 = arith.constant 15104 : index
    %swap3A_950 = vector.load %arg4[%swap3A_949] : memref<25600xf32, #tpu.memory_space<vmem>>, vector<128xf32>
    tpu.vector_store %arg4[%swap3A_949], %reshape3A_948 {strides = array<i32>} : memref<25600xf32, #tpu.memory_space<vmem>>, vector<128xf32>,
    %get3A_951 = arith.constant 15232 : index
    %get3A_952 = arith.constant 0 : index
    %get3A_953 = vector.load %arg1[%get3A_951, %get3A_952] : memref<25600x128xf32, #tpu.memory_space<vmem>>, vector<128x128xf32>
    %dot_general3A_954 = arith.constant dense<0.000000e+00> : vector<1x128xf32>
    %dot_general3A_955 = tpu.matmul %get3A_1, %get3A_953, %dot_general3A_954 {dimension_numbers = #tpu.dot_dimension_numbers<[1], [1], [0], [0], [0, 0, 1, 0], [], []>, transpose_lhs_hint = false} : vector<1x128xf32>, vector<128x128xf32>, vector<1x128xf32> -> vector<1x128xf32>
    %reshape3A_956 = vector.shape_cast %dot_general3A_955 : vector<1x128xf32> to vector<128xf32>
    %swap3A_957 = arith.constant 15232 : index
    %swap3A_958 = vector.load %arg4[%swap3A_957] : memref<25600xf32, #tpu.memory_space<vmem>>, vector<128xf32>
    tpu.vector_store %arg4[%swap3A_957], %reshape3A_956 {strides = array<i32>} : memref<25600xf32, #tpu.memory_space<vmem>>, vector<128xf32>,
    %get3A_959 = arith.constant 15360 : index
    %get3A_960 = arith.constant 0 : index
    %get3A_961 = vector.load %arg1[%get3A_959, %get3A_960] : memref<25600x128xf32, #tpu.memory_space<vmem>>, vector<128x128xf32>
    %dot_general3A_962 = arith.constant dense<0.000000e+00> : vector<1x128xf32>
    %dot_general3A_963 = tpu.matmul %get3A_1, %get3A_961, %dot_general3A_962 {dimension_numbers = #tpu.dot_dimension_numbers<[1], [1], [0], [0], [0, 0, 1, 0], [], []>, transpose_lhs_hint = false} : vector<1x128xf32>, vector<128x128xf32>, vector<1x128xf32> -> vector<1x128xf32>
    %reshape3A_964 = vector.shape_cast %dot_general3A_963 : vector<1x128xf32> to vector<128xf32>
    %swap3A_965 = arith.constant 15360 : index
    %swap3A_966 = vector.load %arg4[%swap3A_965] : memref<25600xf32, #tpu.memory_space<vmem>>, vector<128xf32>
    tpu.vector_store %arg4[%swap3A_965], %reshape3A_964 {strides = array<i32>} : memref<25600xf32, #tpu.memory_space<vmem>>, vector<128xf32>,
    %get3A_967 = arith.constant 15488 : index
    %get3A_968 = arith.constant 0 : index
    %get3A_969 = vector.load %arg1[%get3A_967, %get3A_968] : memref<25600x128xf32, #tpu.memory_space<vmem>>, vector<128x128xf32>
    %dot_general3A_970 = arith.constant dense<0.000000e+00> : vector<1x128xf32>
    %dot_general3A_971 = tpu.matmul %get3A_1, %get3A_969, %dot_general3A_970 {dimension_numbers = #tpu.dot_dimension_numbers<[1], [1], [0], [0], [0, 0, 1, 0], [], []>, transpose_lhs_hint = false} : vector<1x128xf32>, vector<128x128xf32>, vector<1x128xf32> -> vector<1x128xf32>
    %reshape3A_972 = vector.shape_cast %dot_general3A_971 : vector<1x128xf32> to vector<128xf32>
    %swap3A_973 = arith.constant 15488 : index
    %swap3A_974 = vector.load %arg4[%swap3A_973] : memref<25600xf32, #tpu.memory_space<vmem>>, vector<128xf32>
    tpu.vector_store %arg4[%swap3A_973], %reshape3A_972 {strides = array<i32>} : memref<25600xf32, #tpu.memory_space<vmem>>, vector<128xf32>,
    %get3A_975 = arith.constant 15616 : index
    %get3A_976 = arith.constant 0 : index
    %get3A_977 = vector.load %arg1[%get3A_975, %get3A_976] : memref<25600x128xf32, #tpu.memory_space<vmem>>, vector<128x128xf32>
    %dot_general3A_978 = arith.constant dense<0.000000e+00> : vector<1x128xf32>
    %dot_general3A_979 = tpu.matmul %get3A_1, %get3A_977, %dot_general3A_978 {dimension_numbers = #tpu.dot_dimension_numbers<[1], [1], [0], [0], [0, 0, 1, 0], [], []>, transpose_lhs_hint = false} : vector<1x128xf32>, vector<128x128xf32>, vector<1x128xf32> -> vector<1x128xf32>
    %reshape3A_980 = vector.shape_cast %dot_general3A_979 : vector<1x128xf32> to vector<128xf32>
    %swap3A_981 = arith.constant 15616 : index
    %swap3A_982 = vector.load %arg4[%swap3A_981] : memref<25600xf32, #tpu.memory_space<vmem>>, vector<128xf32>
    tpu.vector_store %arg4[%swap3A_981], %reshape3A_980 {strides = array<i32>} : memref<25600xf32, #tpu.memory_space<vmem>>, vector<128xf32>,
    %get3A_983 = arith.constant 15744 : index
    %get3A_984 = arith.constant 0 : index
    %get3A_985 = vector.load %arg1[%get3A_983, %get3A_984] : memref<25600x128xf32, #tpu.memory_space<vmem>>, vector<128x128xf32>
    %dot_general3A_986 = arith.constant dense<0.000000e+00> : vector<1x128xf32>
    %dot_general3A_987 = tpu.matmul %get3A_1, %get3A_985, %dot_general3A_986 {dimension_numbers = #tpu.dot_dimension_numbers<[1], [1], [0], [0], [0, 0, 1, 0], [], []>, transpose_lhs_hint = false} : vector<1x128xf32>, vector<128x128xf32>, vector<1x128xf32> -> vector<1x128xf32>
    %reshape3A_988 = vector.shape_cast %dot_general3A_987 : vector<1x128xf32> to vector<128xf32>
    %swap3A_989 = arith.constant 15744 : index
    %swap3A_990 = vector.load %arg4[%swap3A_989] : memref<25600xf32, #tpu.memory_space<vmem>>, vector<128xf32>
    tpu.vector_store %arg4[%swap3A_989], %reshape3A_988 {strides = array<i32>} : memref<25600xf32, #tpu.memory_space<vmem>>, vector<128xf32>,
    %get3A_991 = arith.constant 15872 : index
    %get3A_992 = arith.constant 0 : index
    %get3A_993 = vector.load %arg1[%get3A_991, %get3A_992] : memref<25600x128xf32, #tpu.memory_space<vmem>>, vector<128x128xf32>
    %dot_general3A_994 = arith.constant dense<0.000000e+00> : vector<1x128xf32>
    %dot_general3A_995 = tpu.matmul %get3A_1, %get3A_993, %dot_general3A_994 {dimension_numbers = #tpu.dot_dimension_numbers<[1], [1], [0], [0], [0, 0, 1, 0], [], []>, transpose_lhs_hint = false} : vector<1x128xf32>, vector<128x128xf32>, vector<1x128xf32> -> vector<1x128xf32>
    %reshape3A_996 = vector.shape_cast %dot_general3A_995 : vector<1x128xf32> to vector<128xf32>
    %swap3A_997 = arith.constant 15872 : index
    %swap3A_998 = vector.load %arg4[%swap3A_997] : memref<25600xf32, #tpu.memory_space<vmem>>, vector<128xf32>
    tpu.vector_store %arg4[%swap3A_997], %reshape3A_996 {strides = array<i32>} : memref<25600xf32, #tpu.memory_space<vmem>>, vector<128xf32>,
    %get3A_999 = arith.constant 16000 : index
    %get3A_1000 = arith.constant 0 : index
    %get3A_1001 = vector.load %arg1[%get3A_999, %get3A_1000] : memref<25600x128xf32, #tpu.memory_space<vmem>>, vector<128x128xf32>
    %dot_general3A_1002 = arith.constant dense<0.000000e+00> : vector<1x128xf32>
    %dot_general3A_1003 = tpu.matmul %get3A_1, %get3A_1001, %dot_general3A_1002 {dimension_numbers = #tpu.dot_dimension_numbers<[1], [1], [0], [0], [0, 0, 1, 0], [], []>, transpose_lhs_hint = false} : vector<1x128xf32>, vector<128x128xf32>, vector<1x128xf32> -> vector<1x128xf32>
    %reshape3A_1004 = vector.shape_cast %dot_general3A_1003 : vector<1x128xf32> to vector<128xf32>
    %swap3A_1005 = arith.constant 16000 : index
    %swap3A_1006 = vector.load %arg4[%swap3A_1005] : memref<25600xf32, #tpu.memory_space<vmem>>, vector<128xf32>
    tpu.vector_store %arg4[%swap3A_1005], %reshape3A_1004 {strides = array<i32>} : memref<25600xf32, #tpu.memory_space<vmem>>, vector<128xf32>,
    %get3A_1007 = arith.constant 16128 : index
    %get3A_1008 = arith.constant 0 : index
    %get3A_1009 = vector.load %arg1[%get3A_1007, %get3A_1008] : memref<25600x128xf32, #tpu.memory_space<vmem>>, vector<128x128xf32>
    %dot_general3A_1010 = arith.constant dense<0.000000e+00> : vector<1x128xf32>
    %dot_general3A_1011 = tpu.matmul %get3A_1, %get3A_1009, %dot_general3A_1010 {dimension_numbers = #tpu.dot_dimension_numbers<[1], [1], [0], [0], [0, 0, 1, 0], [], []>, transpose_lhs_hint = false} : vector<1x128xf32>, vector<128x128xf32>, vector<1x128xf32> -> vector<1x128xf32>
    %reshape3A_1012 = vector.shape_cast %dot_general3A_1011 : vector<1x128xf32> to vector<128xf32>
    %swap3A_1013 = arith.constant 16128 : index
    %swap3A_1014 = vector.load %arg4[%swap3A_1013] : memref<25600xf32, #tpu.memory_space<vmem>>, vector<128xf32>
    tpu.vector_store %arg4[%swap3A_1013], %reshape3A_1012 {strides = array<i32>} : memref<25600xf32, #tpu.memory_space<vmem>>, vector<128xf32>,
    %get3A_1015 = arith.constant 16256 : index
    %get3A_1016 = arith.constant 0 : index
    %get3A_1017 = vector.load %arg1[%get3A_1015, %get3A_1016] : memref<25600x128xf32, #tpu.memory_space<vmem>>, vector<128x128xf32>
    %dot_general3A_1018 = arith.constant dense<0.000000e+00> : vector<1x128xf32>
    %dot_general3A_1019 = tpu.matmul %get3A_1, %get3A_1017, %dot_general3A_1018 {dimension_numbers = #tpu.dot_dimension_numbers<[1], [1], [0], [0], [0, 0, 1, 0], [], []>, transpose_lhs_hint = false} : vector<1x128xf32>, vector<128x128xf32>, vector<1x128xf32> -> vector<1x128xf32>
    %reshape3A_1020 = vector.shape_cast %dot_general3A_1019 : vector<1x128xf32> to vector<128xf32>
    %swap3A_1021 = arith.constant 16256 : index
    %swap3A_1022 = vector.load %arg4[%swap3A_1021] : memref<25600xf32, #tpu.memory_space<vmem>>, vector<128xf32>
    tpu.vector_store %arg4[%swap3A_1021], %reshape3A_1020 {strides = array<i32>} : memref<25600xf32, #tpu.memory_space<vmem>>, vector<128xf32>,
    %get3A_1023 = arith.constant 16384 : index
    %get3A_1024 = arith.constant 0 : index
    %get3A_1025 = vector.load %arg1[%get3A_1023, %get3A_1024] : memref<25600x128xf32, #tpu.memory_space<vmem>>, vector<128x128xf32>
    %dot_general3A_1026 = arith.constant dense<0.000000e+00> : vector<1x128xf32>
    %dot_general3A_1027 = tpu.matmul %get3A_1, %get3A_1025, %dot_general3A_1026 {dimension_numbers = #tpu.dot_dimension_numbers<[1], [1], [0], [0], [0, 0, 1, 0], [], []>, transpose_lhs_hint = false} : vector<1x128xf32>, vector<128x128xf32>, vector<1x128xf32> -> vector<1x128xf32>
    %reshape3A_1028 = vector.shape_cast %dot_general3A_1027 : vector<1x128xf32> to vector<128xf32>
    %swap3A_1029 = arith.constant 16384 : index
    %swap3A_1030 = vector.load %arg4[%swap3A_1029] : memref<25600xf32, #tpu.memory_space<vmem>>, vector<128xf32>
    tpu.vector_store %arg4[%swap3A_1029], %reshape3A_1028 {strides = array<i32>} : memref<25600xf32, #tpu.memory_space<vmem>>, vector<128xf32>,
    %get3A_1031 = arith.constant 16512 : index
    %get3A_1032 = arith.constant 0 : index
    %get3A_1033 = vector.load %arg1[%get3A_1031, %get3A_1032] : memref<25600x128xf32, #tpu.memory_space<vmem>>, vector<128x128xf32>
    %dot_general3A_1034 = arith.constant dense<0.000000e+00> : vector<1x128xf32>
    %dot_general3A_1035 = tpu.matmul %get3A_1, %get3A_1033, %dot_general3A_1034 {dimension_numbers = #tpu.dot_dimension_numbers<[1], [1], [0], [0], [0, 0, 1, 0], [], []>, transpose_lhs_hint = false} : vector<1x128xf32>, vector<128x128xf32>, vector<1x128xf32> -> vector<1x128xf32>
    %reshape3A_1036 = vector.shape_cast %dot_general3A_1035 : vector<1x128xf32> to vector<128xf32>
    %swap3A_1037 = arith.constant 16512 : index
    %swap3A_1038 = vector.load %arg4[%swap3A_1037] : memref<25600xf32, #tpu.memory_space<vmem>>, vector<128xf32>
    tpu.vector_store %arg4[%swap3A_1037], %reshape3A_1036 {strides = array<i32>} : memref<25600xf32, #tpu.memory_space<vmem>>, vector<128xf32>,
    %get3A_1039 = arith.constant 16640 : index
    %get3A_1040 = arith.constant 0 : index
    %get3A_1041 = vector.load %arg1[%get3A_1039, %get3A_1040] : memref<25600x128xf32, #tpu.memory_space<vmem>>, vector<128x128xf32>
    %dot_general3A_1042 = arith.constant dense<0.000000e+00> : vector<1x128xf32>
    %dot_general3A_1043 = tpu.matmul %get3A_1, %get3A_1041, %dot_general3A_1042 {dimension_numbers = #tpu.dot_dimension_numbers<[1], [1], [0], [0], [0, 0, 1, 0], [], []>, transpose_lhs_hint = false} : vector<1x128xf32>, vector<128x128xf32>, vector<1x128xf32> -> vector<1x128xf32>
    %reshape3A_1044 = vector.shape_cast %dot_general3A_1043 : vector<1x128xf32> to vector<128xf32>
    %swap3A_1045 = arith.constant 16640 : index
    %swap3A_1046 = vector.load %arg4[%swap3A_1045] : memref<25600xf32, #tpu.memory_space<vmem>>, vector<128xf32>
    tpu.vector_store %arg4[%swap3A_1045], %reshape3A_1044 {strides = array<i32>} : memref<25600xf32, #tpu.memory_space<vmem>>, vector<128xf32>,
    %get3A_1047 = arith.constant 16768 : index
    %get3A_1048 = arith.constant 0 : index
    %get3A_1049 = vector.load %arg1[%get3A_1047, %get3A_1048] : memref<25600x128xf32, #tpu.memory_space<vmem>>, vector<128x128xf32>
    %dot_general3A_1050 = arith.constant dense<0.000000e+00> : vector<1x128xf32>
    %dot_general3A_1051 = tpu.matmul %get3A_1, %get3A_1049, %dot_general3A_1050 {dimension_numbers = #tpu.dot_dimension_numbers<[1], [1], [0], [0], [0, 0, 1, 0], [], []>, transpose_lhs_hint = false} : vector<1x128xf32>, vector<128x128xf32>, vector<1x128xf32> -> vector<1x128xf32>
    %reshape3A_1052 = vector.shape_cast %dot_general3A_1051 : vector<1x128xf32> to vector<128xf32>
    %swap3A_1053 = arith.constant 16768 : index
    %swap3A_1054 = vector.load %arg4[%swap3A_1053] : memref<25600xf32, #tpu.memory_space<vmem>>, vector<128xf32>
    tpu.vector_store %arg4[%swap3A_1053], %reshape3A_1052 {strides = array<i32>} : memref<25600xf32, #tpu.memory_space<vmem>>, vector<128xf32>,
    %get3A_1055 = arith.constant 16896 : index
    %get3A_1056 = arith.constant 0 : index
    %get3A_1057 = vector.load %arg1[%get3A_1055, %get3A_1056] : memref<25600x128xf32, #tpu.memory_space<vmem>>, vector<128x128xf32>
    %dot_general3A_1058 = arith.constant dense<0.000000e+00> : vector<1x128xf32>
    %dot_general3A_1059 = tpu.matmul %get3A_1, %get3A_1057, %dot_general3A_1058 {dimension_numbers = #tpu.dot_dimension_numbers<[1], [1], [0], [0], [0, 0, 1, 0], [], []>, transpose_lhs_hint = false} : vector<1x128xf32>, vector<128x128xf32>, vector<1x128xf32> -> vector<1x128xf32>
    %reshape3A_1060 = vector.shape_cast %dot_general3A_1059 : vector<1x128xf32> to vector<128xf32>
    %swap3A_1061 = arith.constant 16896 : index
    %swap3A_1062 = vector.load %arg4[%swap3A_1061] : memref<25600xf32, #tpu.memory_space<vmem>>, vector<128xf32>
    tpu.vector_store %arg4[%swap3A_1061], %reshape3A_1060 {strides = array<i32>} : memref<25600xf32, #tpu.memory_space<vmem>>, vector<128xf32>,
    %get3A_1063 = arith.constant 17024 : index
    %get3A_1064 = arith.constant 0 : index
    %get3A_1065 = vector.load %arg1[%get3A_1063, %get3A_1064] : memref<25600x128xf32, #tpu.memory_space<vmem>>, vector<128x128xf32>
    %dot_general3A_1066 = arith.constant dense<0.000000e+00> : vector<1x128xf32>
    %dot_general3A_1067 = tpu.matmul %get3A_1, %get3A_1065, %dot_general3A_1066 {dimension_numbers = #tpu.dot_dimension_numbers<[1], [1], [0], [0], [0, 0, 1, 0], [], []>, transpose_lhs_hint = false} : vector<1x128xf32>, vector<128x128xf32>, vector<1x128xf32> -> vector<1x128xf32>
    %reshape3A_1068 = vector.shape_cast %dot_general3A_1067 : vector<1x128xf32> to vector<128xf32>
    %swap3A_1069 = arith.constant 17024 : index
    %swap3A_1070 = vector.load %arg4[%swap3A_1069] : memref<25600xf32, #tpu.memory_space<vmem>>, vector<128xf32>
    tpu.vector_store %arg4[%swap3A_1069], %reshape3A_1068 {strides = array<i32>} : memref<25600xf32, #tpu.memory_space<vmem>>, vector<128xf32>,
    %get3A_1071 = arith.constant 17152 : index
    %get3A_1072 = arith.constant 0 : index
    %get3A_1073 = vector.load %arg1[%get3A_1071, %get3A_1072] : memref<25600x128xf32, #tpu.memory_space<vmem>>, vector<128x128xf32>
    %dot_general3A_1074 = arith.constant dense<0.000000e+00> : vector<1x128xf32>
    %dot_general3A_1075 = tpu.matmul %get3A_1, %get3A_1073, %dot_general3A_1074 {dimension_numbers = #tpu.dot_dimension_numbers<[1], [1], [0], [0], [0, 0, 1, 0], [], []>, transpose_lhs_hint = false} : vector<1x128xf32>, vector<128x128xf32>, vector<1x128xf32> -> vector<1x128xf32>
    %reshape3A_1076 = vector.shape_cast %dot_general3A_1075 : vector<1x128xf32> to vector<128xf32>
    %swap3A_1077 = arith.constant 17152 : index
    %swap3A_1078 = vector.load %arg4[%swap3A_1077] : memref<25600xf32, #tpu.memory_space<vmem>>, vector<128xf32>
    tpu.vector_store %arg4[%swap3A_1077], %reshape3A_1076 {strides = array<i32>} : memref<25600xf32, #tpu.memory_space<vmem>>, vector<128xf32>,
    %get3A_1079 = arith.constant 17280 : index
    %get3A_1080 = arith.constant 0 : index
    %get3A_1081 = vector.load %arg1[%get3A_1079, %get3A_1080] : memref<25600x128xf32, #tpu.memory_space<vmem>>, vector<128x128xf32>
    %dot_general3A_1082 = arith.constant dense<0.000000e+00> : vector<1x128xf32>
    %dot_general3A_1083 = tpu.matmul %get3A_1, %get3A_1081, %dot_general3A_1082 {dimension_numbers = #tpu.dot_dimension_numbers<[1], [1], [0], [0], [0, 0, 1, 0], [], []>, transpose_lhs_hint = false} : vector<1x128xf32>, vector<128x128xf32>, vector<1x128xf32> -> vector<1x128xf32>
    %reshape3A_1084 = vector.shape_cast %dot_general3A_1083 : vector<1x128xf32> to vector<128xf32>
    %swap3A_1085 = arith.constant 17280 : index
    %swap3A_1086 = vector.load %arg4[%swap3A_1085] : memref<25600xf32, #tpu.memory_space<vmem>>, vector<128xf32>
    tpu.vector_store %arg4[%swap3A_1085], %reshape3A_1084 {strides = array<i32>} : memref<25600xf32, #tpu.memory_space<vmem>>, vector<128xf32>,
    %get3A_1087 = arith.constant 17408 : index
    %get3A_1088 = arith.constant 0 : index
    %get3A_1089 = vector.load %arg1[%get3A_1087, %get3A_1088] : memref<25600x128xf32, #tpu.memory_space<vmem>>, vector<128x128xf32>
    %dot_general3A_1090 = arith.constant dense<0.000000e+00> : vector<1x128xf32>
    %dot_general3A_1091 = tpu.matmul %get3A_1, %get3A_1089, %dot_general3A_1090 {dimension_numbers = #tpu.dot_dimension_numbers<[1], [1], [0], [0], [0, 0, 1, 0], [], []>, transpose_lhs_hint = false} : vector<1x128xf32>, vector<128x128xf32>, vector<1x128xf32> -> vector<1x128xf32>
    %reshape3A_1092 = vector.shape_cast %dot_general3A_1091 : vector<1x128xf32> to vector<128xf32>
    %swap3A_1093 = arith.constant 17408 : index
    %swap3A_1094 = vector.load %arg4[%swap3A_1093] : memref<25600xf32, #tpu.memory_space<vmem>>, vector<128xf32>
    tpu.vector_store %arg4[%swap3A_1093], %reshape3A_1092 {strides = array<i32>} : memref<25600xf32, #tpu.memory_space<vmem>>, vector<128xf32>,
    %get3A_1095 = arith.constant 17536 : index
    %get3A_1096 = arith.constant 0 : index
    %get3A_1097 = vector.load %arg1[%get3A_1095, %get3A_1096] : memref<25600x128xf32, #tpu.memory_space<vmem>>, vector<128x128xf32>
    %dot_general3A_1098 = arith.constant dense<0.000000e+00> : vector<1x128xf32>
    %dot_general3A_1099 = tpu.matmul %get3A_1, %get3A_1097, %dot_general3A_1098 {dimension_numbers = #tpu.dot_dimension_numbers<[1], [1], [0], [0], [0, 0, 1, 0], [], []>, transpose_lhs_hint = false} : vector<1x128xf32>, vector<128x128xf32>, vector<1x128xf32> -> vector<1x128xf32>
    %reshape3A_1100 = vector.shape_cast %dot_general3A_1099 : vector<1x128xf32> to vector<128xf32>
    %swap3A_1101 = arith.constant 17536 : index
    %swap3A_1102 = vector.load %arg4[%swap3A_1101] : memref<25600xf32, #tpu.memory_space<vmem>>, vector<128xf32>
    tpu.vector_store %arg4[%swap3A_1101], %reshape3A_1100 {strides = array<i32>} : memref<25600xf32, #tpu.memory_space<vmem>>, vector<128xf32>,
    %get3A_1103 = arith.constant 17664 : index
    %get3A_1104 = arith.constant 0 : index
    %get3A_1105 = vector.load %arg1[%get3A_1103, %get3A_1104] : memref<25600x128xf32, #tpu.memory_space<vmem>>, vector<128x128xf32>
    %dot_general3A_1106 = arith.constant dense<0.000000e+00> : vector<1x128xf32>
    %dot_general3A_1107 = tpu.matmul %get3A_1, %get3A_1105, %dot_general3A_1106 {dimension_numbers = #tpu.dot_dimension_numbers<[1], [1], [0], [0], [0, 0, 1, 0], [], []>, transpose_lhs_hint = false} : vector<1x128xf32>, vector<128x128xf32>, vector<1x128xf32> -> vector<1x128xf32>
    %reshape3A_1108 = vector.shape_cast %dot_general3A_1107 : vector<1x128xf32> to vector<128xf32>
    %swap3A_1109 = arith.constant 17664 : index
    %swap3A_1110 = vector.load %arg4[%swap3A_1109] : memref<25600xf32, #tpu.memory_space<vmem>>, vector<128xf32>
    tpu.vector_store %arg4[%swap3A_1109], %reshape3A_1108 {strides = array<i32>} : memref<25600xf32, #tpu.memory_space<vmem>>, vector<128xf32>,
    %get3A_1111 = arith.constant 17792 : index
    %get3A_1112 = arith.constant 0 : index
    %get3A_1113 = vector.load %arg1[%get3A_1111, %get3A_1112] : memref<25600x128xf32, #tpu.memory_space<vmem>>, vector<128x128xf32>
    %dot_general3A_1114 = arith.constant dense<0.000000e+00> : vector<1x128xf32>
    %dot_general3A_1115 = tpu.matmul %get3A_1, %get3A_1113, %dot_general3A_1114 {dimension_numbers = #tpu.dot_dimension_numbers<[1], [1], [0], [0], [0, 0, 1, 0], [], []>, transpose_lhs_hint = false} : vector<1x128xf32>, vector<128x128xf32>, vector<1x128xf32> -> vector<1x128xf32>
    %reshape3A_1116 = vector.shape_cast %dot_general3A_1115 : vector<1x128xf32> to vector<128xf32>
    %swap3A_1117 = arith.constant 17792 : index
    %swap3A_1118 = vector.load %arg4[%swap3A_1117] : memref<25600xf32, #tpu.memory_space<vmem>>, vector<128xf32>
    tpu.vector_store %arg4[%swap3A_1117], %reshape3A_1116 {strides = array<i32>} : memref<25600xf32, #tpu.memory_space<vmem>>, vector<128xf32>,
    %get3A_1119 = arith.constant 17920 : index
    %get3A_1120 = arith.constant 0 : index
    %get3A_1121 = vector.load %arg1[%get3A_1119, %get3A_1120] : memref<25600x128xf32, #tpu.memory_space<vmem>>, vector<128x128xf32>
    %dot_general3A_1122 = arith.constant dense<0.000000e+00> : vector<1x128xf32>
    %dot_general3A_1123 = tpu.matmul %get3A_1, %get3A_1121, %dot_general3A_1122 {dimension_numbers = #tpu.dot_dimension_numbers<[1], [1], [0], [0], [0, 0, 1, 0], [], []>, transpose_lhs_hint = false} : vector<1x128xf32>, vector<128x128xf32>, vector<1x128xf32> -> vector<1x128xf32>
    %reshape3A_1124 = vector.shape_cast %dot_general3A_1123 : vector<1x128xf32> to vector<128xf32>
    %swap3A_1125 = arith.constant 17920 : index
    %swap3A_1126 = vector.load %arg4[%swap3A_1125] : memref<25600xf32, #tpu.memory_space<vmem>>, vector<128xf32>
    tpu.vector_store %arg4[%swap3A_1125], %reshape3A_1124 {strides = array<i32>} : memref<25600xf32, #tpu.memory_space<vmem>>, vector<128xf32>,
    %get3A_1127 = arith.constant 18048 : index
    %get3A_1128 = arith.constant 0 : index
    %get3A_1129 = vector.load %arg1[%get3A_1127, %get3A_1128] : memref<25600x128xf32, #tpu.memory_space<vmem>>, vector<128x128xf32>
    %dot_general3A_1130 = arith.constant dense<0.000000e+00> : vector<1x128xf32>
    %dot_general3A_1131 = tpu.matmul %get3A_1, %get3A_1129, %dot_general3A_1130 {dimension_numbers = #tpu.dot_dimension_numbers<[1], [1], [0], [0], [0, 0, 1, 0], [], []>, transpose_lhs_hint = false} : vector<1x128xf32>, vector<128x128xf32>, vector<1x128xf32> -> vector<1x128xf32>
    %reshape3A_1132 = vector.shape_cast %dot_general3A_1131 : vector<1x128xf32> to vector<128xf32>
    %swap3A_1133 = arith.constant 18048 : index
    %swap3A_1134 = vector.load %arg4[%swap3A_1133] : memref<25600xf32, #tpu.memory_space<vmem>>, vector<128xf32>
    tpu.vector_store %arg4[%swap3A_1133], %reshape3A_1132 {strides = array<i32>} : memref<25600xf32, #tpu.memory_space<vmem>>, vector<128xf32>,
    %get3A_1135 = arith.constant 18176 : index
    %get3A_1136 = arith.constant 0 : index
    %get3A_1137 = vector.load %arg1[%get3A_1135, %get3A_1136] : memref<25600x128xf32, #tpu.memory_space<vmem>>, vector<128x128xf32>
    %dot_general3A_1138 = arith.constant dense<0.000000e+00> : vector<1x128xf32>
    %dot_general3A_1139 = tpu.matmul %get3A_1, %get3A_1137, %dot_general3A_1138 {dimension_numbers = #tpu.dot_dimension_numbers<[1], [1], [0], [0], [0, 0, 1, 0], [], []>, transpose_lhs_hint = false} : vector<1x128xf32>, vector<128x128xf32>, vector<1x128xf32> -> vector<1x128xf32>
    %reshape3A_1140 = vector.shape_cast %dot_general3A_1139 : vector<1x128xf32> to vector<128xf32>
    %swap3A_1141 = arith.constant 18176 : index
    %swap3A_1142 = vector.load %arg4[%swap3A_1141] : memref<25600xf32, #tpu.memory_space<vmem>>, vector<128xf32>
    tpu.vector_store %arg4[%swap3A_1141], %reshape3A_1140 {strides = array<i32>} : memref<25600xf32, #tpu.memory_space<vmem>>, vector<128xf32>,
    %get3A_1143 = arith.constant 18304 : index
    %get3A_1144 = arith.constant 0 : index
    %get3A_1145 = vector.load %arg1[%get3A_1143, %get3A_1144] : memref<25600x128xf32, #tpu.memory_space<vmem>>, vector<128x128xf32>
    %dot_general3A_1146 = arith.constant dense<0.000000e+00> : vector<1x128xf32>
    %dot_general3A_1147 = tpu.matmul %get3A_1, %get3A_1145, %dot_general3A_1146 {dimension_numbers = #tpu.dot_dimension_numbers<[1], [1], [0], [0], [0, 0, 1, 0], [], []>, transpose_lhs_hint = false} : vector<1x128xf32>, vector<128x128xf32>, vector<1x128xf32> -> vector<1x128xf32>
    %reshape3A_1148 = vector.shape_cast %dot_general3A_1147 : vector<1x128xf32> to vector<128xf32>
    %swap3A_1149 = arith.constant 18304 : index
    %swap3A_1150 = vector.load %arg4[%swap3A_1149] : memref<25600xf32, #tpu.memory_space<vmem>>, vector<128xf32>
    tpu.vector_store %arg4[%swap3A_1149], %reshape3A_1148 {strides = array<i32>} : memref<25600xf32, #tpu.memory_space<vmem>>, vector<128xf32>,
    %get3A_1151 = arith.constant 18432 : index
    %get3A_1152 = arith.constant 0 : index
    %get3A_1153 = vector.load %arg1[%get3A_1151, %get3A_1152] : memref<25600x128xf32, #tpu.memory_space<vmem>>, vector<128x128xf32>
    %dot_general3A_1154 = arith.constant dense<0.000000e+00> : vector<1x128xf32>
    %dot_general3A_1155 = tpu.matmul %get3A_1, %get3A_1153, %dot_general3A_1154 {dimension_numbers = #tpu.dot_dimension_numbers<[1], [1], [0], [0], [0, 0, 1, 0], [], []>, transpose_lhs_hint = false} : vector<1x128xf32>, vector<128x128xf32>, vector<1x128xf32> -> vector<1x128xf32>
    %reshape3A_1156 = vector.shape_cast %dot_general3A_1155 : vector<1x128xf32> to vector<128xf32>
    %swap3A_1157 = arith.constant 18432 : index
    %swap3A_1158 = vector.load %arg4[%swap3A_1157] : memref<25600xf32, #tpu.memory_space<vmem>>, vector<128xf32>
    tpu.vector_store %arg4[%swap3A_1157], %reshape3A_1156 {strides = array<i32>} : memref<25600xf32, #tpu.memory_space<vmem>>, vector<128xf32>,
    %get3A_1159 = arith.constant 18560 : index
    %get3A_1160 = arith.constant 0 : index
    %get3A_1161 = vector.load %arg1[%get3A_1159, %get3A_1160] : memref<25600x128xf32, #tpu.memory_space<vmem>>, vector<128x128xf32>
    %dot_general3A_1162 = arith.constant dense<0.000000e+00> : vector<1x128xf32>
    %dot_general3A_1163 = tpu.matmul %get3A_1, %get3A_1161, %dot_general3A_1162 {dimension_numbers = #tpu.dot_dimension_numbers<[1], [1], [0], [0], [0, 0, 1, 0], [], []>, transpose_lhs_hint = false} : vector<1x128xf32>, vector<128x128xf32>, vector<1x128xf32> -> vector<1x128xf32>
    %reshape3A_1164 = vector.shape_cast %dot_general3A_1163 : vector<1x128xf32> to vector<128xf32>
    %swap3A_1165 = arith.constant 18560 : index
    %swap3A_1166 = vector.load %arg4[%swap3A_1165] : memref<25600xf32, #tpu.memory_space<vmem>>, vector<128xf32>
    tpu.vector_store %arg4[%swap3A_1165], %reshape3A_1164 {strides = array<i32>} : memref<25600xf32, #tpu.memory_space<vmem>>, vector<128xf32>,
    %get3A_1167 = arith.constant 18688 : index
    %get3A_1168 = arith.constant 0 : index
    %get3A_1169 = vector.load %arg1[%get3A_1167, %get3A_1168] : memref<25600x128xf32, #tpu.memory_space<vmem>>, vector<128x128xf32>
    %dot_general3A_1170 = arith.constant dense<0.000000e+00> : vector<1x128xf32>
    %dot_general3A_1171 = tpu.matmul %get3A_1, %get3A_1169, %dot_general3A_1170 {dimension_numbers = #tpu.dot_dimension_numbers<[1], [1], [0], [0], [0, 0, 1, 0], [], []>, transpose_lhs_hint = false} : vector<1x128xf32>, vector<128x128xf32>, vector<1x128xf32> -> vector<1x128xf32>
    %reshape3A_1172 = vector.shape_cast %dot_general3A_1171 : vector<1x128xf32> to vector<128xf32>
    %swap3A_1173 = arith.constant 18688 : index
    %swap3A_1174 = vector.load %arg4[%swap3A_1173] : memref<25600xf32, #tpu.memory_space<vmem>>, vector<128xf32>
    tpu.vector_store %arg4[%swap3A_1173], %reshape3A_1172 {strides = array<i32>} : memref<25600xf32, #tpu.memory_space<vmem>>, vector<128xf32>,
    %get3A_1175 = arith.constant 18816 : index
    %get3A_1176 = arith.constant 0 : index
    %get3A_1177 = vector.load %arg1[%get3A_1175, %get3A_1176] : memref<25600x128xf32, #tpu.memory_space<vmem>>, vector<128x128xf32>
    %dot_general3A_1178 = arith.constant dense<0.000000e+00> : vector<1x128xf32>
    %dot_general3A_1179 = tpu.matmul %get3A_1, %get3A_1177, %dot_general3A_1178 {dimension_numbers = #tpu.dot_dimension_numbers<[1], [1], [0], [0], [0, 0, 1, 0], [], []>, transpose_lhs_hint = false} : vector<1x128xf32>, vector<128x128xf32>, vector<1x128xf32> -> vector<1x128xf32>
    %reshape3A_1180 = vector.shape_cast %dot_general3A_1179 : vector<1x128xf32> to vector<128xf32>
    %swap3A_1181 = arith.constant 18816 : index
    %swap3A_1182 = vector.load %arg4[%swap3A_1181] : memref<25600xf32, #tpu.memory_space<vmem>>, vector<128xf32>
    tpu.vector_store %arg4[%swap3A_1181], %reshape3A_1180 {strides = array<i32>} : memref<25600xf32, #tpu.memory_space<vmem>>, vector<128xf32>,
    %get3A_1183 = arith.constant 18944 : index
    %get3A_1184 = arith.constant 0 : index
    %get3A_1185 = vector.load %arg1[%get3A_1183, %get3A_1184] : memref<25600x128xf32, #tpu.memory_space<vmem>>, vector<128x128xf32>
    %dot_general3A_1186 = arith.constant dense<0.000000e+00> : vector<1x128xf32>
    %dot_general3A_1187 = tpu.matmul %get3A_1, %get3A_1185, %dot_general3A_1186 {dimension_numbers = #tpu.dot_dimension_numbers<[1], [1], [0], [0], [0, 0, 1, 0], [], []>, transpose_lhs_hint = false} : vector<1x128xf32>, vector<128x128xf32>, vector<1x128xf32> -> vector<1x128xf32>
    %reshape3A_1188 = vector.shape_cast %dot_general3A_1187 : vector<1x128xf32> to vector<128xf32>
    %swap3A_1189 = arith.constant 18944 : index
    %swap3A_1190 = vector.load %arg4[%swap3A_1189] : memref<25600xf32, #tpu.memory_space<vmem>>, vector<128xf32>
    tpu.vector_store %arg4[%swap3A_1189], %reshape3A_1188 {strides = array<i32>} : memref<25600xf32, #tpu.memory_space<vmem>>, vector<128xf32>,
    %get3A_1191 = arith.constant 19072 : index
    %get3A_1192 = arith.constant 0 : index
    %get3A_1193 = vector.load %arg1[%get3A_1191, %get3A_1192] : memref<25600x128xf32, #tpu.memory_space<vmem>>, vector<128x128xf32>
    %dot_general3A_1194 = arith.constant dense<0.000000e+00> : vector<1x128xf32>
    %dot_general3A_1195 = tpu.matmul %get3A_1, %get3A_1193, %dot_general3A_1194 {dimension_numbers = #tpu.dot_dimension_numbers<[1], [1], [0], [0], [0, 0, 1, 0], [], []>, transpose_lhs_hint = false} : vector<1x128xf32>, vector<128x128xf32>, vector<1x128xf32> -> vector<1x128xf32>
    %reshape3A_1196 = vector.shape_cast %dot_general3A_1195 : vector<1x128xf32> to vector<128xf32>
    %swap3A_1197 = arith.constant 19072 : index
    %swap3A_1198 = vector.load %arg4[%swap3A_1197] : memref<25600xf32, #tpu.memory_space<vmem>>, vector<128xf32>
    tpu.vector_store %arg4[%swap3A_1197], %reshape3A_1196 {strides = array<i32>} : memref<25600xf32, #tpu.memory_space<vmem>>, vector<128xf32>,
    %get3A_1199 = arith.constant 19200 : index
    %get3A_1200 = arith.constant 0 : index
    %get3A_1201 = vector.load %arg1[%get3A_1199, %get3A_1200] : memref<25600x128xf32, #tpu.memory_space<vmem>>, vector<128x128xf32>
    %dot_general3A_1202 = arith.constant dense<0.000000e+00> : vector<1x128xf32>
    %dot_general3A_1203 = tpu.matmul %get3A_1, %get3A_1201, %dot_general3A_1202 {dimension_numbers = #tpu.dot_dimension_numbers<[1], [1], [0], [0], [0, 0, 1, 0], [], []>, transpose_lhs_hint = false} : vector<1x128xf32>, vector<128x128xf32>, vector<1x128xf32> -> vector<1x128xf32>
    %reshape3A_1204 = vector.shape_cast %dot_general3A_1203 : vector<1x128xf32> to vector<128xf32>
    %swap3A_1205 = arith.constant 19200 : index
    %swap3A_1206 = vector.load %arg4[%swap3A_1205] : memref<25600xf32, #tpu.memory_space<vmem>>, vector<128xf32>
    tpu.vector_store %arg4[%swap3A_1205], %reshape3A_1204 {strides = array<i32>} : memref<25600xf32, #tpu.memory_space<vmem>>, vector<128xf32>,
    %get3A_1207 = arith.constant 19328 : index
    %get3A_1208 = arith.constant 0 : index
    %get3A_1209 = vector.load %arg1[%get3A_1207, %get3A_1208] : memref<25600x128xf32, #tpu.memory_space<vmem>>, vector<128x128xf32>
    %dot_general3A_1210 = arith.constant dense<0.000000e+00> : vector<1x128xf32>
    %dot_general3A_1211 = tpu.matmul %get3A_1, %get3A_1209, %dot_general3A_1210 {dimension_numbers = #tpu.dot_dimension_numbers<[1], [1], [0], [0], [0, 0, 1, 0], [], []>, transpose_lhs_hint = false} : vector<1x128xf32>, vector<128x128xf32>, vector<1x128xf32> -> vector<1x128xf32>
    %reshape3A_1212 = vector.shape_cast %dot_general3A_1211 : vector<1x128xf32> to vector<128xf32>
    %swap3A_1213 = arith.constant 19328 : index
    %swap3A_1214 = vector.load %arg4[%swap3A_1213] : memref<25600xf32, #tpu.memory_space<vmem>>, vector<128xf32>
    tpu.vector_store %arg4[%swap3A_1213], %reshape3A_1212 {strides = array<i32>} : memref<25600xf32, #tpu.memory_space<vmem>>, vector<128xf32>,
    %get3A_1215 = arith.constant 19456 : index
    %get3A_1216 = arith.constant 0 : index
    %get3A_1217 = vector.load %arg1[%get3A_1215, %get3A_1216] : memref<25600x128xf32, #tpu.memory_space<vmem>>, vector<128x128xf32>
    %dot_general3A_1218 = arith.constant dense<0.000000e+00> : vector<1x128xf32>
    %dot_general3A_1219 = tpu.matmul %get3A_1, %get3A_1217, %dot_general3A_1218 {dimension_numbers = #tpu.dot_dimension_numbers<[1], [1], [0], [0], [0, 0, 1, 0], [], []>, transpose_lhs_hint = false} : vector<1x128xf32>, vector<128x128xf32>, vector<1x128xf32> -> vector<1x128xf32>
    %reshape3A_1220 = vector.shape_cast %dot_general3A_1219 : vector<1x128xf32> to vector<128xf32>
    %swap3A_1221 = arith.constant 19456 : index
    %swap3A_1222 = vector.load %arg4[%swap3A_1221] : memref<25600xf32, #tpu.memory_space<vmem>>, vector<128xf32>
    tpu.vector_store %arg4[%swap3A_1221], %reshape3A_1220 {strides = array<i32>} : memref<25600xf32, #tpu.memory_space<vmem>>, vector<128xf32>,
    %get3A_1223 = arith.constant 19584 : index
    %get3A_1224 = arith.constant 0 : index
    %get3A_1225 = vector.load %arg1[%get3A_1223, %get3A_1224] : memref<25600x128xf32, #tpu.memory_space<vmem>>, vector<128x128xf32>
    %dot_general3A_1226 = arith.constant dense<0.000000e+00> : vector<1x128xf32>
    %dot_general3A_1227 = tpu.matmul %get3A_1, %get3A_1225, %dot_general3A_1226 {dimension_numbers = #tpu.dot_dimension_numbers<[1], [1], [0], [0], [0, 0, 1, 0], [], []>, transpose_lhs_hint = false} : vector<1x128xf32>, vector<128x128xf32>, vector<1x128xf32> -> vector<1x128xf32>
    %reshape3A_1228 = vector.shape_cast %dot_general3A_1227 : vector<1x128xf32> to vector<128xf32>
    %swap3A_1229 = arith.constant 19584 : index
    %swap3A_1230 = vector.load %arg4[%swap3A_1229] : memref<25600xf32, #tpu.memory_space<vmem>>, vector<128xf32>
    tpu.vector_store %arg4[%swap3A_1229], %reshape3A_1228 {strides = array<i32>} : memref<25600xf32, #tpu.memory_space<vmem>>, vector<128xf32>,
    %get3A_1231 = arith.constant 19712 : index
    %get3A_1232 = arith.constant 0 : index
    %get3A_1233 = vector.load %arg1[%get3A_1231, %get3A_1232] : memref<25600x128xf32, #tpu.memory_space<vmem>>, vector<128x128xf32>
    %dot_general3A_1234 = arith.constant dense<0.000000e+00> : vector<1x128xf32>
    %dot_general3A_1235 = tpu.matmul %get3A_1, %get3A_1233, %dot_general3A_1234 {dimension_numbers = #tpu.dot_dimension_numbers<[1], [1], [0], [0], [0, 0, 1, 0], [], []>, transpose_lhs_hint = false} : vector<1x128xf32>, vector<128x128xf32>, vector<1x128xf32> -> vector<1x128xf32>
    %reshape3A_1236 = vector.shape_cast %dot_general3A_1235 : vector<1x128xf32> to vector<128xf32>
    %swap3A_1237 = arith.constant 19712 : index
    %swap3A_1238 = vector.load %arg4[%swap3A_1237] : memref<25600xf32, #tpu.memory_space<vmem>>, vector<128xf32>
    tpu.vector_store %arg4[%swap3A_1237], %reshape3A_1236 {strides = array<i32>} : memref<25600xf32, #tpu.memory_space<vmem>>, vector<128xf32>,
    %get3A_1239 = arith.constant 19840 : index
    %get3A_1240 = arith.constant 0 : index
    %get3A_1241 = vector.load %arg1[%get3A_1239, %get3A_1240] : memref<25600x128xf32, #tpu.memory_space<vmem>>, vector<128x128xf32>
    %dot_general3A_1242 = arith.constant dense<0.000000e+00> : vector<1x128xf32>
    %dot_general3A_1243 = tpu.matmul %get3A_1, %get3A_1241, %dot_general3A_1242 {dimension_numbers = #tpu.dot_dimension_numbers<[1], [1], [0], [0], [0, 0, 1, 0], [], []>, transpose_lhs_hint = false} : vector<1x128xf32>, vector<128x128xf32>, vector<1x128xf32> -> vector<1x128xf32>
    %reshape3A_1244 = vector.shape_cast %dot_general3A_1243 : vector<1x128xf32> to vector<128xf32>
    %swap3A_1245 = arith.constant 19840 : index
    %swap3A_1246 = vector.load %arg4[%swap3A_1245] : memref<25600xf32, #tpu.memory_space<vmem>>, vector<128xf32>
    tpu.vector_store %arg4[%swap3A_1245], %reshape3A_1244 {strides = array<i32>} : memref<25600xf32, #tpu.memory_space<vmem>>, vector<128xf32>,
    %get3A_1247 = arith.constant 19968 : index
    %get3A_1248 = arith.constant 0 : index
    %get3A_1249 = vector.load %arg1[%get3A_1247, %get3A_1248] : memref<25600x128xf32, #tpu.memory_space<vmem>>, vector<128x128xf32>
    %dot_general3A_1250 = arith.constant dense<0.000000e+00> : vector<1x128xf32>
    %dot_general3A_1251 = tpu.matmul %get3A_1, %get3A_1249, %dot_general3A_1250 {dimension_numbers = #tpu.dot_dimension_numbers<[1], [1], [0], [0], [0, 0, 1, 0], [], []>, transpose_lhs_hint = false} : vector<1x128xf32>, vector<128x128xf32>, vector<1x128xf32> -> vector<1x128xf32>
    %reshape3A_1252 = vector.shape_cast %dot_general3A_1251 : vector<1x128xf32> to vector<128xf32>
    %swap3A_1253 = arith.constant 19968 : index
    %swap3A_1254 = vector.load %arg4[%swap3A_1253] : memref<25600xf32, #tpu.memory_space<vmem>>, vector<128xf32>
    tpu.vector_store %arg4[%swap3A_1253], %reshape3A_1252 {strides = array<i32>} : memref<25600xf32, #tpu.memory_space<vmem>>, vector<128xf32>,
    %get3A_1255 = arith.constant 20096 : index
    %get3A_1256 = arith.constant 0 : index
    %get3A_1257 = vector.load %arg1[%get3A_1255, %get3A_1256] : memref<25600x128xf32, #tpu.memory_space<vmem>>, vector<128x128xf32>
    %dot_general3A_1258 = arith.constant dense<0.000000e+00> : vector<1x128xf32>
    %dot_general3A_1259 = tpu.matmul %get3A_1, %get3A_1257, %dot_general3A_1258 {dimension_numbers = #tpu.dot_dimension_numbers<[1], [1], [0], [0], [0, 0, 1, 0], [], []>, transpose_lhs_hint = false} : vector<1x128xf32>, vector<128x128xf32>, vector<1x128xf32> -> vector<1x128xf32>
    %reshape3A_1260 = vector.shape_cast %dot_general3A_1259 : vector<1x128xf32> to vector<128xf32>
    %swap3A_1261 = arith.constant 20096 : index
    %swap3A_1262 = vector.load %arg4[%swap3A_1261] : memref<25600xf32, #tpu.memory_space<vmem>>, vector<128xf32>
    tpu.vector_store %arg4[%swap3A_1261], %reshape3A_1260 {strides = array<i32>} : memref<25600xf32, #tpu.memory_space<vmem>>, vector<128xf32>,
    %get3A_1263 = arith.constant 20224 : index
    %get3A_1264 = arith.constant 0 : index
    %get3A_1265 = vector.load %arg1[%get3A_1263, %get3A_1264] : memref<25600x128xf32, #tpu.memory_space<vmem>>, vector<128x128xf32>
    %dot_general3A_1266 = arith.constant dense<0.000000e+00> : vector<1x128xf32>
    %dot_general3A_1267 = tpu.matmul %get3A_1, %get3A_1265, %dot_general3A_1266 {dimension_numbers = #tpu.dot_dimension_numbers<[1], [1], [0], [0], [0, 0, 1, 0], [], []>, transpose_lhs_hint = false} : vector<1x128xf32>, vector<128x128xf32>, vector<1x128xf32> -> vector<1x128xf32>
    %reshape3A_1268 = vector.shape_cast %dot_general3A_1267 : vector<1x128xf32> to vector<128xf32>
    %swap3A_1269 = arith.constant 20224 : index
    %swap3A_1270 = vector.load %arg4[%swap3A_1269] : memref<25600xf32, #tpu.memory_space<vmem>>, vector<128xf32>
    tpu.vector_store %arg4[%swap3A_1269], %reshape3A_1268 {strides = array<i32>} : memref<25600xf32, #tpu.memory_space<vmem>>, vector<128xf32>,
    %get3A_1271 = arith.constant 20352 : index
    %get3A_1272 = arith.constant 0 : index
    %get3A_1273 = vector.load %arg1[%get3A_1271, %get3A_1272] : memref<25600x128xf32, #tpu.memory_space<vmem>>, vector<128x128xf32>
    %dot_general3A_1274 = arith.constant dense<0.000000e+00> : vector<1x128xf32>
    %dot_general3A_1275 = tpu.matmul %get3A_1, %get3A_1273, %dot_general3A_1274 {dimension_numbers = #tpu.dot_dimension_numbers<[1], [1], [0], [0], [0, 0, 1, 0], [], []>, transpose_lhs_hint = false} : vector<1x128xf32>, vector<128x128xf32>, vector<1x128xf32> -> vector<1x128xf32>
    %reshape3A_1276 = vector.shape_cast %dot_general3A_1275 : vector<1x128xf32> to vector<128xf32>
    %swap3A_1277 = arith.constant 20352 : index
    %swap3A_1278 = vector.load %arg4[%swap3A_1277] : memref<25600xf32, #tpu.memory_space<vmem>>, vector<128xf32>
    tpu.vector_store %arg4[%swap3A_1277], %reshape3A_1276 {strides = array<i32>} : memref<25600xf32, #tpu.memory_space<vmem>>, vector<128xf32>,
    %get3A_1279 = arith.constant 20480 : index
    %get3A_1280 = arith.constant 0 : index
    %get3A_1281 = vector.load %arg1[%get3A_1279, %get3A_1280] : memref<25600x128xf32, #tpu.memory_space<vmem>>, vector<128x128xf32>
    %dot_general3A_1282 = arith.constant dense<0.000000e+00> : vector<1x128xf32>
    %dot_general3A_1283 = tpu.matmul %get3A_1, %get3A_1281, %dot_general3A_1282 {dimension_numbers = #tpu.dot_dimension_numbers<[1], [1], [0], [0], [0, 0, 1, 0], [], []>, transpose_lhs_hint = false} : vector<1x128xf32>, vector<128x128xf32>, vector<1x128xf32> -> vector<1x128xf32>
    %reshape3A_1284 = vector.shape_cast %dot_general3A_1283 : vector<1x128xf32> to vector<128xf32>
    %swap3A_1285 = arith.constant 20480 : index
    %swap3A_1286 = vector.load %arg4[%swap3A_1285] : memref<25600xf32, #tpu.memory_space<vmem>>, vector<128xf32>
    tpu.vector_store %arg4[%swap3A_1285], %reshape3A_1284 {strides = array<i32>} : memref<25600xf32, #tpu.memory_space<vmem>>, vector<128xf32>,
    %get3A_1287 = arith.constant 20608 : index
    %get3A_1288 = arith.constant 0 : index
    %get3A_1289 = vector.load %arg1[%get3A_1287, %get3A_1288] : memref<25600x128xf32, #tpu.memory_space<vmem>>, vector<128x128xf32>
    %dot_general3A_1290 = arith.constant dense<0.000000e+00> : vector<1x128xf32>
    %dot_general3A_1291 = tpu.matmul %get3A_1, %get3A_1289, %dot_general3A_1290 {dimension_numbers = #tpu.dot_dimension_numbers<[1], [1], [0], [0], [0, 0, 1, 0], [], []>, transpose_lhs_hint = false} : vector<1x128xf32>, vector<128x128xf32>, vector<1x128xf32> -> vector<1x128xf32>
    %reshape3A_1292 = vector.shape_cast %dot_general3A_1291 : vector<1x128xf32> to vector<128xf32>
    %swap3A_1293 = arith.constant 20608 : index
    %swap3A_1294 = vector.load %arg4[%swap3A_1293] : memref<25600xf32, #tpu.memory_space<vmem>>, vector<128xf32>
    tpu.vector_store %arg4[%swap3A_1293], %reshape3A_1292 {strides = array<i32>} : memref<25600xf32, #tpu.memory_space<vmem>>, vector<128xf32>,
    %get3A_1295 = arith.constant 20736 : index
    %get3A_1296 = arith.constant 0 : index
    %get3A_1297 = vector.load %arg1[%get3A_1295, %get3A_1296] : memref<25600x128xf32, #tpu.memory_space<vmem>>, vector<128x128xf32>
    %dot_general3A_1298 = arith.constant dense<0.000000e+00> : vector<1x128xf32>
    %dot_general3A_1299 = tpu.matmul %get3A_1, %get3A_1297, %dot_general3A_1298 {dimension_numbers = #tpu.dot_dimension_numbers<[1], [1], [0], [0], [0, 0, 1, 0], [], []>, transpose_lhs_hint = false} : vector<1x128xf32>, vector<128x128xf32>, vector<1x128xf32> -> vector<1x128xf32>
    %reshape3A_1300 = vector.shape_cast %dot_general3A_1299 : vector<1x128xf32> to vector<128xf32>
    %swap3A_1301 = arith.constant 20736 : index
    %swap3A_1302 = vector.load %arg4[%swap3A_1301] : memref<25600xf32, #tpu.memory_space<vmem>>, vector<128xf32>
    tpu.vector_store %arg4[%swap3A_1301], %reshape3A_1300 {strides = array<i32>} : memref<25600xf32, #tpu.memory_space<vmem>>, vector<128xf32>,
    %get3A_1303 = arith.constant 20864 : index
    %get3A_1304 = arith.constant 0 : index
    %get3A_1305 = vector.load %arg1[%get3A_1303, %get3A_1304] : memref<25600x128xf32, #tpu.memory_space<vmem>>, vector<128x128xf32>
    %dot_general3A_1306 = arith.constant dense<0.000000e+00> : vector<1x128xf32>
    %dot_general3A_1307 = tpu.matmul %get3A_1, %get3A_1305, %dot_general3A_1306 {dimension_numbers = #tpu.dot_dimension_numbers<[1], [1], [0], [0], [0, 0, 1, 0], [], []>, transpose_lhs_hint = false} : vector<1x128xf32>, vector<128x128xf32>, vector<1x128xf32> -> vector<1x128xf32>
    %reshape3A_1308 = vector.shape_cast %dot_general3A_1307 : vector<1x128xf32> to vector<128xf32>
    %swap3A_1309 = arith.constant 20864 : index
    %swap3A_1310 = vector.load %arg4[%swap3A_1309] : memref<25600xf32, #tpu.memory_space<vmem>>, vector<128xf32>
    tpu.vector_store %arg4[%swap3A_1309], %reshape3A_1308 {strides = array<i32>} : memref<25600xf32, #tpu.memory_space<vmem>>, vector<128xf32>,
    %get3A_1311 = arith.constant 20992 : index
    %get3A_1312 = arith.constant 0 : index
    %get3A_1313 = vector.load %arg1[%get3A_1311, %get3A_1312] : memref<25600x128xf32, #tpu.memory_space<vmem>>, vector<128x128xf32>
    %dot_general3A_1314 = arith.constant dense<0.000000e+00> : vector<1x128xf32>
    %dot_general3A_1315 = tpu.matmul %get3A_1, %get3A_1313, %dot_general3A_1314 {dimension_numbers = #tpu.dot_dimension_numbers<[1], [1], [0], [0], [0, 0, 1, 0], [], []>, transpose_lhs_hint = false} : vector<1x128xf32>, vector<128x128xf32>, vector<1x128xf32> -> vector<1x128xf32>
    %reshape3A_1316 = vector.shape_cast %dot_general3A_1315 : vector<1x128xf32> to vector<128xf32>
    %swap3A_1317 = arith.constant 20992 : index
    %swap3A_1318 = vector.load %arg4[%swap3A_1317] : memref<25600xf32, #tpu.memory_space<vmem>>, vector<128xf32>
    tpu.vector_store %arg4[%swap3A_1317], %reshape3A_1316 {strides = array<i32>} : memref<25600xf32, #tpu.memory_space<vmem>>, vector<128xf32>,
    %get3A_1319 = arith.constant 21120 : index
    %get3A_1320 = arith.constant 0 : index
    %get3A_1321 = vector.load %arg1[%get3A_1319, %get3A_1320] : memref<25600x128xf32, #tpu.memory_space<vmem>>, vector<128x128xf32>
    %dot_general3A_1322 = arith.constant dense<0.000000e+00> : vector<1x128xf32>
    %dot_general3A_1323 = tpu.matmul %get3A_1, %get3A_1321, %dot_general3A_1322 {dimension_numbers = #tpu.dot_dimension_numbers<[1], [1], [0], [0], [0, 0, 1, 0], [], []>, transpose_lhs_hint = false} : vector<1x128xf32>, vector<128x128xf32>, vector<1x128xf32> -> vector<1x128xf32>
    %reshape3A_1324 = vector.shape_cast %dot_general3A_1323 : vector<1x128xf32> to vector<128xf32>
    %swap3A_1325 = arith.constant 21120 : index
    %swap3A_1326 = vector.load %arg4[%swap3A_1325] : memref<25600xf32, #tpu.memory_space<vmem>>, vector<128xf32>
    tpu.vector_store %arg4[%swap3A_1325], %reshape3A_1324 {strides = array<i32>} : memref<25600xf32, #tpu.memory_space<vmem>>, vector<128xf32>,
    %get3A_1327 = arith.constant 21248 : index
    %get3A_1328 = arith.constant 0 : index
    %get3A_1329 = vector.load %arg1[%get3A_1327, %get3A_1328] : memref<25600x128xf32, #tpu.memory_space<vmem>>, vector<128x128xf32>
    %dot_general3A_1330 = arith.constant dense<0.000000e+00> : vector<1x128xf32>
    %dot_general3A_1331 = tpu.matmul %get3A_1, %get3A_1329, %dot_general3A_1330 {dimension_numbers = #tpu.dot_dimension_numbers<[1], [1], [0], [0], [0, 0, 1, 0], [], []>, transpose_lhs_hint = false} : vector<1x128xf32>, vector<128x128xf32>, vector<1x128xf32> -> vector<1x128xf32>
    %reshape3A_1332 = vector.shape_cast %dot_general3A_1331 : vector<1x128xf32> to vector<128xf32>
    %swap3A_1333 = arith.constant 21248 : index
    %swap3A_1334 = vector.load %arg4[%swap3A_1333] : memref<25600xf32, #tpu.memory_space<vmem>>, vector<128xf32>
    tpu.vector_store %arg4[%swap3A_1333], %reshape3A_1332 {strides = array<i32>} : memref<25600xf32, #tpu.memory_space<vmem>>, vector<128xf32>,
    %get3A_1335 = arith.constant 21376 : index
    %get3A_1336 = arith.constant 0 : index
    %get3A_1337 = vector.load %arg1[%get3A_1335, %get3A_1336] : memref<25600x128xf32, #tpu.memory_space<vmem>>, vector<128x128xf32>
    %dot_general3A_1338 = arith.constant dense<0.000000e+00> : vector<1x128xf32>
    %dot_general3A_1339 = tpu.matmul %get3A_1, %get3A_1337, %dot_general3A_1338 {dimension_numbers = #tpu.dot_dimension_numbers<[1], [1], [0], [0], [0, 0, 1, 0], [], []>, transpose_lhs_hint = false} : vector<1x128xf32>, vector<128x128xf32>, vector<1x128xf32> -> vector<1x128xf32>
    %reshape3A_1340 = vector.shape_cast %dot_general3A_1339 : vector<1x128xf32> to vector<128xf32>
    %swap3A_1341 = arith.constant 21376 : index
    %swap3A_1342 = vector.load %arg4[%swap3A_1341] : memref<25600xf32, #tpu.memory_space<vmem>>, vector<128xf32>
    tpu.vector_store %arg4[%swap3A_1341], %reshape3A_1340 {strides = array<i32>} : memref<25600xf32, #tpu.memory_space<vmem>>, vector<128xf32>,
    %get3A_1343 = arith.constant 21504 : index
    %get3A_1344 = arith.constant 0 : index
    %get3A_1345 = vector.load %arg1[%get3A_1343, %get3A_1344] : memref<25600x128xf32, #tpu.memory_space<vmem>>, vector<128x128xf32>
    %dot_general3A_1346 = arith.constant dense<0.000000e+00> : vector<1x128xf32>
    %dot_general3A_1347 = tpu.matmul %get3A_1, %get3A_1345, %dot_general3A_1346 {dimension_numbers = #tpu.dot_dimension_numbers<[1], [1], [0], [0], [0, 0, 1, 0], [], []>, transpose_lhs_hint = false} : vector<1x128xf32>, vector<128x128xf32>, vector<1x128xf32> -> vector<1x128xf32>
    %reshape3A_1348 = vector.shape_cast %dot_general3A_1347 : vector<1x128xf32> to vector<128xf32>
    %swap3A_1349 = arith.constant 21504 : index
    %swap3A_1350 = vector.load %arg4[%swap3A_1349] : memref<25600xf32, #tpu.memory_space<vmem>>, vector<128xf32>
    tpu.vector_store %arg4[%swap3A_1349], %reshape3A_1348 {strides = array<i32>} : memref<25600xf32, #tpu.memory_space<vmem>>, vector<128xf32>,
    %get3A_1351 = arith.constant 21632 : index
    %get3A_1352 = arith.constant 0 : index
    %get3A_1353 = vector.load %arg1[%get3A_1351, %get3A_1352] : memref<25600x128xf32, #tpu.memory_space<vmem>>, vector<128x128xf32>
    %dot_general3A_1354 = arith.constant dense<0.000000e+00> : vector<1x128xf32>
    %dot_general3A_1355 = tpu.matmul %get3A_1, %get3A_1353, %dot_general3A_1354 {dimension_numbers = #tpu.dot_dimension_numbers<[1], [1], [0], [0], [0, 0, 1, 0], [], []>, transpose_lhs_hint = false} : vector<1x128xf32>, vector<128x128xf32>, vector<1x128xf32> -> vector<1x128xf32>
    %reshape3A_1356 = vector.shape_cast %dot_general3A_1355 : vector<1x128xf32> to vector<128xf32>
    %swap3A_1357 = arith.constant 21632 : index
    %swap3A_1358 = vector.load %arg4[%swap3A_1357] : memref<25600xf32, #tpu.memory_space<vmem>>, vector<128xf32>
    tpu.vector_store %arg4[%swap3A_1357], %reshape3A_1356 {strides = array<i32>} : memref<25600xf32, #tpu.memory_space<vmem>>, vector<128xf32>,
    %get3A_1359 = arith.constant 21760 : index
    %get3A_1360 = arith.constant 0 : index
    %get3A_1361 = vector.load %arg1[%get3A_1359, %get3A_1360] : memref<25600x128xf32, #tpu.memory_space<vmem>>, vector<128x128xf32>
    %dot_general3A_1362 = arith.constant dense<0.000000e+00> : vector<1x128xf32>
    %dot_general3A_1363 = tpu.matmul %get3A_1, %get3A_1361, %dot_general3A_1362 {dimension_numbers = #tpu.dot_dimension_numbers<[1], [1], [0], [0], [0, 0, 1, 0], [], []>, transpose_lhs_hint = false} : vector<1x128xf32>, vector<128x128xf32>, vector<1x128xf32> -> vector<1x128xf32>
    %reshape3A_1364 = vector.shape_cast %dot_general3A_1363 : vector<1x128xf32> to vector<128xf32>
    %swap3A_1365 = arith.constant 21760 : index
    %swap3A_1366 = vector.load %arg4[%swap3A_1365] : memref<25600xf32, #tpu.memory_space<vmem>>, vector<128xf32>
    tpu.vector_store %arg4[%swap3A_1365], %reshape3A_1364 {strides = array<i32>} : memref<25600xf32, #tpu.memory_space<vmem>>, vector<128xf32>,
    %get3A_1367 = arith.constant 21888 : index
    %get3A_1368 = arith.constant 0 : index
    %get3A_1369 = vector.load %arg1[%get3A_1367, %get3A_1368] : memref<25600x128xf32, #tpu.memory_space<vmem>>, vector<128x128xf32>
    %dot_general3A_1370 = arith.constant dense<0.000000e+00> : vector<1x128xf32>
    %dot_general3A_1371 = tpu.matmul %get3A_1, %get3A_1369, %dot_general3A_1370 {dimension_numbers = #tpu.dot_dimension_numbers<[1], [1], [0], [0], [0, 0, 1, 0], [], []>, transpose_lhs_hint = false} : vector<1x128xf32>, vector<128x128xf32>, vector<1x128xf32> -> vector<1x128xf32>
    %reshape3A_1372 = vector.shape_cast %dot_general3A_1371 : vector<1x128xf32> to vector<128xf32>
    %swap3A_1373 = arith.constant 21888 : index
    %swap3A_1374 = vector.load %arg4[%swap3A_1373] : memref<25600xf32, #tpu.memory_space<vmem>>, vector<128xf32>
    tpu.vector_store %arg4[%swap3A_1373], %reshape3A_1372 {strides = array<i32>} : memref<25600xf32, #tpu.memory_space<vmem>>, vector<128xf32>,
    %get3A_1375 = arith.constant 22016 : index
    %get3A_1376 = arith.constant 0 : index
    %get3A_1377 = vector.load %arg1[%get3A_1375, %get3A_1376] : memref<25600x128xf32, #tpu.memory_space<vmem>>, vector<128x128xf32>
    %dot_general3A_1378 = arith.constant dense<0.000000e+00> : vector<1x128xf32>
    %dot_general3A_1379 = tpu.matmul %get3A_1, %get3A_1377, %dot_general3A_1378 {dimension_numbers = #tpu.dot_dimension_numbers<[1], [1], [0], [0], [0, 0, 1, 0], [], []>, transpose_lhs_hint = false} : vector<1x128xf32>, vector<128x128xf32>, vector<1x128xf32> -> vector<1x128xf32>
    %reshape3A_1380 = vector.shape_cast %dot_general3A_1379 : vector<1x128xf32> to vector<128xf32>
    %swap3A_1381 = arith.constant 22016 : index
    %swap3A_1382 = vector.load %arg4[%swap3A_1381] : memref<25600xf32, #tpu.memory_space<vmem>>, vector<128xf32>
    tpu.vector_store %arg4[%swap3A_1381], %reshape3A_1380 {strides = array<i32>} : memref<25600xf32, #tpu.memory_space<vmem>>, vector<128xf32>,
    %get3A_1383 = arith.constant 22144 : index
    %get3A_1384 = arith.constant 0 : index
    %get3A_1385 = vector.load %arg1[%get3A_1383, %get3A_1384] : memref<25600x128xf32, #tpu.memory_space<vmem>>, vector<128x128xf32>
    %dot_general3A_1386 = arith.constant dense<0.000000e+00> : vector<1x128xf32>
    %dot_general3A_1387 = tpu.matmul %get3A_1, %get3A_1385, %dot_general3A_1386 {dimension_numbers = #tpu.dot_dimension_numbers<[1], [1], [0], [0], [0, 0, 1, 0], [], []>, transpose_lhs_hint = false} : vector<1x128xf32>, vector<128x128xf32>, vector<1x128xf32> -> vector<1x128xf32>
    %reshape3A_1388 = vector.shape_cast %dot_general3A_1387 : vector<1x128xf32> to vector<128xf32>
    %swap3A_1389 = arith.constant 22144 : index
    %swap3A_1390 = vector.load %arg4[%swap3A_1389] : memref<25600xf32, #tpu.memory_space<vmem>>, vector<128xf32>
    tpu.vector_store %arg4[%swap3A_1389], %reshape3A_1388 {strides = array<i32>} : memref<25600xf32, #tpu.memory_space<vmem>>, vector<128xf32>,
    %get3A_1391 = arith.constant 22272 : index
    %get3A_1392 = arith.constant 0 : index
    %get3A_1393 = vector.load %arg1[%get3A_1391, %get3A_1392] : memref<25600x128xf32, #tpu.memory_space<vmem>>, vector<128x128xf32>
    %dot_general3A_1394 = arith.constant dense<0.000000e+00> : vector<1x128xf32>
    %dot_general3A_1395 = tpu.matmul %get3A_1, %get3A_1393, %dot_general3A_1394 {dimension_numbers = #tpu.dot_dimension_numbers<[1], [1], [0], [0], [0, 0, 1, 0], [], []>, transpose_lhs_hint = false} : vector<1x128xf32>, vector<128x128xf32>, vector<1x128xf32> -> vector<1x128xf32>
    %reshape3A_1396 = vector.shape_cast %dot_general3A_1395 : vector<1x128xf32> to vector<128xf32>
    %swap3A_1397 = arith.constant 22272 : index
    %swap3A_1398 = vector.load %arg4[%swap3A_1397] : memref<25600xf32, #tpu.memory_space<vmem>>, vector<128xf32>
    tpu.vector_store %arg4[%swap3A_1397], %reshape3A_1396 {strides = array<i32>} : memref<25600xf32, #tpu.memory_space<vmem>>, vector<128xf32>,
    %get3A_1399 = arith.constant 22400 : index
    %get3A_1400 = arith.constant 0 : index
    %get3A_1401 = vector.load %arg1[%get3A_1399, %get3A_1400] : memref<25600x128xf32, #tpu.memory_space<vmem>>, vector<128x128xf32>
    %dot_general3A_1402 = arith.constant dense<0.000000e+00> : vector<1x128xf32>
    %dot_general3A_1403 = tpu.matmul %get3A_1, %get3A_1401, %dot_general3A_1402 {dimension_numbers = #tpu.dot_dimension_numbers<[1], [1], [0], [0], [0, 0, 1, 0], [], []>, transpose_lhs_hint = false} : vector<1x128xf32>, vector<128x128xf32>, vector<1x128xf32> -> vector<1x128xf32>
    %reshape3A_1404 = vector.shape_cast %dot_general3A_1403 : vector<1x128xf32> to vector<128xf32>
    %swap3A_1405 = arith.constant 22400 : index
    %swap3A_1406 = vector.load %arg4[%swap3A_1405] : memref<25600xf32, #tpu.memory_space<vmem>>, vector<128xf32>
    tpu.vector_store %arg4[%swap3A_1405], %reshape3A_1404 {strides = array<i32>} : memref<25600xf32, #tpu.memory_space<vmem>>, vector<128xf32>,
    %get3A_1407 = arith.constant 22528 : index
    %get3A_1408 = arith.constant 0 : index
    %get3A_1409 = vector.load %arg1[%get3A_1407, %get3A_1408] : memref<25600x128xf32, #tpu.memory_space<vmem>>, vector<128x128xf32>
    %dot_general3A_1410 = arith.constant dense<0.000000e+00> : vector<1x128xf32>
    %dot_general3A_1411 = tpu.matmul %get3A_1, %get3A_1409, %dot_general3A_1410 {dimension_numbers = #tpu.dot_dimension_numbers<[1], [1], [0], [0], [0, 0, 1, 0], [], []>, transpose_lhs_hint = false} : vector<1x128xf32>, vector<128x128xf32>, vector<1x128xf32> -> vector<1x128xf32>
    %reshape3A_1412 = vector.shape_cast %dot_general3A_1411 : vector<1x128xf32> to vector<128xf32>
    %swap3A_1413 = arith.constant 22528 : index
    %swap3A_1414 = vector.load %arg4[%swap3A_1413] : memref<25600xf32, #tpu.memory_space<vmem>>, vector<128xf32>
    tpu.vector_store %arg4[%swap3A_1413], %reshape3A_1412 {strides = array<i32>} : memref<25600xf32, #tpu.memory_space<vmem>>, vector<128xf32>,
    %get3A_1415 = arith.constant 22656 : index
    %get3A_1416 = arith.constant 0 : index
    %get3A_1417 = vector.load %arg1[%get3A_1415, %get3A_1416] : memref<25600x128xf32, #tpu.memory_space<vmem>>, vector<128x128xf32>
    %dot_general3A_1418 = arith.constant dense<0.000000e+00> : vector<1x128xf32>
    %dot_general3A_1419 = tpu.matmul %get3A_1, %get3A_1417, %dot_general3A_1418 {dimension_numbers = #tpu.dot_dimension_numbers<[1], [1], [0], [0], [0, 0, 1, 0], [], []>, transpose_lhs_hint = false} : vector<1x128xf32>, vector<128x128xf32>, vector<1x128xf32> -> vector<1x128xf32>
    %reshape3A_1420 = vector.shape_cast %dot_general3A_1419 : vector<1x128xf32> to vector<128xf32>
    %swap3A_1421 = arith.constant 22656 : index
    %swap3A_1422 = vector.load %arg4[%swap3A_1421] : memref<25600xf32, #tpu.memory_space<vmem>>, vector<128xf32>
    tpu.vector_store %arg4[%swap3A_1421], %reshape3A_1420 {strides = array<i32>} : memref<25600xf32, #tpu.memory_space<vmem>>, vector<128xf32>,
    %get3A_1423 = arith.constant 22784 : index
    %get3A_1424 = arith.constant 0 : index
    %get3A_1425 = vector.load %arg1[%get3A_1423, %get3A_1424] : memref<25600x128xf32, #tpu.memory_space<vmem>>, vector<128x128xf32>
    %dot_general3A_1426 = arith.constant dense<0.000000e+00> : vector<1x128xf32>
    %dot_general3A_1427 = tpu.matmul %get3A_1, %get3A_1425, %dot_general3A_1426 {dimension_numbers = #tpu.dot_dimension_numbers<[1], [1], [0], [0], [0, 0, 1, 0], [], []>, transpose_lhs_hint = false} : vector<1x128xf32>, vector<128x128xf32>, vector<1x128xf32> -> vector<1x128xf32>
    %reshape3A_1428 = vector.shape_cast %dot_general3A_1427 : vector<1x128xf32> to vector<128xf32>
    %swap3A_1429 = arith.constant 22784 : index
    %swap3A_1430 = vector.load %arg4[%swap3A_1429] : memref<25600xf32, #tpu.memory_space<vmem>>, vector<128xf32>
    tpu.vector_store %arg4[%swap3A_1429], %reshape3A_1428 {strides = array<i32>} : memref<25600xf32, #tpu.memory_space<vmem>>, vector<128xf32>,
    %get3A_1431 = arith.constant 22912 : index
    %get3A_1432 = arith.constant 0 : index
    %get3A_1433 = vector.load %arg1[%get3A_1431, %get3A_1432] : memref<25600x128xf32, #tpu.memory_space<vmem>>, vector<128x128xf32>
    %dot_general3A_1434 = arith.constant dense<0.000000e+00> : vector<1x128xf32>
    %dot_general3A_1435 = tpu.matmul %get3A_1, %get3A_1433, %dot_general3A_1434 {dimension_numbers = #tpu.dot_dimension_numbers<[1], [1], [0], [0], [0, 0, 1, 0], [], []>, transpose_lhs_hint = false} : vector<1x128xf32>, vector<128x128xf32>, vector<1x128xf32> -> vector<1x128xf32>
    %reshape3A_1436 = vector.shape_cast %dot_general3A_1435 : vector<1x128xf32> to vector<128xf32>
    %swap3A_1437 = arith.constant 22912 : index
    %swap3A_1438 = vector.load %arg4[%swap3A_1437] : memref<25600xf32, #tpu.memory_space<vmem>>, vector<128xf32>
    tpu.vector_store %arg4[%swap3A_1437], %reshape3A_1436 {strides = array<i32>} : memref<25600xf32, #tpu.memory_space<vmem>>, vector<128xf32>,
    %get3A_1439 = arith.constant 23040 : index
    %get3A_1440 = arith.constant 0 : index
    %get3A_1441 = vector.load %arg1[%get3A_1439, %get3A_1440] : memref<25600x128xf32, #tpu.memory_space<vmem>>, vector<128x128xf32>
    %dot_general3A_1442 = arith.constant dense<0.000000e+00> : vector<1x128xf32>
    %dot_general3A_1443 = tpu.matmul %get3A_1, %get3A_1441, %dot_general3A_1442 {dimension_numbers = #tpu.dot_dimension_numbers<[1], [1], [0], [0], [0, 0, 1, 0], [], []>, transpose_lhs_hint = false} : vector<1x128xf32>, vector<128x128xf32>, vector<1x128xf32> -> vector<1x128xf32>
    %reshape3A_1444 = vector.shape_cast %dot_general3A_1443 : vector<1x128xf32> to vector<128xf32>
    %swap3A_1445 = arith.constant 23040 : index
    %swap3A_1446 = vector.load %arg4[%swap3A_1445] : memref<25600xf32, #tpu.memory_space<vmem>>, vector<128xf32>
    tpu.vector_store %arg4[%swap3A_1445], %reshape3A_1444 {strides = array<i32>} : memref<25600xf32, #tpu.memory_space<vmem>>, vector<128xf32>,
    %get3A_1447 = arith.constant 23168 : index
    %get3A_1448 = arith.constant 0 : index
    %get3A_1449 = vector.load %arg1[%get3A_1447, %get3A_1448] : memref<25600x128xf32, #tpu.memory_space<vmem>>, vector<128x128xf32>
    %dot_general3A_1450 = arith.constant dense<0.000000e+00> : vector<1x128xf32>
    %dot_general3A_1451 = tpu.matmul %get3A_1, %get3A_1449, %dot_general3A_1450 {dimension_numbers = #tpu.dot_dimension_numbers<[1], [1], [0], [0], [0, 0, 1, 0], [], []>, transpose_lhs_hint = false} : vector<1x128xf32>, vector<128x128xf32>, vector<1x128xf32> -> vector<1x128xf32>
    %reshape3A_1452 = vector.shape_cast %dot_general3A_1451 : vector<1x128xf32> to vector<128xf32>
    %swap3A_1453 = arith.constant 23168 : index
    %swap3A_1454 = vector.load %arg4[%swap3A_1453] : memref<25600xf32, #tpu.memory_space<vmem>>, vector<128xf32>
    tpu.vector_store %arg4[%swap3A_1453], %reshape3A_1452 {strides = array<i32>} : memref<25600xf32, #tpu.memory_space<vmem>>, vector<128xf32>,
    %get3A_1455 = arith.constant 23296 : index
    %get3A_1456 = arith.constant 0 : index
    %get3A_1457 = vector.load %arg1[%get3A_1455, %get3A_1456] : memref<25600x128xf32, #tpu.memory_space<vmem>>, vector<128x128xf32>
    %dot_general3A_1458 = arith.constant dense<0.000000e+00> : vector<1x128xf32>
    %dot_general3A_1459 = tpu.matmul %get3A_1, %get3A_1457, %dot_general3A_1458 {dimension_numbers = #tpu.dot_dimension_numbers<[1], [1], [0], [0], [0, 0, 1, 0], [], []>, transpose_lhs_hint = false} : vector<1x128xf32>, vector<128x128xf32>, vector<1x128xf32> -> vector<1x128xf32>
    %reshape3A_1460 = vector.shape_cast %dot_general3A_1459 : vector<1x128xf32> to vector<128xf32>
    %swap3A_1461 = arith.constant 23296 : index
    %swap3A_1462 = vector.load %arg4[%swap3A_1461] : memref<25600xf32, #tpu.memory_space<vmem>>, vector<128xf32>
    tpu.vector_store %arg4[%swap3A_1461], %reshape3A_1460 {strides = array<i32>} : memref<25600xf32, #tpu.memory_space<vmem>>, vector<128xf32>,
    %get3A_1463 = arith.constant 23424 : index
    %get3A_1464 = arith.constant 0 : index
    %get3A_1465 = vector.load %arg1[%get3A_1463, %get3A_1464] : memref<25600x128xf32, #tpu.memory_space<vmem>>, vector<128x128xf32>
    %dot_general3A_1466 = arith.constant dense<0.000000e+00> : vector<1x128xf32>
    %dot_general3A_1467 = tpu.matmul %get3A_1, %get3A_1465, %dot_general3A_1466 {dimension_numbers = #tpu.dot_dimension_numbers<[1], [1], [0], [0], [0, 0, 1, 0], [], []>, transpose_lhs_hint = false} : vector<1x128xf32>, vector<128x128xf32>, vector<1x128xf32> -> vector<1x128xf32>
    %reshape3A_1468 = vector.shape_cast %dot_general3A_1467 : vector<1x128xf32> to vector<128xf32>
    %swap3A_1469 = arith.constant 23424 : index
    %swap3A_1470 = vector.load %arg4[%swap3A_1469] : memref<25600xf32, #tpu.memory_space<vmem>>, vector<128xf32>
    tpu.vector_store %arg4[%swap3A_1469], %reshape3A_1468 {strides = array<i32>} : memref<25600xf32, #tpu.memory_space<vmem>>, vector<128xf32>,
    %get3A_1471 = arith.constant 23552 : index
    %get3A_1472 = arith.constant 0 : index
    %get3A_1473 = vector.load %arg1[%get3A_1471, %get3A_1472] : memref<25600x128xf32, #tpu.memory_space<vmem>>, vector<128x128xf32>
    %dot_general3A_1474 = arith.constant dense<0.000000e+00> : vector<1x128xf32>
    %dot_general3A_1475 = tpu.matmul %get3A_1, %get3A_1473, %dot_general3A_1474 {dimension_numbers = #tpu.dot_dimension_numbers<[1], [1], [0], [0], [0, 0, 1, 0], [], []>, transpose_lhs_hint = false} : vector<1x128xf32>, vector<128x128xf32>, vector<1x128xf32> -> vector<1x128xf32>
    %reshape3A_1476 = vector.shape_cast %dot_general3A_1475 : vector<1x128xf32> to vector<128xf32>
    %swap3A_1477 = arith.constant 23552 : index
    %swap3A_1478 = vector.load %arg4[%swap3A_1477] : memref<25600xf32, #tpu.memory_space<vmem>>, vector<128xf32>
    tpu.vector_store %arg4[%swap3A_1477], %reshape3A_1476 {strides = array<i32>} : memref<25600xf32, #tpu.memory_space<vmem>>, vector<128xf32>,
    %get3A_1479 = arith.constant 23680 : index
    %get3A_1480 = arith.constant 0 : index
    %get3A_1481 = vector.load %arg1[%get3A_1479, %get3A_1480] : memref<25600x128xf32, #tpu.memory_space<vmem>>, vector<128x128xf32>
    %dot_general3A_1482 = arith.constant dense<0.000000e+00> : vector<1x128xf32>
    %dot_general3A_1483 = tpu.matmul %get3A_1, %get3A_1481, %dot_general3A_1482 {dimension_numbers = #tpu.dot_dimension_numbers<[1], [1], [0], [0], [0, 0, 1, 0], [], []>, transpose_lhs_hint = false} : vector<1x128xf32>, vector<128x128xf32>, vector<1x128xf32> -> vector<1x128xf32>
    %reshape3A_1484 = vector.shape_cast %dot_general3A_1483 : vector<1x128xf32> to vector<128xf32>
    %swap3A_1485 = arith.constant 23680 : index
    %swap3A_1486 = vector.load %arg4[%swap3A_1485] : memref<25600xf32, #tpu.memory_space<vmem>>, vector<128xf32>
    tpu.vector_store %arg4[%swap3A_1485], %reshape3A_1484 {strides = array<i32>} : memref<25600xf32, #tpu.memory_space<vmem>>, vector<128xf32>,
    %get3A_1487 = arith.constant 23808 : index
    %get3A_1488 = arith.constant 0 : index
    %get3A_1489 = vector.load %arg1[%get3A_1487, %get3A_1488] : memref<25600x128xf32, #tpu.memory_space<vmem>>, vector<128x128xf32>
    %dot_general3A_1490 = arith.constant dense<0.000000e+00> : vector<1x128xf32>
    %dot_general3A_1491 = tpu.matmul %get3A_1, %get3A_1489, %dot_general3A_1490 {dimension_numbers = #tpu.dot_dimension_numbers<[1], [1], [0], [0], [0, 0, 1, 0], [], []>, transpose_lhs_hint = false} : vector<1x128xf32>, vector<128x128xf32>, vector<1x128xf32> -> vector<1x128xf32>
    %reshape3A_1492 = vector.shape_cast %dot_general3A_1491 : vector<1x128xf32> to vector<128xf32>
    %swap3A_1493 = arith.constant 23808 : index
    %swap3A_1494 = vector.load %arg4[%swap3A_1493] : memref<25600xf32, #tpu.memory_space<vmem>>, vector<128xf32>
    tpu.vector_store %arg4[%swap3A_1493], %reshape3A_1492 {strides = array<i32>} : memref<25600xf32, #tpu.memory_space<vmem>>, vector<128xf32>,
    %get3A_1495 = arith.constant 23936 : index
    %get3A_1496 = arith.constant 0 : index
    %get3A_1497 = vector.load %arg1[%get3A_1495, %get3A_1496] : memref<25600x128xf32, #tpu.memory_space<vmem>>, vector<128x128xf32>
    %dot_general3A_1498 = arith.constant dense<0.000000e+00> : vector<1x128xf32>
    %dot_general3A_1499 = tpu.matmul %get3A_1, %get3A_1497, %dot_general3A_1498 {dimension_numbers = #tpu.dot_dimension_numbers<[1], [1], [0], [0], [0, 0, 1, 0], [], []>, transpose_lhs_hint = false} : vector<1x128xf32>, vector<128x128xf32>, vector<1x128xf32> -> vector<1x128xf32>
    %reshape3A_1500 = vector.shape_cast %dot_general3A_1499 : vector<1x128xf32> to vector<128xf32>
    %swap3A_1501 = arith.constant 23936 : index
    %swap3A_1502 = vector.load %arg4[%swap3A_1501] : memref<25600xf32, #tpu.memory_space<vmem>>, vector<128xf32>
    tpu.vector_store %arg4[%swap3A_1501], %reshape3A_1500 {strides = array<i32>} : memref<25600xf32, #tpu.memory_space<vmem>>, vector<128xf32>,
    %get3A_1503 = arith.constant 24064 : index
    %get3A_1504 = arith.constant 0 : index
    %get3A_1505 = vector.load %arg1[%get3A_1503, %get3A_1504] : memref<25600x128xf32, #tpu.memory_space<vmem>>, vector<128x128xf32>
    %dot_general3A_1506 = arith.constant dense<0.000000e+00> : vector<1x128xf32>
    %dot_general3A_1507 = tpu.matmul %get3A_1, %get3A_1505, %dot_general3A_1506 {dimension_numbers = #tpu.dot_dimension_numbers<[1], [1], [0], [0], [0, 0, 1, 0], [], []>, transpose_lhs_hint = false} : vector<1x128xf32>, vector<128x128xf32>, vector<1x128xf32> -> vector<1x128xf32>
    %reshape3A_1508 = vector.shape_cast %dot_general3A_1507 : vector<1x128xf32> to vector<128xf32>
    %swap3A_1509 = arith.constant 24064 : index
    %swap3A_1510 = vector.load %arg4[%swap3A_1509] : memref<25600xf32, #tpu.memory_space<vmem>>, vector<128xf32>
    tpu.vector_store %arg4[%swap3A_1509], %reshape3A_1508 {strides = array<i32>} : memref<25600xf32, #tpu.memory_space<vmem>>, vector<128xf32>,
    %get3A_1511 = arith.constant 24192 : index
    %get3A_1512 = arith.constant 0 : index
    %get3A_1513 = vector.load %arg1[%get3A_1511, %get3A_1512] : memref<25600x128xf32, #tpu.memory_space<vmem>>, vector<128x128xf32>
    %dot_general3A_1514 = arith.constant dense<0.000000e+00> : vector<1x128xf32>
    %dot_general3A_1515 = tpu.matmul %get3A_1, %get3A_1513, %dot_general3A_1514 {dimension_numbers = #tpu.dot_dimension_numbers<[1], [1], [0], [0], [0, 0, 1, 0], [], []>, transpose_lhs_hint = false} : vector<1x128xf32>, vector<128x128xf32>, vector<1x128xf32> -> vector<1x128xf32>
    %reshape3A_1516 = vector.shape_cast %dot_general3A_1515 : vector<1x128xf32> to vector<128xf32>
    %swap3A_1517 = arith.constant 24192 : index
    %swap3A_1518 = vector.load %arg4[%swap3A_1517] : memref<25600xf32, #tpu.memory_space<vmem>>, vector<128xf32>
    tpu.vector_store %arg4[%swap3A_1517], %reshape3A_1516 {strides = array<i32>} : memref<25600xf32, #tpu.memory_space<vmem>>, vector<128xf32>,
    %get3A_1519 = arith.constant 24320 : index
    %get3A_1520 = arith.constant 0 : index
    %get3A_1521 = vector.load %arg1[%get3A_1519, %get3A_1520] : memref<25600x128xf32, #tpu.memory_space<vmem>>, vector<128x128xf32>
    %dot_general3A_1522 = arith.constant dense<0.000000e+00> : vector<1x128xf32>
    %dot_general3A_1523 = tpu.matmul %get3A_1, %get3A_1521, %dot_general3A_1522 {dimension_numbers = #tpu.dot_dimension_numbers<[1], [1], [0], [0], [0, 0, 1, 0], [], []>, transpose_lhs_hint = false} : vector<1x128xf32>, vector<128x128xf32>, vector<1x128xf32> -> vector<1x128xf32>
    %reshape3A_1524 = vector.shape_cast %dot_general3A_1523 : vector<1x128xf32> to vector<128xf32>
    %swap3A_1525 = arith.constant 24320 : index
    %swap3A_1526 = vector.load %arg4[%swap3A_1525] : memref<25600xf32, #tpu.memory_space<vmem>>, vector<128xf32>
    tpu.vector_store %arg4[%swap3A_1525], %reshape3A_1524 {strides = array<i32>} : memref<25600xf32, #tpu.memory_space<vmem>>, vector<128xf32>,
    %get3A_1527 = arith.constant 24448 : index
    %get3A_1528 = arith.constant 0 : index
    %get3A_1529 = vector.load %arg1[%get3A_1527, %get3A_1528] : memref<25600x128xf32, #tpu.memory_space<vmem>>, vector<128x128xf32>
    %dot_general3A_1530 = arith.constant dense<0.000000e+00> : vector<1x128xf32>
    %dot_general3A_1531 = tpu.matmul %get3A_1, %get3A_1529, %dot_general3A_1530 {dimension_numbers = #tpu.dot_dimension_numbers<[1], [1], [0], [0], [0, 0, 1, 0], [], []>, transpose_lhs_hint = false} : vector<1x128xf32>, vector<128x128xf32>, vector<1x128xf32> -> vector<1x128xf32>
    %reshape3A_1532 = vector.shape_cast %dot_general3A_1531 : vector<1x128xf32> to vector<128xf32>
    %swap3A_1533 = arith.constant 24448 : index
    %swap3A_1534 = vector.load %arg4[%swap3A_1533] : memref<25600xf32, #tpu.memory_space<vmem>>, vector<128xf32>
    tpu.vector_store %arg4[%swap3A_1533], %reshape3A_1532 {strides = array<i32>} : memref<25600xf32, #tpu.memory_space<vmem>>, vector<128xf32>,
    %get3A_1535 = arith.constant 24576 : index
    %get3A_1536 = arith.constant 0 : index
    %get3A_1537 = vector.load %arg1[%get3A_1535, %get3A_1536] : memref<25600x128xf32, #tpu.memory_space<vmem>>, vector<128x128xf32>
    %dot_general3A_1538 = arith.constant dense<0.000000e+00> : vector<1x128xf32>
    %dot_general3A_1539 = tpu.matmul %get3A_1, %get3A_1537, %dot_general3A_1538 {dimension_numbers = #tpu.dot_dimension_numbers<[1], [1], [0], [0], [0, 0, 1, 0], [], []>, transpose_lhs_hint = false} : vector<1x128xf32>, vector<128x128xf32>, vector<1x128xf32> -> vector<1x128xf32>
    %reshape3A_1540 = vector.shape_cast %dot_general3A_1539 : vector<1x128xf32> to vector<128xf32>
    %swap3A_1541 = arith.constant 24576 : index
    %swap3A_1542 = vector.load %arg4[%swap3A_1541] : memref<25600xf32, #tpu.memory_space<vmem>>, vector<128xf32>
    tpu.vector_store %arg4[%swap3A_1541], %reshape3A_1540 {strides = array<i32>} : memref<25600xf32, #tpu.memory_space<vmem>>, vector<128xf32>,
    %get3A_1543 = arith.constant 24704 : index
    %get3A_1544 = arith.constant 0 : index
    %get3A_1545 = vector.load %arg1[%get3A_1543, %get3A_1544] : memref<25600x128xf32, #tpu.memory_space<vmem>>, vector<128x128xf32>
    %dot_general3A_1546 = arith.constant dense<0.000000e+00> : vector<1x128xf32>
    %dot_general3A_1547 = tpu.matmul %get3A_1, %get3A_1545, %dot_general3A_1546 {dimension_numbers = #tpu.dot_dimension_numbers<[1], [1], [0], [0], [0, 0, 1, 0], [], []>, transpose_lhs_hint = false} : vector<1x128xf32>, vector<128x128xf32>, vector<1x128xf32> -> vector<1x128xf32>
    %reshape3A_1548 = vector.shape_cast %dot_general3A_1547 : vector<1x128xf32> to vector<128xf32>
    %swap3A_1549 = arith.constant 24704 : index
    %swap3A_1550 = vector.load %arg4[%swap3A_1549] : memref<25600xf32, #tpu.memory_space<vmem>>, vector<128xf32>
    tpu.vector_store %arg4[%swap3A_1549], %reshape3A_1548 {strides = array<i32>} : memref<25600xf32, #tpu.memory_space<vmem>>, vector<128xf32>,
    %get3A_1551 = arith.constant 24832 : index
    %get3A_1552 = arith.constant 0 : index
    %get3A_1553 = vector.load %arg1[%get3A_1551, %get3A_1552] : memref<25600x128xf32, #tpu.memory_space<vmem>>, vector<128x128xf32>
    %dot_general3A_1554 = arith.constant dense<0.000000e+00> : vector<1x128xf32>
    %dot_general3A_1555 = tpu.matmul %get3A_1, %get3A_1553, %dot_general3A_1554 {dimension_numbers = #tpu.dot_dimension_numbers<[1], [1], [0], [0], [0, 0, 1, 0], [], []>, transpose_lhs_hint = false} : vector<1x128xf32>, vector<128x128xf32>, vector<1x128xf32> -> vector<1x128xf32>
    %reshape3A_1556 = vector.shape_cast %dot_general3A_1555 : vector<1x128xf32> to vector<128xf32>
    %swap3A_1557 = arith.constant 24832 : index
    %swap3A_1558 = vector.load %arg4[%swap3A_1557] : memref<25600xf32, #tpu.memory_space<vmem>>, vector<128xf32>
    tpu.vector_store %arg4[%swap3A_1557], %reshape3A_1556 {strides = array<i32>} : memref<25600xf32, #tpu.memory_space<vmem>>, vector<128xf32>,
    %get3A_1559 = arith.constant 24960 : index
    %get3A_1560 = arith.constant 0 : index
    %get3A_1561 = vector.load %arg1[%get3A_1559, %get3A_1560] : memref<25600x128xf32, #tpu.memory_space<vmem>>, vector<128x128xf32>
    %dot_general3A_1562 = arith.constant dense<0.000000e+00> : vector<1x128xf32>
    %dot_general3A_1563 = tpu.matmul %get3A_1, %get3A_1561, %dot_general3A_1562 {dimension_numbers = #tpu.dot_dimension_numbers<[1], [1], [0], [0], [0, 0, 1, 0], [], []>, transpose_lhs_hint = false} : vector<1x128xf32>, vector<128x128xf32>, vector<1x128xf32> -> vector<1x128xf32>
    %reshape3A_1564 = vector.shape_cast %dot_general3A_1563 : vector<1x128xf32> to vector<128xf32>
    %swap3A_1565 = arith.constant 24960 : index
    %swap3A_1566 = vector.load %arg4[%swap3A_1565] : memref<25600xf32, #tpu.memory_space<vmem>>, vector<128xf32>
    tpu.vector_store %arg4[%swap3A_1565], %reshape3A_1564 {strides = array<i32>} : memref<25600xf32, #tpu.memory_space<vmem>>, vector<128xf32>,
    %get3A_1567 = arith.constant 25088 : index
    %get3A_1568 = arith.constant 0 : index
    %get3A_1569 = vector.load %arg1[%get3A_1567, %get3A_1568] : memref<25600x128xf32, #tpu.memory_space<vmem>>, vector<128x128xf32>
    %dot_general3A_1570 = arith.constant dense<0.000000e+00> : vector<1x128xf32>
    %dot_general3A_1571 = tpu.matmul %get3A_1, %get3A_1569, %dot_general3A_1570 {dimension_numbers = #tpu.dot_dimension_numbers<[1], [1], [0], [0], [0, 0, 1, 0], [], []>, transpose_lhs_hint = false} : vector<1x128xf32>, vector<128x128xf32>, vector<1x128xf32> -> vector<1x128xf32>
    %reshape3A_1572 = vector.shape_cast %dot_general3A_1571 : vector<1x128xf32> to vector<128xf32>
    %swap3A_1573 = arith.constant 25088 : index
    %swap3A_1574 = vector.load %arg4[%swap3A_1573] : memref<25600xf32, #tpu.memory_space<vmem>>, vector<128xf32>
    tpu.vector_store %arg4[%swap3A_1573], %reshape3A_1572 {strides = array<i32>} : memref<25600xf32, #tpu.memory_space<vmem>>, vector<128xf32>,
    %get3A_1575 = arith.constant 25216 : index
    %get3A_1576 = arith.constant 0 : index
    %get3A_1577 = vector.load %arg1[%get3A_1575, %get3A_1576] : memref<25600x128xf32, #tpu.memory_space<vmem>>, vector<128x128xf32>
    %dot_general3A_1578 = arith.constant dense<0.000000e+00> : vector<1x128xf32>
    %dot_general3A_1579 = tpu.matmul %get3A_1, %get3A_1577, %dot_general3A_1578 {dimension_numbers = #tpu.dot_dimension_numbers<[1], [1], [0], [0], [0, 0, 1, 0], [], []>, transpose_lhs_hint = false} : vector<1x128xf32>, vector<128x128xf32>, vector<1x128xf32> -> vector<1x128xf32>
    %reshape3A_1580 = vector.shape_cast %dot_general3A_1579 : vector<1x128xf32> to vector<128xf32>
    %swap3A_1581 = arith.constant 25216 : index
    %swap3A_1582 = vector.load %arg4[%swap3A_1581] : memref<25600xf32, #tpu.memory_space<vmem>>, vector<128xf32>
    tpu.vector_store %arg4[%swap3A_1581], %reshape3A_1580 {strides = array<i32>} : memref<25600xf32, #tpu.memory_space<vmem>>, vector<128xf32>,
    %get3A_1583 = arith.constant 25344 : index
    %get3A_1584 = arith.constant 0 : index
    %get3A_1585 = vector.load %arg1[%get3A_1583, %get3A_1584] : memref<25600x128xf32, #tpu.memory_space<vmem>>, vector<128x128xf32>
    %dot_general3A_1586 = arith.constant dense<0.000000e+00> : vector<1x128xf32>
    %dot_general3A_1587 = tpu.matmul %get3A_1, %get3A_1585, %dot_general3A_1586 {dimension_numbers = #tpu.dot_dimension_numbers<[1], [1], [0], [0], [0, 0, 1, 0], [], []>, transpose_lhs_hint = false} : vector<1x128xf32>, vector<128x128xf32>, vector<1x128xf32> -> vector<1x128xf32>
    %reshape3A_1588 = vector.shape_cast %dot_general3A_1587 : vector<1x128xf32> to vector<128xf32>
    %swap3A_1589 = arith.constant 25344 : index
    %swap3A_1590 = vector.load %arg4[%swap3A_1589] : memref<25600xf32, #tpu.memory_space<vmem>>, vector<128xf32>
    tpu.vector_store %arg4[%swap3A_1589], %reshape3A_1588 {strides = array<i32>} : memref<25600xf32, #tpu.memory_space<vmem>>, vector<128xf32>,
    %get3A_1591 = arith.constant 25472 : index
    %get3A_1592 = arith.constant 0 : index
    %get3A_1593 = vector.load %arg1[%get3A_1591, %get3A_1592] : memref<25600x128xf32, #tpu.memory_space<vmem>>, vector<128x128xf32>
    %dot_general3A_1594 = arith.constant dense<0.000000e+00> : vector<1x128xf32>
    %dot_general3A_1595 = tpu.matmul %get3A_1, %get3A_1593, %dot_general3A_1594 {dimension_numbers = #tpu.dot_dimension_numbers<[1], [1], [0], [0], [0, 0, 1, 0], [], []>, transpose_lhs_hint = false} : vector<1x128xf32>, vector<128x128xf32>, vector<1x128xf32> -> vector<1x128xf32>
    %reshape3A_1596 = vector.shape_cast %dot_general3A_1595 : vector<1x128xf32> to vector<128xf32>
    %swap3A_1597 = arith.constant 25472 : index
    %swap3A_1598 = vector.load %arg4[%swap3A_1597] : memref<25600xf32, #tpu.memory_space<vmem>>, vector<128xf32>
    tpu.vector_store %arg4[%swap3A_1597], %reshape3A_1596 {strides = array<i32>} : memref<25600xf32, #tpu.memory_space<vmem>>, vector<128xf32>,
    %get3A_1599 = arith.constant 0 : index
    %get3A_1600 = vector.load %arg3[%get3A_1599] : memref<1xf32, #tpu.memory_space<vmem>>, vector<1xf32>
    %get3A_1601 = vector.extract %get3A_1600[0] : f32 from vector<1xf32>
    %broadcast_in_dim3A = vector.broadcast %get3A_1601 : f32 to vector<16xf32>
    %swap3A_1602 = arith.constant 0 : index
    %swap3A_1603 = vector.load %arg5[%swap3A_1602] : memref<16xf32, #tpu.memory_space<vmem>>, vector<16xf32>
    tpu.vector_store %arg5[%swap3A_1602], %broadcast_in_dim3A {strides = array<i32>} : memref<16xf32, #tpu.memory_space<vmem>>, vector<16xf32>,
    return
  }
  func.func @transform_0(%arg0: i32) -> (i32, i32) {
    %c0_i32 = arith.constant 0 : i32
    %c0_i32_0 = arith.constant 0 : i32
    return %arg0, %c0_i32 : i32, i32
  }
  func.func @transform_1(%arg0: i32) -> (i32, i32) {
    %c0_i32 = arith.constant 0 : i32
    %c0_i32_0 = arith.constant 0 : i32
    %c0_i32_1 = arith.constant 0 : i32
    return %c0_i32, %c0_i32_0 : i32, i32
  }
  func.func @transform_2(%arg0: i32) -> i32 {
    %c0_i32 = arith.constant 0 : i32
    %c0_i32_0 = arith.constant 0 : i32
    return %c0_i32 : i32
  }
  func.func @transform_3(%arg0: i32) -> i32 {
    %c0_i32 = arith.constant 0 : i32
    return %arg0 : i32
  }
  func.func @transform_4(%arg0: i32) -> i32 {
    %c0_i32 = arith.constant 0 : i32
    %c0_i32_0 = arith.constant 0 : i32
    return %c0_i32 : i32
  }
}

</mosaic_0001>

<sc_bundles>
// kernel: kernel.4.cloned.1.call-start
scs
__scs_entry_jumppad:
0x0: {  	(pc) =	sbr.rel $0x88, $3  }
0x1: {  	(tag) =	ssettag $0x0;
	lr =	simm.s32 $0x1  }
0x2: {  	[smem:$0x3F9D] =	sst lr;
	_ =	strace $0xD0000000  }
0x3: {  	_ = 	snop  }
0x4: {  	_ = 	snop  }
0x5: {  	_ = 	snop  }
0x6: {  	_ = 	snop  }
0x7: {  	_ = 	snop  }
__scs_overlays_trampoline_lowered:
0x8: {  	[smem:$0x3FAC] =	sst s0  }
0x9: {  	[smem:$0x3FAD] =	sst s1  }
0xa: {  	[smem:$0x3FAE] =	sst s2  }
0xb: {  	[smem:$0x3FAF] =	sst s3  }
0xc: {  	[smem:$0x3FB0] =	sst s4  }
0xd: {  	[smem:$0x3FB1] =	sst s5  }
0xe: {  	[smem:$0x3FB2] =	sst s6  }
0xf: {  	[smem:$0x3FB3] =	sst s7  }
0x10: {  	[smem:$0x3FB4] =	sst s8  }
0x11: {  	[smem:$0x3FB5] =	sst s9;
	s0 =	simm.s32 @!p0 $0x0  }
0x12: {  	s1 =	sld [smem:$0x3F9B];
	s0 =	simm.s32 @p0 $0x1  }
0x13: {  	[smem:$0x3FB6] =	sst s0;
	s0 =	simm.s32 @!p1 $0x0  }
0x14: {  	s2 =	sld [smem:$0x3F9A];
	s0 =	simm.s32 @p1 $0x1  }
0x15: {  	[smem:$0x3FB7] =	sst s0;
	s0 =	simm.s32 @!p2 $0x0  }
0x16: {  	s3 =	sld [smem:$0x3FDB];
	s0 =	simm.s32 @p2 $0x1  }
0x17: {  	s4 =	simm.s32 $0x1BF5;
	[smem:$0x3FB9] =	sst s0  }
0x18: {  	s0 =	sld [smem:$0x3F9C];
	_ =	swait.ge [sflag:s4], $0x0  }
0x19: {  	s7 =	sld [smem:$0x3F9D]  }
0x1a: {  	s8 =	sadd.s32 $0xFFFFE003, lr  }
0x1b: {  	s9 =	sadd.s32 $0xFFFFFEF7, lr;
	s5 =	simm.s32 $0xFFFFFFFF;
	p2 =	slt.u32 s8, $0xFFFFF086  }
0x1c: {  	p1 =	slt.u32 s9, $0xF7A;
	s5 =	simm.s32 @!p2 $0x0  }
0x1d: {  	s5 =	simm.s32 @p1 $0x1;
	p0 =	seq.s32 s7, s2  }
0x1e: {  	s7 =	smul.u32 @!p0 $0xF7A, s2;
	p2 =	seq.s32 @!p0 s5, $0x0  }
0x1f: {  	s9 =	smul.u32 $0xF7A, s1;
	s8 =	simm.s32 @!p0 $0x1BF5;
	p2 =	por !p2, p0  }
0x20: {  	[sflag:s8] =	ssyncset.s32 @!p0 $0xFFFFF086;
	s6 =	sadd.s32 @!p0 s3, s7;
	s7 =	simm.s32 @!p0 $0x108  }
0x21: {  	s3 =	sadd.s32 s3, s9;
	s6 =	sadd.s32 @!p0 $0x88, s6;
	s7 =	simm.s32 @p2 $0x1082  }
0x22: {  	[simem:s7], [sflag:s8] =	dma.local @!p0 [hbm:s6], $0xF7A  }
0x23: {  	s9 =	sor.u32 $0xD0000000, s2;
	s6 =	simm.s32 $0x108;
	_ =	swait.ge @!p0 [sflag:s8], $0x0  }
0x24: {  	s3 =	sadd.s32 $0x88, s3;
	s6 =	simm.s32 @!p1 $0x1082;
	[sflag:s4] =	ssyncset.s32 $0xFFFFF086  }
0x25: {  	[simem:s6], [sflag:s4] =	dma.local [hbm:s3], $0xF7A  }
0x26: {  	[smem:$0x3F9D] =	sst s1;
	(tag) =	ssettag s2;
	_ =	strace s9  }
0x27: {  	s1 =	sld [smem:$0x3FAD]  }
0x28: {  	s2 =	sld [smem:$0x3FAE]  }
0x29: {  	s4 =	sld [smem:$0x3FB0]  }
0x2a: {  	p0 =	seq.s32 s5, $0x0;
	s5 =	sld [smem:$0x3FB1]  }
0x2b: {  	s6 =	sld [smem:$0x3FB2]  }
0x2c: {  	s7 =	sld [smem:$0x3FB3]  }
0x2d: {  	s3 =	simm.s32 $0x108;
	s8 =	sld [smem:$0x3FB4]  }
0x2e: {  	s3 =	simm.s32 @!p0 $0x1082;
	s9 =	sld [smem:$0x3FB5]  }
0x2f: {  	lr =	sadd.s32 s0, s3;
	s0 =	sld [smem:$0x3FAC]  }
0x30: {  	s3 =	sld [smem:$0x3FAF]  }
0x31: {  	[smem:$0x3FB8] =	sst s10  }
0x32: {  	s10 =	sld [smem:$0x3FB6];
	_ =	sdelay $0x3  }
0x33: {  	p0 =	seq.s32 s10, $0x1;
	s10 =	sld [smem:$0x3FB8];
	_ =	sdelay $0x3  }
0x34: {  	[smem:$0x3FB8] =	sst s10  }
0x35: {  	s10 =	sld [smem:$0x3FB7];
	_ =	sdelay $0x3  }
0x36: {  	p1 =	seq.s32 s10, $0x1;
	s10 =	sld [smem:$0x3FB8];
	_ =	sdelay $0x3  }
0x37: {  	[smem:$0x3FB8] =	sst s10  }
0x38: {  	s10 =	sld [smem:$0x3FB9]  }
0x39: {  	_ = 	snop;
	(pc) =	sbr.ind lr, $3  }
0x3a: {  	_ = 	snop  }
0x3b: {  	_ = 	snop  }
0x3c: {  	p2 =	seq.s32 s10, $0x1;
	s10 =	sld [smem:$0x3FB8]  }
0x3d: {  	_ =	shalt  }
0x3e: {  	_ =	shalt  }
0x3f: {  	_ =	shalt  }
0x40: {  	_ =	shalt  }
0x41: {  	_ =	shalt  }
0x42: {  	_ =	shalt  }
0x43: {  	_ =	shalt  }
0x44: {  	_ =	shalt  }
0x45: {  	_ =	shalt  }
0x46: {  	_ =	shalt  }
0x47: {  	_ =	shalt  }
0x48: {  	_ =	shalt  }
0x49: {  	_ =	shalt  }
0x4a: {  	_ =	shalt  }
0x4b: {  	_ =	shalt  }
0x4c: {  	_ =	shalt  }
0x4d: {  	_ =	shalt  }
0x4e: {  	_ =	shalt  }
0x4f: {  	_ =	shalt  }
0x50: {  	_ =	shalt  }
0x51: {  	_ =	shalt  }
0x52: {  	_ =	shalt  }
0x53: {  	_ =	shalt  }
0x54: {  	_ =	shalt  }
0x55: {  	_ =	shalt  }
0x56: {  	_ =	shalt  }
0x57: {  	_ =	shalt  }
0x58: {  	_ =	shalt  }
0x59: {  	_ =	shalt  }
0x5a: {  	_ =	shalt  }
0x5b: {  	_ =	shalt  }
0x5c: {  	_ =	shalt  }
0x5d: {  	_ =	shalt  }
0x5e: {  	_ =	shalt  }
0x5f: {  	_ =	shalt  }
0x60: {  	_ =	shalt  }
0x61: {  	_ =	shalt  }
0x62: {  	_ =	shalt  }
0x63: {  	_ =	shalt  }
0x64: {  	_ =	shalt  }
0x65: {  	_ =	shalt  }
0x66: {  	_ =	shalt  }
0x67: {  	_ =	shalt  }
0x68: {  	_ =	shalt  }
0x69: {  	_ =	shalt  }
0x6a: {  	_ =	shalt  }
0x6b: {  	_ =	shalt  }
0x6c: {  	_ =	shalt  }
0x6d: {  	_ =	shalt  }
0x6e: {  	_ =	shalt  }
0x6f: {  	_ =	shalt  }
0x70: {  	_ =	shalt  }
0x71: {  	_ =	shalt  }
0x72: {  	_ =	shalt  }
0x73: {  	_ =	shalt  }
0x74: {  	_ =	shalt  }
0x75: {  	_ =	shalt  }
0x76: {  	_ =	shalt  }
0x77: {  	_ =	shalt  }
0x78: {  	_ =	shalt  }
0x79: {  	_ =	shalt  }
0x7a: {  	_ =	shalt  }
0x7b: {  	_ =	shalt  }
0x7c: {  	_ =	shalt  }
0x7d: {  	_ =	shalt  }
0x7e: {  	_ =	shalt  }
0x7f: {  	_ =	shalt  }
0x80: {  	_ =	shalt  }
0x81: {  	_ =	shalt  }
0x82: {  	_ =	shalt  }
0x83: {  	_ =	shalt  }
0x84: {  	_ =	shalt  }
0x85: {  	_ =	shalt  }
0x86: {  	_ =	shalt  }
0x87: {  	_ =	shalt  }
.Lfunc_end0:
.L_simem_size_0:
called_computation_lowered:
.L_overlay_start_0:
0x88: {  	s2 =	sld [smem:$0x3FD9]  }
0x89: {  	s3 =	sld [smem:$0x3FFE];
	_ =	sdelay $0x1  }
0x8a: {  	s1 =	srdreg.scid  }
0x8b: {  	s0 =	sand.u32 $0x1, s1  }
0x8c: {  	s17 =	sshll.u32 s0, $0xA;
	s2 =	sadd.s32 s3, s2  }
0x8d: {  	s2 =	sadd.s32 s2, s17  }
0x8e: {  	[smem:$0x3FC4] =	sst s2  }
0x8f: {  	_ = 	snop  }
0x90: {  	s2 =	sld [smem:$0x3FC9]  }
0x91: {  	s18 =	sld [smem:$0x3FD0];
	(tm) =	ssettm $0x1  }
0x92: {  	s4 =	sld [smem:$0x3FFB];
	_ =	sdelay $0x3  }
0x93: {  	_ =	strace s4  }
0x94: {  	s4 =	sld [smem:$0x3FFC];
	_ =	sdelay $0x3  }
0x95: {  	_ =	strace s4  }
0x96: {  	s4 =	sld [smem:$0x3FFD];
	_ =	sdelay $0x3  }
0x97: {  	_ =	strace s4  }
0x98: {  	_ =	strace $0x8FFFFFFF  }
0x99: {  	s19 =	sld [smem:$0x3FDB];
	_ =	sdelay $0x1  }
0x9a: {  	s5 =	simm.s32 $_scs_section_size  }
0x9b: {  	s6 =	simm.s32 $_size__tile_overlayer_lowered;
	s7 =	simm.s32 $_tile_overlayer_lowered  }
0x9c: {  	s22 =	simm.s32 $0x1BFF;
	s21 =	sshll.u32 s7, $0x1;
	s4 =	sadd.s32 s5, s19  }
0x9d: {  	s8 =	simm.s32 $0x0;
	s20 =	sshll.u32 s6, $0x1;
	s6 =	sadd.s32 s21, s4  }
0x9e: {  	[timem:s8], [sflag:s22] =	dma.local [hbm:s6], s20  }
0x9f: {  	_ =	swait.ge [sflag:s22], s20  }
0xa0: {  	s5 =	ssub.s32 $0x0, s20;
	[sflag:s22] =	ssyncset.done $0x0  }
0xa1: {  	[sflag:s22] =	ssyncadd.s32 s5;
	_ =	sdelay $0x1  }
0xa2: {  	s23 =	simm.s32 $0x1B8B  }
0xa3: {  	_ =	swait.ge [sflag:s23], $0x1  }
0xa4: {  	[sflag:s23] =	ssyncset.done $0x0  }
0xa5: {  	s25 =	simm.s32 $0x1B8E;
	s24 =	sld [smem:$0x3FFE];
	[sflag:s23] =	ssyncadd.s32 $0xFFFFFFFF  }
0xa6: {  	s26 =	simm.s32 $execute0_lowered;
	[smem:$0x3FD2] =	sst s25  }
0xa7: {  	s6 =	sshll.u32 s26, $0x1;
	_ =	strace $0x80000046;
	[dreg:$0x1] =	wrdreg $0xFFFFFFFF  }
0xa8: {  	s28 =	simm.s32 $_size_execute0_lowered;
	s4 =	sadd.s32 s4, s6;
	[dreg:$0x0] =	wrdreg $0x0  }
0xa9: {  	s6 =	sshll.u32 s28, $0x1;
	[dreg:$0x2] =	wrdreg s4  }
0xaa: {  	[dreg:$0x3] =	wrdreg s6  }
0xab: {  	[dreg:$0x4] =	wrdreg $0xC0  }
0xac: {  	_ =	task [dreg:s8], $0x5FFFF  }
0xad: {  	[dreg:$0x1] =	wrdreg $0xFFFFFFFF  }
0xae: {  	[dreg:$0x0] =	wrdreg $0x60  }
0xaf: {  	[dreg:$0x2] =	wrdreg s24  }
0xb0: {  	[dreg:$0x3] =	wrdreg s2  }
0xb1: {  	[dreg:$0x4] =	wrdreg s18  }
0xb2: {  	[dreg:$0x5] =	wrdreg $0x9  }
0xb3: {  	_ =	task.clear_ibuf [dreg:s8], $0x6FFFF;
	_ =	strace $0x90000046  }
0xb4: {  	s29 =	simm.s32 $0x9;
	_ =	strace $0x80000048  }
0xb5: {  	_ =	swait.ge [sflag:s29], $0x1  }
0xb6: {  	[sflag:s29] =	ssyncadd.s32 $0xFFFFFFFF  }
0xb7: {  	_ =	strace $0x90000048  }
0xb8: {  	_ =	sfence  }
0xb9: {  	s30 =	sld [smem:$0x0];
	_ =	sdelay $0x2  }
0xba: {  	s31 =	sshll.u32 s1, $0xD;
	s1 =	sshrl.u32 s1, $0x2  }
0xbb: {  	s3 =	sand.u32 $0x4000, s31;
	s1 =	sadd.s32 s1, s30  }
0xbc: {  	s0 =	sor.u32 s3, s0;
	s1 =	sshll.u32 s1, $0x11  }
0xbd: {  	s0 =	sor.u32 s1, s0  }
0xbe: {  	s0 =	sadd.s32 $0x8F2B, s0  }
0xbf: {  	[sflag:s0] =	ssyncadd.remote.s32 $0x1  }
0xc0: {  	_ =	sfence.sel $0xFFFF  }
0xc1: {  	[dreg:$0x0] =	wrdreg $0xFFFFFFFF;
	(pc) =	sbr.abs _section_cstart, $3  }
0xc2: {  	[dreg:$0x1] =	wrdreg $0xFFFFFFFF  }
0xc3: {  	_ =	task.clear_ibuf [dreg:s8], $0x2FFFF;
	_ =	strace $0x9FFFFFFF  }
0xc4: {  	(tm) =	ssettm $0x7FFFFFFF  }
0xc5: {  	_ =	shalt  }
tec
execute0_lowered:
.L_overlay_start_1:
0x0: {  	(tag) =	ssettag $0x1  }
0x1: {  	s4 =	rddreg [dreg:$0x0]  }
0x2: {  	s5 =	rddreg [dreg:$0x1]  }
0x3: {  	s6 =	rddreg [dreg:$0x2]  }
0x4: {  	s0 =	rddreg [dreg:$0x3];
	s2 =	simm.s32 $0x0  }
0x5: {  	s3 =	srdreg.scid;
	s1 =	stileid.u32;
	s11 =	simm.s32 $0x1EB80  }
0x6: {  	s12 =	simm.s32 $0x1;
	s13 =	simm.s32 $0x2;
	s14 =	simm.s32 $0x3  }
0x7: {  	s15 =	simm.s32 $0x1EB00;
	s16 =	simm.s32 $0x4;
	s17 =	simm.s32 $0x0  }
0x8: {  	[smem:$0x7FF] =	sst s2;
	s7 =	sand.u32 $0x1, s3;
	s8 =	sshll.u32 s1, $0x1  }
0x9: {  	s3 =	sadd.s32 $0xC00, s4;
	s4 =	sadd.s32 $0x3E00, s4;
	s9 =	ssub.s32 $0x2, s7  }
0xa: {  	_ =	strace $0x80000047;
	s7 =	sor.u32 s7, s8;
	s31 =	sshrl.u32 s9, $0x1  }
0xb: {  	s10 =	sshll.u32 s7, $0x7;
	s7 =	sshll.u32 s7, $0x4;
	s8 =	ssub.s32 s9, s31  }
0xc: {  	s5 =	sadd.s32 s5, s10;
	s6 =	sadd.s32 s6, s7;
	s9 =	simm.s32 $0x8000  }
0xd: {  	s10 =	simm.s32 $0x18700;
	s7 =	smax.u32 s8, $0x1;
	s8 =	simm.s32 $0x400  }
.LBB2_1:
0xe: {  	[tilespmem:s2], [sflag:$0x1] =	stream.linear.gather [hbm4b:s3+s2], $0x18700, $0x38;
	[tilespmem:$0x1EC00] =	vst v63  }
0xf: {  	_ = 	snop  }
0x10: {  	[tilespmem:s10], [sflag:$0x2] =	stream.strided.gather [hbm4b:s5+s8], $0x6400, s9, s8, $0x38;
	[tilespmem:$0x1EC00] =	vst v63  }
0x11: {  	_ = 	snop  }
0x12: {  	[tilespmem:s11], [sflag:$0x3] =	stream.linear.gather [hbm4b:s4+s2], $0x80, $0x38;
	[tilespmem:$0x1EC00] =	vst v63  }
0x13: {  	_ =	swait.ge [sflag:s12], $0x18700  }
0x14: {  	[sflag:s12] =	ssyncset.done $0x0  }
0x15: {  	[sflag:s12] =	ssyncadd.s32 $0xFFFE7900  }
0x16: {  	_ =	swait.ge [sflag:s13], $0x6400  }
0x17: {  	[sflag:s13] =	ssyncset.done $0x0  }
0x18: {  	[sflag:s13] =	ssyncadd.s32 $0xFFFF9C00  }
0x19: {  	_ =	swait.ge [sflag:s14], $0x80  }
0x1a: {  	[sflag:s14] =	ssyncset.done $0x0  }
0x1b: {  	s18 =	simm.s32 $0x18800;
	[sflag:s14] =	ssyncadd.s32 $0xFFFFFF80  }
0x1c: {  	v1 =	vld [tilespmem:s18+$0x80]  }
0x1d: {  	v2 =	vld [tilespmem:s18+$0x90]  }
0x1e: {  	v3 =	vld [tilespmem:s18+$0xA0]  }
0x1f: {  	v4 =	vld [tilespmem:s18+$0xB0]  }
0x20: {  	v5 =	vld [tilespmem:s18+$0xC0]  }
0x21: {  	v6 =	vld [tilespmem:s18+$0xD0]  }
0x22: {  	v9 =	vld [tilespmem:s18+$0xE0]  }
0x23: {  	v11 =	vld [tilespmem:s18+$0xF0]  }
0x24: {  	v7 =	vld [tilespmem:s18+$0x0]  }
0x25: {  	v8 =	vld [tilespmem:s18+$0x10]  }
0x26: {  	v10 =	vld [tilespmem:s18+$0x20]  }
0x27: {  	v12 =	vld [tilespmem:s18+$0x30]  }
0x28: {  	v13 =	vld [tilespmem:s18+$0x40]  }
0x29: {  	v14 =	vld [tilespmem:s18+$0x50]  }
0x2a: {  	v18 =	vld [tilespmem:s18+$0x60]  }
0x2b: {  	v21 =	vld [tilespmem:s18+$0x70]  }
0x2c: {  	v15 =	vld [tilespmem:s18+$0xFFFFFF80]  }
0x2d: {  	v16 =	vld [tilespmem:s18+$0xFFFFFF90]  }
0x2e: {  	v17 =	vld [tilespmem:s18+$0xFFFFFFA0]  }
0x2f: {  	v19 =	vld [tilespmem:s18+$0xFFFFFFB0]  }
0x30: {  	v20 =	vld [tilespmem:s18+$0xFFFFFFC0]  }
0x31: {  	v22 =	vld [tilespmem:s18+$0xFFFFFFD0]  }
0x32: {  	v23 =	vld [tilespmem:s18+$0xFFFFFFE0]  }
0x33: {  	v24 =	vld [tilespmem:s18+$0xFFFFFFF0]  }
0x34: {  	v25 =	vld [tilespmem:s18+$0xFFFFFF00]  }
0x35: {  	v26 =	vld [tilespmem:s18+$0xFFFFFF10]  }
0x36: {  	v27 =	vld [tilespmem:s18+$0xFFFFFF20]  }
0x37: {  	v28 =	vld [tilespmem:s18+$0xFFFFFF30]  }
0x38: {  	v29 =	vld [tilespmem:s18+$0xFFFFFF40]  }
0x39: {  	v30 =	vld [tilespmem:s18+$0xFFFFFF50]  }
0x3a: {  	v31 =	vld [tilespmem:s18+$0xFFFFFF60]  }
0x3b: {  	v32 =	vld [tilespmem:s18+$0xFFFFFF70]  }
0x3c: {  	v33 =	vld.idx.msk [tilespmem:v1+s2+$0x0], $0xffff  }
0x3d: {  	v34 =	vld.idx.msk [tilespmem:v2+s2+$0x0], $0xffff  }
0x3e: {  	v3 =	vld.idx.msk [tilespmem:v3+s2+$0x0], $0xffff  }
0x3f: {  	v35 =	vld.idx.msk [tilespmem:v4+s2+$0x0], $0xffff  }
0x40: {  	v2 =	vld.idx.msk [tilespmem:v5+s2+$0x0], $0xffff  }
0x41: {  	v1 =	vld.idx.msk [tilespmem:v6+s2+$0x0], $0xffff  }
0x42: {  	v5 =	vld.idx.msk [tilespmem:v7+s2+$0x0], $0xffff  }
0x43: {  	v7 =	vld.idx.msk [tilespmem:v8+s2+$0x0], $0xffff  }
0x44: {  	v8 =	vld.idx.msk [tilespmem:v10+s2+$0x0], $0xffff  }
0x45: {  	v10 =	vld.idx.msk [tilespmem:v12+s2+$0x0], $0xffff  }
0x46: {  	v6 =	vld.idx.msk [tilespmem:v13+s2+$0x0], $0xffff  }
0x47: {  	v4 =	vld.idx.msk [tilespmem:v14+s2+$0x0], $0xffff  }
0x48: {  	v12 =	vld.idx.msk [tilespmem:v15+s2+$0x0], $0xffff  }
0x49: {  	v13 =	vld.idx.msk [tilespmem:v16+s2+$0x0], $0xffff  }
0x4a: {  	v14 =	vld.idx.msk [tilespmem:v25+s2+$0x0], $0xffff  }
0x4b: {  	v16 =	vld.idx.msk [tilespmem:v26+s2+$0x0], $0xffff  }
0x4c: {  	v56 =	vld.idx.msk [tilespmem:v27+s2+$0x0], $0xffff  }
0x4d: {  	v57 =	vld.idx.msk [tilespmem:v28+s2+$0x0], $0xffff  }
0x4e: {  	v58 =	vld.idx.msk [tilespmem:v17+s2+$0x0], $0xffff  }
0x4f: {  	v19 =	vld.idx.msk [tilespmem:v19+s2+$0x0], $0xffff  }
0x50: {  	v17 =	vld.idx.msk [tilespmem:v20+s2+$0x0], $0xffff  }
0x51: {  	v15 =	vld.idx.msk [tilespmem:v22+s2+$0x0], $0xffff  }
0x52: {  	v59 =	vimm.f32 $0.0e+00;
	v22 =	vld.idx.msk [tilespmem:v29+s2+$0x0], $0xffff  }
0x53: {  	v61 =	vld.idx.msk [tilespmem:v30+s2+$0x0], $0xffff;
	v14 =	vadd.f32 v14, v59;
	v16 =	vadd.f32 v16, v59  }
0x54: {  	v62 =	vld.idx.msk [tilespmem:v31+s2+$0x0], $0xffff;
	v20 =	vadd.f32 v56, v59;
	v60 =	vadd.f32 v57, v59  }
0x55: {  	v63 =	vld.idx.msk [tilespmem:v32+s2+$0x0], $0xffff;
	v12 =	vadd.f32 v12, v14;
	v13 =	vadd.f32 v13, v16  }
0x56: {  	v14 =	vadd.f32 v58, v20;
	v20 =	vadd.f32 v19, v60;
	v19 =	vld.idx.msk [tilespmem:v23+s2+$0x0], $0xffff  }
0x57: {  	v22 =	vadd.f32 v22, v59;
	v16 =	vld.idx.msk [tilespmem:v24+s2+$0x0], $0xffff;
	v5 =	vadd.f32 v5, v12  }
0x58: {  	v7 =	vadd.f32 v7, v13;
	v10 =	vadd.f32 v10, v20;
	v20 =	vld.idx.msk [tilespmem:v18+s2+$0x0], $0xffff  }
0x59: {  	v12 =	vadd.f32 v8, v14;
	v18 =	vld.idx.msk [tilespmem:v21+s2+$0x0], $0xffff;
	v21 =	vadd.f32 v61, v59  }
0x5a: {  	v14 =	vld.idx.msk [tilespmem:v9+s2+$0x0], $0xffff;
	v9 =	vadd.f32 v63, v59;
	v8 =	vadd.f32 v33, v5  }
0x5b: {  	v0 =	vld [tilespmem:$0x1EB80];
	v7 =	vadd.f32 v34, v7;
	v5 =	vadd.f32 v3, v12  }
0x5c: {  	s19 =	simm.s32 $0x18A00;
	s18 =	simm.s32 $0x0;
	v3 =	vadd.f32 v35, v10;
	v10 =	vadd.f32 v62, v59;
	v12 =	vld.idx.msk [tilespmem:v11+s2+$0x0], $0xffff  }
.LBB2_2:
0x5d: {  	v23 =	vld [tilespmem:s19+$0x80];
	v11 =	vadd.f32 v17, v22;
	v13 =	vadd.f32 v15, v21  }
0x5e: {  	v15 =	vld [tilespmem:s19+$0x90];
	v10 =	vadd.f32 v19, v10;
	v9 =	vadd.f32 v16, v9  }
0x5f: {  	v16 =	vld [tilespmem:s19+$0xA0];
	v6 =	vadd.f32 v6, v11;
	v4 =	vadd.f32 v4, v13  }
0x60: {  	v17 =	vld [tilespmem:s19+$0xB0];
	v11 =	vadd.f32 v20, v10;
	v13 =	vadd.f32 v18, v9  }
0x61: {  	v18 =	vld [tilespmem:s19+$0xC0];
	v9 =	vadd.f32 v2, v6;
	v10 =	vadd.f32 v1, v4  }
0x62: {  	v1 =	vld [tilespmem:s19+$0xD0];
	v11 =	vadd.f32 v14, v11;
	v12 =	vadd.f32 v12, v13  }
0x63: {  	v14 =	vld [tilespmem:s19+$0xE0]  }
0x64: {  	v13 =	vld [tilespmem:s19+$0xF0]  }
0x65: {  	v4 =	vld [tilespmem:s19+$0x0]  }
0x66: {  	v6 =	vld [tilespmem:s19+$0x10]  }
0x67: {  	v19 =	vld [tilespmem:s19+$0x20]  }
0x68: {  	v20 =	vld [tilespmem:s19+$0x30]  }
0x69: {  	v21 =	vld [tilespmem:s19+$0x40]  }
0x6a: {  	v22 =	vld [tilespmem:s19+$0x50]  }
0x6b: {  	v24 =	vld [tilespmem:s19+$0x60]  }
0x6c: {  	v25 =	vld [tilespmem:s19+$0x70]  }
0x6d: {  	v26 =	vld [tilespmem:s19+$0xFFFFFF80]  }
0x6e: {  	v27 =	vld [tilespmem:s19+$0xFFFFFF90]  }
0x6f: {  	v28 =	vld [tilespmem:s19+$0xFFFFFFA0]  }
0x70: {  	v29 =	vld [tilespmem:s19+$0xFFFFFFB0]  }
0x71: {  	v30 =	vld [tilespmem:s19+$0xFFFFFFC0]  }
0x72: {  	v31 =	vld [tilespmem:s19+$0xFFFFFFD0]  }
0x73: {  	v32 =	vld [tilespmem:s19+$0xFFFFFFE0]  }
0x74: {  	v33 =	vld [tilespmem:s19+$0xFFFFFFF0]  }
0x75: {  	v34 =	vld [tilespmem:s19+$0xFFFFFF00]  }
0x76: {  	v35 =	vld [tilespmem:s19+$0xFFFFFF10]  }
0x77: {  	v36 =	vld [tilespmem:s19+$0xFFFFFF20]  }
0x78: {  	v37 =	vld [tilespmem:s19+$0xFFFFFF30]  }
0x79: {  	v38 =	vld [tilespmem:s19+$0xFFFFFF40]  }
0x7a: {  	v39 =	vld [tilespmem:s19+$0xFFFFFF50]  }
0x7b: {  	v40 =	vld [tilespmem:s19+$0xFFFFFF60]  }
0x7c: {  	v41 =	vld [tilespmem:s19+$0xFFFFFF70]  }
0x7d: {  	v23 =	vld.idx.msk [tilespmem:v23+s2+$0x0], $0xffff  }
0x7e: {  	v42 =	vld.idx.msk [tilespmem:v15+s2+$0x0], $0xffff  }
0x7f: {  	v43 =	vld.idx.msk [tilespmem:v16+s2+$0x0], $0xffff  }
0x80: {  	v44 =	vld.idx.msk [tilespmem:v17+s2+$0x0], $0xffff  }
0x81: {  	v2 =	vld.idx.msk [tilespmem:v18+s2+$0x0], $0xffff  }
0x82: {  	v1 =	vld.idx.msk [tilespmem:v1+s2+$0x0], $0xffff  }
0x83: {  	v16 =	vld.idx.msk [tilespmem:v4+s2+$0x0], $0xffff  }
0x84: {  	v18 =	vld.idx.msk [tilespmem:v6+s2+$0x0], $0xffff  }
0x85: {  	v45 =	vld.idx.msk [tilespmem:v19+s2+$0x0], $0xffff  }
0x86: {  	v20 =	vld.idx.msk [tilespmem:v20+s2+$0x0], $0xffff  }
0x87: {  	v6 =	vld.idx.msk [tilespmem:v21+s2+$0x0], $0xffff  }
0x88: {  	v4 =	vld.idx.msk [tilespmem:v22+s2+$0x0], $0xffff  }
0x89: {  	v19 =	vld.idx.msk [tilespmem:v26+s2+$0x0], $0xffff  }
0x8a: {  	v21 =	vld.idx.msk [tilespmem:v27+s2+$0x0], $0xffff  }
0x8b: {  	v22 =	vld.idx.msk [tilespmem:v34+s2+$0x0], $0xffff  }
0x8c: {  	v26 =	vld.idx.msk [tilespmem:v35+s2+$0x0], $0xffff  }
0x8d: {  	v27 =	vld.idx.msk [tilespmem:v36+s2+$0x0], $0xffff  }
0x8e: {  	s18 =	sadd.s32 $0x4, s18;
	v34 =	vld.idx.msk [tilespmem:v37+s2+$0x0], $0xffff  }
0x8f: {  	p0 =	slt.u32 s18, $0xC4;
	v28 =	vld.idx.msk [tilespmem:v28+s2+$0x0], $0xffff  }
0x90: {  	v29 =	vld.idx.msk [tilespmem:v29+s2+$0x0], $0xffff  }
0x91: {  	v17 =	vld.idx.msk [tilespmem:v30+s2+$0x0], $0xffff  }
0x92: {  	v15 =	vld.idx.msk [tilespmem:v31+s2+$0x0], $0xffff  }
0x93: {  	v8 =	vadd.f32 v22, v8;
	v7 =	vadd.f32 v26, v7;
	v22 =	vld.idx.msk [tilespmem:v38+s2+$0x0], $0xffff  }
0x94: {  	v5 =	vadd.f32 v27, v5;
	v3 =	vadd.f32 v34, v3;
	v26 =	vld.idx.msk [tilespmem:v39+s2+$0x0], $0xffff  }
0x95: {  	v8 =	vadd.f32 v19, v8;
	v7 =	vadd.f32 v21, v7;
	v27 =	vld.idx.msk [tilespmem:v40+s2+$0x0], $0xffff  }
0x96: {  	v5 =	vadd.f32 v28, v5;
	v3 =	vadd.f32 v29, v3;
	v30 =	vld.idx.msk [tilespmem:v41+s2+$0x0], $0xffff  }
0x97: {  	v8 =	vadd.f32 v16, v8;
	v7 =	vadd.f32 v18, v7;
	v19 =	vld.idx.msk [tilespmem:v32+s2+$0x0], $0xffff  }
.Ltmp0:
0x98: {  	v5 =	vadd.f32 v45, v5;
	v3 =	vadd.f32 v20, v3;
	v16 =	vld.idx.msk [tilespmem:v33+s2+$0x0], $0xffff;
	(pc) =	sbr.rel @p0 .LBB2_2-.Ltmp0, $4  }
0x99: {  	v8 =	vadd.f32 v23, v8;
	v7 =	vadd.f32 v42, v7;
	v20 =	vld.idx.msk [tilespmem:v24+s2+$0x0], $0xffff  }
0x9a: {  	v5 =	vadd.f32 v43, v5;
	v3 =	vadd.f32 v44, v3;
	v18 =	vld.idx.msk [tilespmem:v25+s2+$0x0], $0xffff  }
0x9b: {  	v22 =	vadd.f32 v22, v9;
	v21 =	vadd.f32 v26, v10;
	v14 =	vld.idx.msk [tilespmem:v14+s2+$0x0], $0xffff  }
0x9c: {  	s19 =	sadd.s32 $0x200, s19;
	v10 =	vadd.f32 v27, v11;
	v9 =	vadd.f32 v30, v12;
	v12 =	vld.idx.msk [tilespmem:v13+s2+$0x0], $0xffff  }
0x9d: {  	v8 =	vmul.f32 $4.999999890e-03, v8;
	_ =	sdelay $0x1  }
0x9e: {  	v8 =	vadd.f32 v8, v0;
	_ =	sdelay $0x1  }
0x9f: {  	v11 =	vand.u32 $0x7FFFFFFF, v8  }
0xa0: {  	v11 =	vmul.f32 $-2.000000000e+00, v11;
	_ =	sdelay $0x1  }
0xa1: {  	v11 =	vmul.f32 $1.442695020e+00, v11;
	_ =	sdelay $0x1  }
0xa2: {  	(erf) = vpow2.f32 v11;
	_ =	sdelay $0x3  }
0xa3: {  	v7 =	vmul.f32 $4.999999890e-03, v7;
	_ =	sdelay $0x1  }
0xa4: {  	v7 =	vadd.f32 v7, v0;
	_ =	sdelay $0x1  }
0xa5: {  	v57 =	vand.u32 $0x7FFFFFFF, v7  }
0xa6: {  	v11 =	vmul.f32 $-2.000000000e+00, v57;
	v13 =	vpop (erf)  }
0xa7: {  	v23 =	vadd.f32 $1.000000000e+00, v13  }
0xa8: {  	v11 =	vmul.f32 $1.442695020e+00, v11  }
0xa9: {  	(erf) = vrcp.f32 v23  }
0xaa: {  	(erf) = vpow2.f32 v11;
	_ =	sdelay $0x3  }
0xab: {  	v5 =	vmul.f32 $4.999999890e-03, v5;
	_ =	sdelay $0x1  }
0xac: {  	v5 =	vadd.f32 v5, v0;
	_ =	sdelay $0x1  }
0xad: {  	v59 =	vand.u32 $0x7FFFFFFF, v5;
	v58 =	vpop (erf)  }
0xae: {  	v23 =	vmul.f32 $-2.000000000e+00, v59;
	v24 =	vpop (erf)  }
0xaf: {  	v25 =	vadd.f32 $1.000000000e+00, v24  }
0xb0: {  	v23 =	vmul.f32 $1.442695020e+00, v23  }
0xb1: {  	(erf) = vrcp.f32 v25  }
0xb2: {  	(erf) = vpow2.f32 v23;
	_ =	sdelay $0x3  }
0xb3: {  	v3 =	vmul.f32 $4.999999890e-03, v3;
	_ =	sdelay $0x1  }
0xb4: {  	v3 =	vadd.f32 v3, v0;
	_ =	sdelay $0x1  }
0xb5: {  	v61 =	vand.u32 $0x7FFFFFFF, v3;
	v60 =	vpop (erf)  }
0xb6: {  	v25 =	vmul.f32 $-2.000000000e+00, v61;
	v26 =	vpop (erf)  }
0xb7: {  	v27 =	vadd.f32 $1.000000000e+00, v26  }
0xb8: {  	v17 =	vadd.f32 v17, v22;
	v62 =	vmul.f32 $1.442695020e+00, v25  }
0xb9: {  	(erf) = vrcp.f32 v27  }
0xba: {  	v6 =	vadd.f32 v6, v17;
	(erf) = vpow2.f32 v62;
	_ =	sdelay $0x1  }
0xbb: {  	v2 =	vadd.f32 v2, v6;
	_ =	sdelay $0x1  }
0xbc: {  	v2 =	vmul.f32 $4.999999890e-03, v2;
	_ =	sdelay $0x1  }
0xbd: {  	v2 =	vadd.f32 v2, v0;
	_ =	sdelay $0x1  }
0xbe: {  	v28 =	vand.u32 $0x7FFFFFFF, v2;
	v63 =	vpop (erf)  }
0xbf: {  	v17 =	vmul.f32 $-2.000000000e+00, v28;
	v22 =	vpop (erf)  }
0xc0: {  	v29 =	vadd.f32 $1.000000000e+00, v22  }
0xc1: {  	v15 =	vadd.f32 v15, v21;
	v17 =	vmul.f32 $1.442695020e+00, v17  }
0xc2: {  	(erf) = vrcp.f32 v29  }
0xc3: {  	v4 =	vadd.f32 v4, v15;
	(erf) = vpow2.f32 v17;
	_ =	sdelay $0x1  }
0xc4: {  	v1 =	vadd.f32 v1, v4;
	_ =	sdelay $0x1  }
0xc5: {  	v1 =	vmul.f32 $4.999999890e-03, v1;
	_ =	sdelay $0x1  }
0xc6: {  	v1 =	vadd.f32 v1, v0;
	_ =	sdelay $0x1  }
0xc7: {  	v31 =	vand.u32 $0x7FFFFFFF, v1;
	v30 =	vpop (erf)  }
0xc8: {  	v15 =	vmul.f32 $-2.000000000e+00, v31;
	v17 =	vpop (erf)  }
0xc9: {  	v32 =	vadd.f32 $1.000000000e+00, v17  }
0xca: {  	v10 =	vadd.f32 v19, v10;
	v15 =	vmul.f32 $1.442695020e+00, v15  }
0xcb: {  	(erf) = vrcp.f32 v32  }
0xcc: {  	v10 =	vadd.f32 v20, v10;
	(erf) = vpow2.f32 v15;
	_ =	sdelay $0x1  }
0xcd: {  	v10 =	vadd.f32 v14, v10;
	_ =	sdelay $0x1  }
0xce: {  	v10 =	vmul.f32 $4.999999890e-03, v10;
	_ =	sdelay $0x1  }
0xcf: {  	v10 =	vadd.f32 v10, v0;
	_ =	sdelay $0x1  }
0xd0: {  	v34 =	vand.u32 $0x7FFFFFFF, v10;
	v33 =	vpop (erf)  }
0xd1: {  	v15 =	vmul.f32 $-2.000000000e+00, v34;
	v35 =	vpop (erf)  }
0xd2: {  	v36 =	vadd.f32 $1.000000000e+00, v35  }
0xd3: {  	v9 =	vadd.f32 v16, v9;
	v15 =	vmul.f32 $1.442695020e+00, v15  }
0xd4: {  	(erf) = vrcp.f32 v36  }
0xd5: {  	v9 =	vadd.f32 v18, v9;
	(erf) = vpow2.f32 v15;
	_ =	sdelay $0x1  }
0xd6: {  	v9 =	vadd.f32 v12, v9;
	_ =	sdelay $0x1  }
0xd7: {  	v9 =	vmul.f32 $4.999999890e-03, v9;
	_ =	sdelay $0x1  }
0xd8: {  	v37 =	vadd.f32 v9, v0;
	_ =	sdelay $0x1  }
0xd9: {  	v39 =	vand.u32 $0x7FFFFFFF, v37;
	v38 =	vpop (erf)  }
0xda: {  	v12 =	vmul.f32 $-2.000000000e+00, v39;
	v15 =	vpop (erf)  }
0xdb: {  	v40 =	vadd.f32 $1.000000000e+00, v15  }
0xdc: {  	v12 =	vmul.f32 $1.442695020e+00, v12  }
0xdd: {  	(erf) = vrcp.f32 v40  }
0xde: {  	(erf) = vpow2.f32 v12;
	_ =	sdelay $0x7  }
0xdf: {  	v41 =	vpop (erf)  }
0xe0: {  	v42 =	vpop (erf)  }
0xe1: {  	v43 =	vadd.f32 $1.000000000e+00, v42  }
0xe2: {  	v13 =	vsub.f32 $1.000000000e+00, v13  }
0xe3: {  	v44 =	vsub.f32 $1.000000000e+00, v24;
	(erf) = vrcp.f32 v43  }
0xe4: {  	vm0 =	vlt.f32 v8, $0.0e+00;
	v11 =	vmul.f32 v58, v13  }
0xe5: {  	vm10 =	vlt.f32 v7, $0.0e+00;
	vm1 =	vlt.f32 v5, $0.0e+00;
	v13 =	vmul.f32 v60, v44  }
0xe6: {  	vm11 =	vlt.f32 v3, $0.0e+00;
	v46 =	vsub.f32 $0.0e+00, v11;
	v45 =	vsub.f32 $1.000000000e+00, v26  }
0xe7: {  	vm12 =	vlt.f32 v2, $0.0e+00;
	v48 =	vsub.f32 $0.0e+00, v13;
	v47 =	vsub.f32 $1.000000000e+00, v22  }
0xe8: {  	v8 =	vsel vm0, v46, v11;
	v6 =	vmul.f32 v63, v45;
	v50 =	vsub.f32 $1.000000000e+00, v17  }
0xe9: {  	v7 =	vsel vm10, v48, v13;
	v4 =	vmul.f32 v30, v47;
	v51 =	vsub.f32 $1.000000000e+00, v35  }
0xea: {  	v49 =	vsub.f32 $0.0e+00, v6;
	v5 =	vmul.f32 v33, v50;
	v53 =	vsub.f32 $1.000000000e+00, v15  }
0xeb: {  	[tilespmem:$0x1EB00] =	vst v8;
	v52 =	vsub.f32 $0.0e+00, v4;
	v54 =	vmul.f32 v38, v51;
	v55 =	vsub.f32 $1.000000000e+00, v42  }
0xec: {  	[tilespmem:$0x1EB10] =	vst v7;
	v6 =	vsel vm1, v49, v6;
	v56 =	vsub.f32 $0.0e+00, v5;
	v57 =	vmul.f32 v41, v53;
	v58 =	vpop (erf)  }
0xed: {  	[tilespmem:$0x1EB20] =	vst v6;
	v4 =	vsel vm11, v52, v4;
	v59 =	vsub.f32 $0.0e+00, v54;
	v60 =	vmul.f32 v58, v55  }
0xee: {  	vm13 =	vlt.f32 v1, $0.0e+00;
	[tilespmem:$0x1EB30] =	vst v4;
	v61 =	vsel vm12, v56, v5;
	v62 =	vsub.f32 $0.0e+00, v57  }
0xef: {  	vm14 =	vlt.f32 v10, $0.0e+00;
	[tilespmem:$0x1EB40] =	vst v61;
	v2 =	vsel vm13, v59, v54;
	v63 =	vsub.f32 $0.0e+00, v60  }
0xf0: {  	s17 =	sadd.s32 $0x1, s17;
	vm15 =	vlt.f32 v37, $0.0e+00;
	[tilespmem:$0x1EB50] =	vst v2;
	v1 =	vsel vm14, v62, v57  }
0xf1: {  	p0 =	sne.s32 s17, s7;
	[tilespmem:$0x1EB60] =	vst v1;
	v0 =	vsel vm15, v63, v60  }
.Ltmp1:
0xf2: {  	[tilespmem:$0x1EB70] =	vst v0;
	(pc) =	sbr.rel @p0 .LBB2_1-.Ltmp1, $4  }
0xf3: {  	[hbm4b:s6+s2] =	stream.linear.scatter [tilespmem:s15], [sflag:$0x4], $0x80, $0x38;
	[tilespmem:$0x1EC00] =	vst v63  }
0xf4: {  	_ =	swait.ge [sflag:s16], $0x80  }
0xf5: {  	[sflag:s16] =	ssyncset.done $0x0  }
0xf6: {  	[sflag:s16] =	ssyncadd.s32 $0xFFFFFF80  }
0xf7: {  	_ =	sfence.sel $0x180000  }
0xf8: {  	[bflag:$0x0] =	sbarrier.arrive $0xFFFF  }
0xf9: {  	p0 =	sne.s32 s1, $0x0;
	_ =	strace $0x90000047  }
0xfa: {  	s0 =	sadd.s32 @!p0 $0x100000, s0;
	[bflag:$0x2] =	sbarrier.arrive $0xFFFF  }
0xfb: {  	[sflag:s0] =	ssyncadd.tile.s32 @!p0 $0x1;
	_ =	shalt  }
.Lfunc_end2:
_tile_overlayer_lowered:
.L_overlay_start_2:
0xfc: {  	(tag) =	ssettag $0x2  }
0xfd: {  	s0 =	rddreg [dreg:$0x0];
	s2 =	stileid.u32  }
0xfe: {  	s1 =	rddreg [dreg:$0x1];
	p0 =	sne.s32 s2, $0x0  }
0xff: {  	s3 =	rddreg [dreg:$0x2];
	[bflag:$0x3] =	sbarrier.arrive $0xFFFF;
	s2 =	simm.s32 @!p0 $0x1C04  }
0x100: {  	[timem:s3], [sflag:s2] =	dma.local @!p0 [hbm:s0], s1  }
0x101: {  	s0 =	simm.s32 @!p0 $0x4  }
0x102: {  	_ =	swait.ge @!p0 [sflag:s0], s1  }
0x103: {  	s1 =	ssub.s32 @!p0 $0x0, s1;
	[sflag:s0] =	ssyncset.done @!p0 $0x0  }
0x104: {  	[sflag:s0] =	ssyncadd.s32 @!p0 s1  }
0x105: {  	[bflag:$0x3] =	sbarrier.arrive $0xFFFF  }
0x106: {  	_ =	shalt  }

</sc_bundles>
